<compile_context>
chip_gen: v7x
topology: tpu7x:2x2x1
jax: 0.10.2.dev20260603
libtpu: 0.0.44.dev20260713+nightly
codegen_flags: <defaults>
</compile_context>

<pallas_src>
import jax
import jax.numpy as jnp
from jax import lax
from jax.experimental import pallas as pl
from jax.experimental.pallas import tpu as pltpu
from jax.experimental.pallas import tpu_sc as plsc

N = 5000
LANES = 16
NPAD = 5120
NCH = NPAD // LANES
NCLS = 80
HUMAN_IDX = 1
NMS_THRESH = 0.5
SCORE_THRESH = 0.2
KCAP = 15
TILES = 16
CPT = NCLS // TILES
NEGS = -3.0e38
DUMMY = 3.0e9
BIGI = 2**30


def _nms_body(bfh, sch, lbh, obh, osh, olh,
              vbf, vsc, vlb, rmidx, rmlab, midx, ms,
              kvs, kvi, gsc, gidx, heads_s, heads_i, ptrv, rb, rs, rl, lmax,
              sem1, sem2, sem3, ssc, sidx, smax):
    core = lax.axis_index("c")
    sub = lax.axis_index("s")
    lanes = lax.iota(jnp.int32, LANES)
    ones = lanes >= 0
    negs16 = jnp.full((LANES,), NEGS, jnp.float32)
    bigi16 = jnp.full((LANES,), BIGI, jnp.int32)

    @pl.when(core == 0)
    def _():
        cp1 = pltpu.async_copy(bfh, vbf, sem1)
        cp2 = pltpu.async_copy(sch, vsc.at[pl.ds(0, N)], sem2)
        cp3 = pltpu.async_copy(lbh, vlb.at[pl.ds(0, N)], sem3)
        cp2.wait()
        cp3.wait()
        negone = jnp.full((LANES,), -1.0, jnp.float32)
        negonei = jnp.full((LANES,), -1, jnp.int32)
        for k in range(8):
            plsc.store_compressed(vsc.at[pl.ds(N + 16 * k, LANES)], negone,
                                  mask=ones)
            plsc.store_compressed(vlb.at[pl.ds(N + 16 * k, LANES)], negonei,
                                  mask=ones)
        vsc[pl.ds(NPAD, LANES)] = negone
        vlb[pl.ds(NPAD, LANES)] = negonei

        lo = sub * CPT

        def rchunk(j, cnt):
            lab16 = vlb[pl.ds(j * LANES, LANES)]
            sc16 = vsc[pl.ds(j * LANES, LANES)]
            m = (lab16 >= lo) & (lab16 < lo + CPT) & (sc16 >= SCORE_THRESH)
            idx16 = j * LANES + lanes
            plsc.store_compressed(rmidx.at[pl.ds(cnt, LANES)], idx16, mask=m)
            plsc.store_compressed(rmlab.at[pl.ds(cnt, LANES)], lab16, mask=m)
            return cnt + plsc.all_reduce_population_count(m)[0]

        def rscan(j, cnt):
            cnt = rchunk(2 * j, cnt)
            return rchunk(2 * j + 1, cnt)

        rcnt = lax.fori_loop(0, NCH // 2, rscan, jnp.int32(0))
        plsc.store_compressed(rmlab.at[pl.ds(rcnt, LANES)],
                              jnp.full((LANES,), -1, jnp.int32), mask=ones)
        rch = (rcnt + (LANES - 1)) >> 4

        MXCH = (4 * N) // LANES
        MPT = MXCH // TILES

        def mx_body(j, acc):
            base = (sub * MPT + j) * LANES
            return jnp.maximum(acc, vbf[pl.ds(base, LANES)])

        cp1.wait()
        acc = lax.fori_loop(0, MPT, mx_body, negs16)

        @pl.when(sub == 0)
        def _():
            a2 = jnp.maximum(vbf[pl.ds(MPT * TILES * LANES, LANES)],
                             vbf[pl.ds(MPT * TILES * LANES + LANES, LANES)])
            kvs[pl.ds(0, LANES)] = jnp.maximum(acc, a2)

        @pl.when(sub != 0)
        def _():
            kvs[pl.ds(0, LANES)] = acc

        pltpu.sync_copy(kvs.at[pl.ds(0, LANES)],
                        smax.at[pl.ds(sub * LANES, LANES)])
        plsc.subcore_barrier()
        pltpu.sync_copy(smax, lmax)
        macc = negs16
        for j in range(TILES):
            macc = jnp.maximum(macc, lmax[pl.ds(j * LANES, LANES)])
        maxc = jnp.max(macc) + jnp.float32(1.0)

        for k in range(CPT):
            c = lo + k
            off = c.astype(jnp.float32) * maxc

            def scan_body(j, cnt):
                lab16 = rmlab[pl.ds(j * LANES, LANES)]
                m = lab16 == c
                plsc.store_compressed(midx.at[pl.ds(cnt, LANES)],
                                      rmidx[pl.ds(j * LANES, LANES)], mask=m)
                return cnt + plsc.all_reduce_population_count(m)[0]

            cnt = lax.fori_loop(0, rch, scan_body, jnp.int32(0))
            nchk0 = (cnt + (LANES - 1)) >> 4

            def ms_body(j, _):
                mi = midx[pl.ds(j * LANES, LANES)]
                ms[pl.ds(j * LANES, LANES)] = plsc.load_gather(vsc, [mi])
                return 0

            plsc.store_compressed(midx.at[pl.ds(cnt, LANES)],
                                  jnp.zeros((LANES,), jnp.int32), mask=ones)
            lax.fori_loop(0, nchk0, ms_body, 0)
            plsc.store_compressed(ms.at[pl.ds(cnt, LANES)], negs16, mask=ones)
            plsc.store_compressed(ms.at[pl.ds(cnt + LANES, LANES)], negs16,
                                  mask=ones)

            def cond(st):
                return (st[0] < cnt) & (st[1] < KCAP)

            def body(st):
                nproc, kcnt, kx1, ky1, kx2, ky2, kid, ksc = st
                nchk2 = (cnt + (2 * LANES - 1)) >> 5

                def am_body(j, s):
                    bv, bp = s
                    v = ms[pl.ds(2 * j * LANES, LANES)]
                    upd = v > bv
                    bv = jnp.where(upd, v, bv)
                    bp = jnp.where(upd, 2 * j, bp)
                    v = ms[pl.ds((2 * j + 1) * LANES, LANES)]
                    upd = v > bv
                    return jnp.where(upd, v, bv), jnp.where(upd, 2 * j + 1, bp)

                bv, bp = lax.fori_loop(0, nchk2, am_body,
                                       (negs16, jnp.zeros((LANES,), jnp.int32)))
                gmax = jnp.max(bv)
                posl = jnp.where(bv == gmax, bp * LANES + lanes, BIGI)
                pos = jnp.min(posl)
                posv = jnp.full((LANES,), pos, jnp.int32)
                plsc.store_scatter(ms, [posv], negs16, mask=lanes == 0)
                giv = plsc.load_gather(midx, [posv])
                g4 = giv * 4
                cx1 = plsc.load_gather(vbf, [g4]) + off
                cy1 = plsc.load_gather(vbf, [g4 + 1]) + off
                cx2 = plsc.load_gather(vbf, [g4 + 2]) + off
                cy2 = plsc.load_gather(vbf, [g4 + 3]) + off
                w = jnp.maximum(jnp.minimum(kx2, cx2) - jnp.maximum(kx1, cx1), 0.0)
                h = jnp.maximum(jnp.minimum(ky2, cy2) - jnp.maximum(ky1, cy1), 0.0)
                inter = w * h
                ka = (kx2 - kx1) * (ky2 - ky1)
                ca = (cx2 - cx1) * (cy2 - cy1)
                iou = inter / jnp.maximum(ka + ca - inter, jnp.float32(1e-9))
                sup = plsc.all_reduce_population_count(iou > NMS_THRESH)[0] > 0
                addm = jnp.logical_and(jnp.logical_not(sup), lanes == kcnt)
                kx1 = jnp.where(addm, cx1, kx1)
                ky1 = jnp.where(addm, cy1, ky1)
                kx2 = jnp.where(addm, cx2, kx2)
                ky2 = jnp.where(addm, cy2, ky2)
                kid = jnp.where(addm, giv, kid)
                ksc = jnp.where(addm, gmax, ksc)
                kcnt = kcnt + jnp.where(sup, 0, 1).astype(jnp.int32)
                return (nproc + 1, kcnt, kx1, ky1, kx2, ky2, kid, ksc)

            dummy16 = jnp.full((LANES,), DUMMY, jnp.float32)
            st = lax.while_loop(cond, body,
                                (jnp.int32(0), jnp.int32(0),
                                 dummy16, dummy16, dummy16, dummy16,
                                 bigi16, negs16))
            kvs[pl.ds(k * LANES, LANES)] = st[7]
            kvi[pl.ds(k * LANES, LANES)] = st[6]

        pltpu.sync_copy(kvs, ssc.at[pl.ds(lo * LANES, CPT * LANES)])
        pltpu.sync_copy(kvi, sidx.at[pl.ds(lo * LANES, CPT * LANES)])

        plsc.subcore_barrier()

        @pl.when(sub == 0)
        def _():
            pltpu.sync_copy(ssc, gsc)
            pltpu.sync_copy(sidx, gidx)
            hs = gsc[pl.ds(HUMAN_IDX * LANES, LANES)]
            hi = gidx[pl.ds(HUMAN_IDX * LANES, LANES)]
            gsc[pl.ds(HUMAN_IDX * LANES, LANES)] = negs16
            for j in range(NCLS // LANES):
                rowv = (j * LANES + lanes) * LANES
                heads_s[pl.ds(j * LANES, LANES)] = plsc.load_gather(gsc, [rowv])
                heads_i[pl.ds(j * LANES, LANES)] = plsc.load_gather(gidx, [rowv])
            one16 = jnp.full((LANES,), 1, jnp.int32)
            for j in range(NCLS // LANES):
                ptrv[pl.ds(j * LANES, LANES)] = one16

            def ext_body(t, s):
                osc, oidx = s

                bv, bi, bp = (negs16, bigi16, jnp.zeros((LANES,), jnp.int32))
                for j in range(NCLS // LANES):
                    v = heads_s[pl.ds(j * LANES, LANES)]
                    iv = heads_i[pl.ds(j * LANES, LANES)]
                    upd = (v > bv) | ((v == bv) & (iv < bi))
                    bv, bi, bp = (jnp.where(upd, v, bv),
                                  jnp.where(upd, iv, bi),
                                  jnp.where(upd, j, bp))
                gmax = jnp.max(bv)
                gidw = jnp.min(jnp.where(bv == gmax, bi, BIGI))
                cls = jnp.min(jnp.where((bv == gmax) & (bi == gidw),
                                        bp * LANES + lanes, BIGI))
                clsv = jnp.full((LANES,), cls, jnp.int32)
                p = plsc.load_gather(ptrv, [clsv])
                plsc.store_scatter(ptrv, [clsv], p + 1, mask=lanes == 0)
                psafe = jnp.minimum(p, LANES - 1)
                hv = plsc.load_gather(gsc, [clsv * LANES + psafe])
                hiv = plsc.load_gather(gidx, [clsv * LANES + psafe])
                hv = jnp.where(p >= LANES, negs16, hv)
                plsc.store_scatter(heads_s, [clsv], hv, mask=lanes == 0)
                plsc.store_scatter(heads_i, [clsv], hiv, mask=lanes == 0)
                valid = gmax > jnp.float32(-1.0e37)
                osc = jnp.where((lanes == t) & valid, gmax, osc)
                oidx = jnp.where((lanes == t) & valid, gidw, oidx)
                return (osc, oidx)

            osc, oidx = lax.fori_loop(0, KCAP, ext_body, (negs16, bigi16))

            heads_s[pl.ds(0, LANES)] = hs
            heads_i[pl.ds(0, LANES)] = hi
            heads_s[pl.ds(LANES, LANES)] = osc
            heads_i[pl.ds(LANES, LANES)] = oidx

            zf16 = jnp.zeros((LANES,), jnp.float32)
            for j in range(8):
                rb[pl.ds(j * LANES, LANES)] = zf16
            rs[pl.ds(0, LANES)] = zf16
            rs[pl.ds(LANES, LANES)] = zf16
            neg1 = jnp.full((LANES,), -1, jnp.int32)
            rl[pl.ds(0, LANES)] = neg1
            rl[pl.ds(LANES, LANES)] = neg1

            def mg_body(t, s):
                hp, op = s
                hpv = jnp.full((LANES,), hp, jnp.int32)
                opv = jnp.full((LANES,), op + LANES, jnp.int32)
                hv = plsc.load_gather(heads_s, [hpv])
                hiv = plsc.load_gather(heads_i, [hpv])
                ov = plsc.load_gather(heads_s, [opv])
                oiv = plsc.load_gather(heads_i, [opv])
                hvs = hv[0]
                ovs = ov[0]
                his = hiv[0]
                ois = oiv[0]
                takeh = (hvs > ovs) | ((hvs == ovs) & (his < ois))
                cs = jnp.where(takeh, hv, ov)
                ci = jnp.where(takeh, hiv, oiv)
                valid = cs[0] > jnp.float32(-1.0e37)
                cis = jnp.where(valid, ci, jnp.zeros((LANES,), jnp.int32))
                ci4 = cis * 4
                m0 = (lanes == 0) & valid
                tv = jnp.full((LANES,), t, jnp.int32)
                bx1 = plsc.load_gather(vbf, [ci4])
                by1 = plsc.load_gather(vbf, [ci4 + 1])
                bx2 = plsc.load_gather(vbf, [ci4 + 2])
                by2 = plsc.load_gather(vbf, [ci4 + 3])
                lbv = plsc.load_gather(vlb, [cis])
                plsc.store_scatter(rb, [tv * 4], bx1, mask=m0)
                plsc.store_scatter(rb, [tv * 4 + 1], by1, mask=m0)
                plsc.store_scatter(rb, [tv * 4 + 2], bx2, mask=m0)
                plsc.store_scatter(rb, [tv * 4 + 3], by2, mask=m0)
                plsc.store_scatter(rs, [tv], cs, mask=m0)
                plsc.store_scatter(rl, [tv], lbv, mask=m0)
                adv = valid.astype(jnp.int32)
                hp = hp + jnp.where(takeh, adv, 0)
                op = op + jnp.where(takeh, 0, adv)
                return (hp, op)

            lax.fori_loop(0, 2 * KCAP, mg_body, (jnp.int32(0), jnp.int32(0)))

            pltpu.sync_copy(rb, obh)
            pltpu.sync_copy(rs, osh)
            pltpu.sync_copy(rl, olh)


_mesh = plsc.VectorSubcoreMesh(core_axis_name="c", subcore_axis_name="s",
                               num_cores=2, num_subcores=16)

_OUT_TYPE = [
    jax.ShapeDtypeStruct((128,), jnp.float32),
    jax.ShapeDtypeStruct((32,), jnp.float32),
    jax.ShapeDtypeStruct((32,), jnp.int32),
]

_SCRATCH_TYPES = [
    pltpu.VMEM((4 * N,), jnp.float32),
    pltpu.VMEM((NPAD + LANES,), jnp.float32),
    pltpu.VMEM((NPAD + LANES,), jnp.int32),
    pltpu.VMEM((NPAD + LANES,), jnp.int32),
    pltpu.VMEM((NPAD + LANES,), jnp.int32),
    pltpu.VMEM((NPAD + LANES,), jnp.int32),
    pltpu.VMEM((NPAD + 2 * LANES,), jnp.float32),
    pltpu.VMEM((CPT * LANES,), jnp.float32),
    pltpu.VMEM((CPT * LANES,), jnp.int32),
    pltpu.VMEM((NCLS * LANES,), jnp.float32),
    pltpu.VMEM((NCLS * LANES,), jnp.int32),
    pltpu.VMEM((NCLS,), jnp.float32),
    pltpu.VMEM((NCLS,), jnp.int32),
    pltpu.VMEM((NCLS,), jnp.int32),
    pltpu.VMEM((128,), jnp.float32),
    pltpu.VMEM((32,), jnp.float32),
    pltpu.VMEM((32,), jnp.int32),
    pltpu.VMEM((TILES * LANES,), jnp.float32),
    pltpu.SemaphoreType.DMA,
    pltpu.SemaphoreType.DMA,
    pltpu.SemaphoreType.DMA,
    pltpu.VMEM_SHARED((NCLS * LANES,), jnp.float32),
    pltpu.VMEM_SHARED((NCLS * LANES,), jnp.int32),
    pltpu.VMEM_SHARED((TILES * LANES,), jnp.float32),
]

_sc_call = pl.kernel(
    _nms_body,
    out_type=_OUT_TYPE,
    mesh=_mesh,
    compiler_params=pltpu.CompilerParams(needs_layout_passes=False),
    scratch_types=_SCRATCH_TYPES,
)


@jax.jit
def kernel(boxes, scores, labels):
    obf, osf, olf = _sc_call(boxes.reshape(-1), scores, labels)
    return obf[:120].reshape(30, 4), osf[:30], olf[:30]

# --- scband reference (transcript-rebuilt; emitter-appended) ---
"""Pipeline reference for scband-interaction-head-17806934409941 (READ-ONLY COPY).

The authoritative reference and input builder live on the scoring server;
editing this copy changes nothing except your own understanding.
"""

import jax, jax.numpy as jnp
import numpy as np

N = 5000
HUMAN_IDX = 1
NUM_CLASSES = 80
NMS_THRESH = 0.5
SCORE_THRESH = 0.2
MAX_HUMAN = 15
MAX_OBJECT = 15
MAX_KEEP = MAX_HUMAN + MAX_OBJECT
NEG = -1e9


def setup_inputs(seed: int = 0):
    key = jax.random.key(seed)
    k1, k2, k3, k4 = jax.random.split(key, 4)
    xy = jax.random.uniform(k1, (N, 2), dtype=jnp.float32) * 800.0
    wh = jax.random.uniform(k2, (N, 2), dtype=jnp.float32) * 200.0 + 1.0
    boxes = jnp.concatenate([xy, xy + wh], axis=1)
    scores = jax.random.uniform(k3, (N,), dtype=jnp.float32)
    labels = jax.random.randint(k4, (N,), 0, NUM_CLASSES).astype(jnp.int32)
    return {"boxes": boxes, "scores": scores, "labels": labels}


def _pairwise_iou(b):
    area = (b[:, 2] - b[:, 0]) * (b[:, 3] - b[:, 1])
    lt = jnp.maximum(b[:, None, :2], b[None, :, :2])
    rb = jnp.minimum(b[:, None, 2:], b[None, :, 2:])
    wh = jnp.clip(rb - lt, 0.0)
    inter = wh[..., 0] * wh[..., 1]
    union = area[:, None] + area[None, :] - inter
    return inter / jnp.maximum(union, 1e-9)


def _select(boxes, scores, labels):
    # score-threshold filter (as a mask, fixed shapes)
    valid = scores >= SCORE_THRESH
    eff = jnp.where(valid, scores, -jnp.inf)
    order = jnp.argsort(-eff)
    b = boxes[order]
    s = scores[order]
    l = labels[order]
    v = valid[order]
    # class-aware (batched) NMS via per-class coordinate offsets
    max_c = jnp.max(boxes) + 1.0
    ob = b + (l.astype(b.dtype) * max_c)[:, None]
    iou = _pairwise_iou(ob)
    ar = jnp.arange(N)
    def body(i, keep):
        suppress = (iou[i] > NMS_THRESH) & (ar > i) & keep[i]
        return keep & (~suppress)
    keep = jax.lax.fori_loop(0, N, body, v)
    # split humans / objects, cap each at max count (boxes are score-sorted)
    h_mask = keep & (l == HUMAN_IDX)
    o_mask = keep & (l != HUMAN_IDX)
    h_sel = h_mask & (jnp.cumsum(h_mask.astype(jnp.int32)) <= MAX_HUMAN)
    o_sel = o_mask & (jnp.cumsum(o_mask.astype(jnp.int32)) <= MAX_OBJECT)
    final = h_sel | o_sel
    sel_key = jnp.where(final, s, NEG)
    vals, idx = jax.lax.top_k(sel_key, MAX_KEEP)
    pad = vals > NEG / 2
    return order, idx, pad


def reference(boxes, scores, labels):
    order, idx, pad = _select(boxes, scores, labels)
    out_boxes = boxes[order][idx] * pad[:, None].astype(boxes.dtype)
    out_scores = scores[order][idx] * pad.astype(scores.dtype)
    out_labels = jnp.where(pad, labels[order][idx], -1)
    return (out_boxes, out_scores, out_labels)

if __name__ == "__main__":
    import jax
    _d = setup_inputs()
    print(jax.jit(kernel)(*tuple(_d.values())))

</pallas_src>

<mosaic_0001>
#map = affine_map<(d0, d1) -> (0)>
module attributes {stable_mosaic.version = 14 : i64} {
  func.func @_nms_body(%arg0: i32, %arg1: i32, %arg2: memref<20000xf32, #tpu.memory_space<hbm>>, %arg3: memref<5000xf32, #tpu.memory_space<hbm>>, %arg4: memref<5000xi32, #tpu.memory_space<hbm>>, %arg5: memref<128xf32, #tpu.memory_space<hbm>>, %arg6: memref<32xf32, #tpu.memory_space<hbm>>, %arg7: memref<32xi32, #tpu.memory_space<hbm>>, %arg8: memref<20000xf32, #tpu.memory_space<vmem>>, %arg9: memref<5136xf32, #tpu.memory_space<vmem>>, %arg10: memref<5136xi32, #tpu.memory_space<vmem>>, %arg11: memref<5136xi32, #tpu.memory_space<vmem>>, %arg12: memref<5136xi32, #tpu.memory_space<vmem>>, %arg13: memref<5136xi32, #tpu.memory_space<vmem>>, %arg14: memref<5152xf32, #tpu.memory_space<vmem>>, %arg15: memref<80xf32, #tpu.memory_space<vmem>>, %arg16: memref<80xi32, #tpu.memory_space<vmem>>, %arg17: memref<1280xf32, #tpu.memory_space<vmem>>, %arg18: memref<1280xi32, #tpu.memory_space<vmem>>, %arg19: memref<80xf32, #tpu.memory_space<vmem>>, %arg20: memref<80xi32, #tpu.memory_space<vmem>>, %arg21: memref<80xi32, #tpu.memory_space<vmem>>, %arg22: memref<128xf32, #tpu.memory_space<vmem>>, %arg23: memref<32xf32, #tpu.memory_space<vmem>>, %arg24: memref<32xi32, #tpu.memory_space<vmem>>, %arg25: memref<256xf32, #tpu.memory_space<vmem>>, %arg26: memref<!tpu.dma_semaphore, #tpu.memory_space<semaphore_mem>>, %arg27: memref<!tpu.dma_semaphore, #tpu.memory_space<semaphore_mem>>, %arg28: memref<!tpu.dma_semaphore, #tpu.memory_space<semaphore_mem>>, %arg29: memref<1280xf32, #tpu.memory_space<vmem_shared>>, %arg30: memref<1280xi32, #tpu.memory_space<vmem_shared>>, %arg31: memref<256xf32, #tpu.memory_space<vmem_shared>>) attributes {dimension_semantics = [#tpu.dimension_semantics<core_parallel>, #tpu.dimension_semantics<subcore_parallel>], iteration_bounds = array<i64: 2, 16>, scalar_prefetch = 0 : i64, scratch_operands = 24 : i64, tpu.core_type = #tpu.core_type<sc_vector_subcore>, window_params = [{transform_indices = #map}, {transform_indices = #map}, {transform_indices = #map}, {transform_indices = #map}, {transform_indices = #map}, {transform_indices = #map}]} {
    %iota3A = tpu.iota {dimensions = array<i32: 0>} : vector<16xi32>
    %ge3A = arith.constant 0 : i32
    %ge3A_0 = vector.broadcast %ge3A : i32 to vector<16xi32>
    %ge3A_1 = arith.cmpi sge, %iota3A, %ge3A_0 : vector<16xi32>
    %broadcast_in_dim3A = arith.constant -3.000000e+38 : f32
    %broadcast_in_dim3A_2 = vector.broadcast %broadcast_in_dim3A : f32 to vector<16xf32>
    %broadcast_in_dim3A_3 = arith.constant 1073741824 : i32
    %broadcast_in_dim3A_4 = vector.broadcast %broadcast_in_dim3A_3 : i32 to vector<16xi32>
    %eq3A = arith.constant 0 : i32
    %eq3A_5 = arith.cmpi eq, %arg0, %eq3A : i32
    %convert_element_type3A = arith.extui %eq3A_5 : i1 to i32
    %cond3A = arith.constant 0 : i32
    %cond3A_6 = arith.cmpi ne, %convert_element_type3A, %cond3A : i32
    scf.if %cond3A_6 {
      tpu.enqueue_dma source(%arg2 : memref<20000xf32, #tpu.memory_space<hbm>>) target(%arg8 : memref<20000xf32, #tpu.memory_space<vmem>>) target_semaphore(%arg26 : memref<!tpu.dma_semaphore, #tpu.memory_space<semaphore_mem>>)
      %dma_start3A = arith.constant 0 : i32
      %dma_start3A_7 = tpu.memref_slice %arg9[%dma_start3A] : memref<5136xf32, #tpu.memory_space<vmem>> -> memref<5000xf32, #tpu.memory_space<vmem>>
      %dma_start3A_8 = arith.constant 0 : i32
      %dma_start3A_9 = tpu.memref_slice %arg9[%dma_start3A_8] : memref<5136xf32, #tpu.memory_space<vmem>> -> memref<5000xf32, #tpu.memory_space<vmem>>
      tpu.enqueue_dma source(%arg3 : memref<5000xf32, #tpu.memory_space<hbm>>) target(%dma_start3A_9 : memref<5000xf32, #tpu.memory_space<vmem>>) target_semaphore(%arg27 : memref<!tpu.dma_semaphore, #tpu.memory_space<semaphore_mem>>)
      %dma_start3A_10 = arith.constant 0 : i32
      %dma_start3A_11 = tpu.memref_slice %arg10[%dma_start3A_10] : memref<5136xi32, #tpu.memory_space<vmem>> -> memref<5000xi32, #tpu.memory_space<vmem>>
      %dma_start3A_12 = arith.constant 0 : i32
      %dma_start3A_13 = tpu.memref_slice %arg10[%dma_start3A_12] : memref<5136xi32, #tpu.memory_space<vmem>> -> memref<5000xi32, #tpu.memory_space<vmem>>
      tpu.enqueue_dma source(%arg4 : memref<5000xi32, #tpu.memory_space<hbm>>) target(%dma_start3A_13 : memref<5000xi32, #tpu.memory_space<vmem>>) target_semaphore(%arg28 : memref<!tpu.dma_semaphore, #tpu.memory_space<semaphore_mem>>)
      %dma_wait3A = arith.constant 0 : i32
      %dma_wait3A_14 = tpu.memref_slice %arg9[%dma_wait3A] : memref<5136xf32, #tpu.memory_space<vmem>> -> memref<5000xf32, #tpu.memory_space<vmem>>
      %dma_wait3A_15 = arith.constant 0 : i32
      %dma_wait3A_16 = tpu.memref_slice %arg9[%dma_wait3A_15] : memref<5136xf32, #tpu.memory_space<vmem>> -> memref<5000xf32, #tpu.memory_space<vmem>>
      tpu.wait_dma2 semaphore(%arg27 : memref<!tpu.dma_semaphore, #tpu.memory_space<semaphore_mem>>) src(%arg3 : memref<5000xf32, #tpu.memory_space<hbm>>) dst(%dma_wait3A_16 : memref<5000xf32, #tpu.memory_space<vmem>>)
      %dma_wait3A_17 = arith.constant 0 : i32
      %dma_wait3A_18 = tpu.memref_slice %arg10[%dma_wait3A_17] : memref<5136xi32, #tpu.memory_space<vmem>> -> memref<5000xi32, #tpu.memory_space<vmem>>
      %dma_wait3A_19 = arith.constant 0 : i32
      %dma_wait3A_20 = tpu.memref_slice %arg10[%dma_wait3A_19] : memref<5136xi32, #tpu.memory_space<vmem>> -> memref<5000xi32, #tpu.memory_space<vmem>>
      tpu.wait_dma2 semaphore(%arg28 : memref<!tpu.dma_semaphore, #tpu.memory_space<semaphore_mem>>) src(%arg4 : memref<5000xi32, #tpu.memory_space<hbm>>) dst(%dma_wait3A_20 : memref<5000xi32, #tpu.memory_space<vmem>>)
      %broadcast_in_dim3A_21 = arith.constant -1.000000e+00 : f32
      %broadcast_in_dim3A_22 = vector.broadcast %broadcast_in_dim3A_21 : f32 to vector<16xf32>
      %broadcast_in_dim3A_23 = arith.constant -1 : i32
      %broadcast_in_dim3A_24 = vector.broadcast %broadcast_in_dim3A_23 : i32 to vector<16xi32>
      %swap3A = arith.constant 5000 : index
      %swap3A_25 = tpu.vector_load %arg9[%swap3A] masked %ge3A_1 {strides = array<i32>} : memref<5136xf32, #tpu.memory_space<vmem>>, vector<16xf32>, vector<16xi1>
      tpu.vector_store %arg9[%swap3A], %broadcast_in_dim3A_22 masked %ge3A_1 {strides = array<i32>} : memref<5136xf32, #tpu.memory_space<vmem>>, vector<16xf32>, vector<16xi1>
      %swap3A_26 = arith.constant 5000 : index
      %swap3A_27 = tpu.vector_load %arg10[%swap3A_26] masked %ge3A_1 {strides = array<i32>} : memref<5136xi32, #tpu.memory_space<vmem>>, vector<16xi32>, vector<16xi1>
      tpu.vector_store %arg10[%swap3A_26], %broadcast_in_dim3A_24 masked %ge3A_1 {strides = array<i32>} : memref<5136xi32, #tpu.memory_space<vmem>>, vector<16xi32>, vector<16xi1>
      %swap3A_28 = arith.constant 5016 : index
      %swap3A_29 = tpu.vector_load %arg9[%swap3A_28] masked %ge3A_1 {strides = array<i32>} : memref<5136xf32, #tpu.memory_space<vmem>>, vector<16xf32>, vector<16xi1>
      tpu.vector_store %arg9[%swap3A_28], %broadcast_in_dim3A_22 masked %ge3A_1 {strides = array<i32>} : memref<5136xf32, #tpu.memory_space<vmem>>, vector<16xf32>, vector<16xi1>
      %swap3A_30 = arith.constant 5016 : index
      %swap3A_31 = tpu.vector_load %arg10[%swap3A_30] masked %ge3A_1 {strides = array<i32>} : memref<5136xi32, #tpu.memory_space<vmem>>, vector<16xi32>, vector<16xi1>
      tpu.vector_store %arg10[%swap3A_30], %broadcast_in_dim3A_24 masked %ge3A_1 {strides = array<i32>} : memref<5136xi32, #tpu.memory_space<vmem>>, vector<16xi32>, vector<16xi1>
      %swap3A_32 = arith.constant 5032 : index
      %swap3A_33 = tpu.vector_load %arg9[%swap3A_32] masked %ge3A_1 {strides = array<i32>} : memref<5136xf32, #tpu.memory_space<vmem>>, vector<16xf32>, vector<16xi1>
      tpu.vector_store %arg9[%swap3A_32], %broadcast_in_dim3A_22 masked %ge3A_1 {strides = array<i32>} : memref<5136xf32, #tpu.memory_space<vmem>>, vector<16xf32>, vector<16xi1>
      %swap3A_34 = arith.constant 5032 : index
      %swap3A_35 = tpu.vector_load %arg10[%swap3A_34] masked %ge3A_1 {strides = array<i32>} : memref<5136xi32, #tpu.memory_space<vmem>>, vector<16xi32>, vector<16xi1>
      tpu.vector_store %arg10[%swap3A_34], %broadcast_in_dim3A_24 masked %ge3A_1 {strides = array<i32>} : memref<5136xi32, #tpu.memory_space<vmem>>, vector<16xi32>, vector<16xi1>
      %swap3A_36 = arith.constant 5048 : index
      %swap3A_37 = tpu.vector_load %arg9[%swap3A_36] masked %ge3A_1 {strides = array<i32>} : memref<5136xf32, #tpu.memory_space<vmem>>, vector<16xf32>, vector<16xi1>
      tpu.vector_store %arg9[%swap3A_36], %broadcast_in_dim3A_22 masked %ge3A_1 {strides = array<i32>} : memref<5136xf32, #tpu.memory_space<vmem>>, vector<16xf32>, vector<16xi1>
      %swap3A_38 = arith.constant 5048 : index
      %swap3A_39 = tpu.vector_load %arg10[%swap3A_38] masked %ge3A_1 {strides = array<i32>} : memref<5136xi32, #tpu.memory_space<vmem>>, vector<16xi32>, vector<16xi1>
      tpu.vector_store %arg10[%swap3A_38], %broadcast_in_dim3A_24 masked %ge3A_1 {strides = array<i32>} : memref<5136xi32, #tpu.memory_space<vmem>>, vector<16xi32>, vector<16xi1>
      %swap3A_40 = arith.constant 5064 : index
      %swap3A_41 = tpu.vector_load %arg9[%swap3A_40] masked %ge3A_1 {strides = array<i32>} : memref<5136xf32, #tpu.memory_space<vmem>>, vector<16xf32>, vector<16xi1>
      tpu.vector_store %arg9[%swap3A_40], %broadcast_in_dim3A_22 masked %ge3A_1 {strides = array<i32>} : memref<5136xf32, #tpu.memory_space<vmem>>, vector<16xf32>, vector<16xi1>
      %swap3A_42 = arith.constant 5064 : index
      %swap3A_43 = tpu.vector_load %arg10[%swap3A_42] masked %ge3A_1 {strides = array<i32>} : memref<5136xi32, #tpu.memory_space<vmem>>, vector<16xi32>, vector<16xi1>
      tpu.vector_store %arg10[%swap3A_42], %broadcast_in_dim3A_24 masked %ge3A_1 {strides = array<i32>} : memref<5136xi32, #tpu.memory_space<vmem>>, vector<16xi32>, vector<16xi1>
      %swap3A_44 = arith.constant 5080 : index
      %swap3A_45 = tpu.vector_load %arg9[%swap3A_44] masked %ge3A_1 {strides = array<i32>} : memref<5136xf32, #tpu.memory_space<vmem>>, vector<16xf32>, vector<16xi1>
      tpu.vector_store %arg9[%swap3A_44], %broadcast_in_dim3A_22 masked %ge3A_1 {strides = array<i32>} : memref<5136xf32, #tpu.memory_space<vmem>>, vector<16xf32>, vector<16xi1>
      %swap3A_46 = arith.constant 5080 : index
      %swap3A_47 = tpu.vector_load %arg10[%swap3A_46] masked %ge3A_1 {strides = array<i32>} : memref<5136xi32, #tpu.memory_space<vmem>>, vector<16xi32>, vector<16xi1>
      tpu.vector_store %arg10[%swap3A_46], %broadcast_in_dim3A_24 masked %ge3A_1 {strides = array<i32>} : memref<5136xi32, #tpu.memory_space<vmem>>, vector<16xi32>, vector<16xi1>
      %swap3A_48 = arith.constant 5096 : index
      %swap3A_49 = tpu.vector_load %arg9[%swap3A_48] masked %ge3A_1 {strides = array<i32>} : memref<5136xf32, #tpu.memory_space<vmem>>, vector<16xf32>, vector<16xi1>
      tpu.vector_store %arg9[%swap3A_48], %broadcast_in_dim3A_22 masked %ge3A_1 {strides = array<i32>} : memref<5136xf32, #tpu.memory_space<vmem>>, vector<16xf32>, vector<16xi1>
      %swap3A_50 = arith.constant 5096 : index
      %swap3A_51 = tpu.vector_load %arg10[%swap3A_50] masked %ge3A_1 {strides = array<i32>} : memref<5136xi32, #tpu.memory_space<vmem>>, vector<16xi32>, vector<16xi1>
      tpu.vector_store %arg10[%swap3A_50], %broadcast_in_dim3A_24 masked %ge3A_1 {strides = array<i32>} : memref<5136xi32, #tpu.memory_space<vmem>>, vector<16xi32>, vector<16xi1>
      %swap3A_52 = arith.constant 5112 : index
      %swap3A_53 = tpu.vector_load %arg9[%swap3A_52] masked %ge3A_1 {strides = array<i32>} : memref<5136xf32, #tpu.memory_space<vmem>>, vector<16xf32>, vector<16xi1>
      tpu.vector_store %arg9[%swap3A_52], %broadcast_in_dim3A_22 masked %ge3A_1 {strides = array<i32>} : memref<5136xf32, #tpu.memory_space<vmem>>, vector<16xf32>, vector<16xi1>
      %swap3A_54 = arith.constant 5112 : index
      %swap3A_55 = tpu.vector_load %arg10[%swap3A_54] masked %ge3A_1 {strides = array<i32>} : memref<5136xi32, #tpu.memory_space<vmem>>, vector<16xi32>, vector<16xi1>
      tpu.vector_store %arg10[%swap3A_54], %broadcast_in_dim3A_24 masked %ge3A_1 {strides = array<i32>} : memref<5136xi32, #tpu.memory_space<vmem>>, vector<16xi32>, vector<16xi1>
      %swap3A_56 = arith.constant 5120 : index
      %swap3A_57 = tpu.vector_load %arg9[%swap3A_56] {strides = array<i32>} : memref<5136xf32, #tpu.memory_space<vmem>>, vector<16xf32>,
      tpu.vector_store %arg9[%swap3A_56], %broadcast_in_dim3A_22 {strides = array<i32>} : memref<5136xf32, #tpu.memory_space<vmem>>, vector<16xf32>,
      %swap3A_58 = arith.constant 5120 : index
      %swap3A_59 = tpu.vector_load %arg10[%swap3A_58] {strides = array<i32>} : memref<5136xi32, #tpu.memory_space<vmem>>, vector<16xi32>,
      tpu.vector_store %arg10[%swap3A_58], %broadcast_in_dim3A_24 {strides = array<i32>} : memref<5136xi32, #tpu.memory_space<vmem>>, vector<16xi32>,
      %mul3A = arith.constant 5 : i32
      %mul3A_60 = arith.muli %arg1, %mul3A : i32
      %scan3A = arith.constant 0 : i32
      %scan3A_61 = arith.constant 0 : i32
      %scan3A_62 = arith.constant 160 : i32
      %scan3A_63 = arith.addi %scan3A_61, %scan3A_62 : i32
      %scan3A_64 = arith.constant 1 : i32
      %scan3A_65 = scf.for %scan3A_405 = %scan3A_61 to %scan3A_63 step %scan3A_64 iter_args(%scan3A_406 = %scan3A) -> (i32)  : i32 {
        %mul3A_407 = arith.constant 2 : i32
        %mul3A_408 = arith.muli %mul3A_407, %scan3A_405 : i32
        %mul3A_409 = arith.constant 16 : i32
        %mul3A_410 = arith.muli %mul3A_408, %mul3A_409 : i32
        %get3A_411 = arith.index_cast %mul3A_410 : i32 to index
        %get3A_412 = tpu.vector_load %arg10[%get3A_411] {strides = array<i32>} : memref<5136xi32, #tpu.memory_space<vmem>>, vector<16xi32>,
        %mul3A_413 = arith.constant 16 : i32
        %mul3A_414 = arith.muli %mul3A_408, %mul3A_413 : i32
        %get3A_415 = arith.index_cast %mul3A_414 : i32 to index
        %get3A_416 = tpu.vector_load %arg9[%get3A_415] {strides = array<i32>} : memref<5136xf32, #tpu.memory_space<vmem>>, vector<16xf32>,
        %ge3A_417 = vector.broadcast %mul3A_60 : i32 to vector<16xi32>
        %ge3A_418 = arith.cmpi sge, %get3A_412, %ge3A_417 : vector<16xi32>
        %add3A_419 = arith.constant 5 : i32
        %add3A_420 = arith.addi %mul3A_60, %add3A_419 : i32
        %lt3A = vector.broadcast %add3A_420 : i32 to vector<16xi32>
        %lt3A_421 = arith.cmpi slt, %get3A_412, %lt3A : vector<16xi32>
        %and3A = arith.andi %ge3A_418, %lt3A_421 : vector<16xi1>
        %ge3A_422 = arith.constant 2.000000e-01 : f32
        %ge3A_423 = vector.broadcast %ge3A_422 : f32 to vector<16xf32>
        %ge3A_424 = arith.cmpf oge, %get3A_416, %ge3A_423 : vector<16xf32>
        %and3A_425 = arith.andi %and3A, %ge3A_424 : vector<16xi1>
        %mul3A_426 = arith.constant 16 : i32
        %mul3A_427 = arith.muli %mul3A_408, %mul3A_426 : i32
        %add3A_428 = vector.broadcast %mul3A_427 : i32 to vector<16xi32>
        %add3A_429 = arith.addi %add3A_428, %iota3A : vector<16xi32>
        %swap3A_430 = arith.index_cast %scan3A_406 : i32 to index
        %swap3A_431 = tpu.vector_load %arg11[%swap3A_430] masked %and3A_425 {strides = array<i32>} : memref<5136xi32, #tpu.memory_space<vmem>>, vector<16xi32>, vector<16xi1>
        tpu.vector_store %arg11[%swap3A_430], %add3A_429 masked %and3A_425 {strides = array<i32>} : memref<5136xi32, #tpu.memory_space<vmem>>, vector<16xi32>, vector<16xi1>
        %swap3A_432 = arith.index_cast %scan3A_406 : i32 to index
        %swap3A_433 = tpu.vector_load %arg12[%swap3A_432] masked %and3A_425 {strides = array<i32>} : memref<5136xi32, #tpu.memory_space<vmem>>, vector<16xi32>, vector<16xi1>
        tpu.vector_store %arg12[%swap3A_432], %get3A_412 masked %and3A_425 {strides = array<i32>} : memref<5136xi32, #tpu.memory_space<vmem>>, vector<16xi32>, vector<16xi1>
        %all_reduce_population_count3A = tpu.all_reduce %and3A_425 {dim = 0 : i64, kind = #tpu.reduction_kind<sum>} : vector<16xi1> -> vector<16xi32>
        %slice3A = vector.extract_strided_slice %all_reduce_population_count3A {offsets = [0], sizes = [1], strides = [1]} : vector<16xi32> to vector<1xi32>
        %squeeze3A = vector.extract %slice3A[0] : i32 from vector<1xi32>
        %add3A_434 = arith.addi %scan3A_406, %squeeze3A : i32
        %mul3A_435 = arith.constant 2 : i32
        %mul3A_436 = arith.muli %mul3A_435, %scan3A_405 : i32
        %add3A_437 = arith.constant 1 : i32
        %add3A_438 = arith.addi %mul3A_436, %add3A_437 : i32
        %mul3A_439 = arith.constant 16 : i32
        %mul3A_440 = arith.muli %add3A_438, %mul3A_439 : i32
        %get3A_441 = arith.index_cast %mul3A_440 : i32 to index
        %get3A_442 = tpu.vector_load %arg10[%get3A_441] {strides = array<i32>} : memref<5136xi32, #tpu.memory_space<vmem>>, vector<16xi32>,
        %mul3A_443 = arith.constant 16 : i32
        %mul3A_444 = arith.muli %add3A_438, %mul3A_443 : i32
        %get3A_445 = arith.index_cast %mul3A_444 : i32 to index
        %get3A_446 = tpu.vector_load %arg9[%get3A_445] {strides = array<i32>} : memref<5136xf32, #tpu.memory_space<vmem>>, vector<16xf32>,
        %ge3A_447 = vector.broadcast %mul3A_60 : i32 to vector<16xi32>
        %ge3A_448 = arith.cmpi sge, %get3A_442, %ge3A_447 : vector<16xi32>
        %add3A_449 = arith.constant 5 : i32
        %add3A_450 = arith.addi %mul3A_60, %add3A_449 : i32
        %lt3A_451 = vector.broadcast %add3A_450 : i32 to vector<16xi32>
        %lt3A_452 = arith.cmpi slt, %get3A_442, %lt3A_451 : vector<16xi32>
        %and3A_453 = arith.andi %ge3A_448, %lt3A_452 : vector<16xi1>
        %ge3A_454 = arith.constant 2.000000e-01 : f32
        %ge3A_455 = vector.broadcast %ge3A_454 : f32 to vector<16xf32>
        %ge3A_456 = arith.cmpf oge, %get3A_446, %ge3A_455 : vector<16xf32>
        %and3A_457 = arith.andi %and3A_453, %ge3A_456 : vector<16xi1>
        %mul3A_458 = arith.constant 16 : i32
        %mul3A_459 = arith.muli %add3A_438, %mul3A_458 : i32
        %add3A_460 = vector.broadcast %mul3A_459 : i32 to vector<16xi32>
        %add3A_461 = arith.addi %add3A_460, %iota3A : vector<16xi32>
        %swap3A_462 = arith.index_cast %add3A_434 : i32 to index
        %swap3A_463 = tpu.vector_load %arg11[%swap3A_462] masked %and3A_457 {strides = array<i32>} : memref<5136xi32, #tpu.memory_space<vmem>>, vector<16xi32>, vector<16xi1>
        tpu.vector_store %arg11[%swap3A_462], %add3A_461 masked %and3A_457 {strides = array<i32>} : memref<5136xi32, #tpu.memory_space<vmem>>, vector<16xi32>, vector<16xi1>
        %swap3A_464 = arith.index_cast %add3A_434 : i32 to index
        %swap3A_465 = tpu.vector_load %arg12[%swap3A_464] masked %and3A_457 {strides = array<i32>} : memref<5136xi32, #tpu.memory_space<vmem>>, vector<16xi32>, vector<16xi1>
        tpu.vector_store %arg12[%swap3A_464], %get3A_442 masked %and3A_457 {strides = array<i32>} : memref<5136xi32, #tpu.memory_space<vmem>>, vector<16xi32>, vector<16xi1>
        %all_reduce_population_count3A_466 = tpu.all_reduce %and3A_457 {dim = 0 : i64, kind = #tpu.reduction_kind<sum>} : vector<16xi1> -> vector<16xi32>
        %slice3A_467 = vector.extract_strided_slice %all_reduce_population_count3A_466 {offsets = [0], sizes = [1], strides = [1]} : vector<16xi32> to vector<1xi32>
        %squeeze3A_468 = vector.extract %slice3A_467[0] : i32 from vector<1xi32>
        %add3A_469 = arith.addi %add3A_434, %squeeze3A_468 : i32
        scf.yield %add3A_469 : i32
      }
      %scan3A_66 = arith.constant 160 : i32
      %broadcast_in_dim3A_67 = arith.constant -1 : i32
      %broadcast_in_dim3A_68 = vector.broadcast %broadcast_in_dim3A_67 : i32 to vector<16xi32>
      %swap3A_69 = arith.index_cast %scan3A_65 : i32 to index
      %swap3A_70 = tpu.vector_load %arg12[%swap3A_69] masked %ge3A_1 {strides = array<i32>} : memref<5136xi32, #tpu.memory_space<vmem>>, vector<16xi32>, vector<16xi1>
      tpu.vector_store %arg12[%swap3A_69], %broadcast_in_dim3A_68 masked %ge3A_1 {strides = array<i32>} : memref<5136xi32, #tpu.memory_space<vmem>>, vector<16xi32>, vector<16xi1>
      %add3A = arith.constant 15 : i32
      %add3A_71 = arith.addi %scan3A_65, %add3A : i32
      %shift_right_arithmetic3A = arith.constant 4 : i32
      %shift_right_arithmetic3A_72 = arith.shrsi %add3A_71, %shift_right_arithmetic3A : i32
      tpu.wait_dma2 semaphore(%arg26 : memref<!tpu.dma_semaphore, #tpu.memory_space<semaphore_mem>>) src(%arg2 : memref<20000xf32, #tpu.memory_space<hbm>>) dst(%arg8 : memref<20000xf32, #tpu.memory_space<vmem>>)
      %scan3A_73 = arith.constant 0 : i32
      %scan3A_74 = arith.constant 78 : i32
      %scan3A_75 = arith.addi %scan3A_73, %scan3A_74 : i32
      %scan3A_76 = arith.constant 1 : i32
      %scan3A_77 = scf.for %scan3A_405 = %scan3A_73 to %scan3A_75 step %scan3A_76 iter_args(%scan3A_406 = %broadcast_in_dim3A_2) -> (vector<16xf32>)  : i32 {
        %mul3A_407 = arith.constant 78 : i32
        %mul3A_408 = arith.muli %arg1, %mul3A_407 : i32
        %add3A_409 = arith.addi %mul3A_408, %scan3A_405 : i32
        %mul3A_410 = arith.constant 16 : i32
        %mul3A_411 = arith.muli %add3A_409, %mul3A_410 : i32
        %get3A_412 = arith.index_cast %mul3A_411 : i32 to index
        %get3A_413 = tpu.vector_load %arg8[%get3A_412] {strides = array<i32>} : memref<20000xf32, #tpu.memory_space<vmem>>, vector<16xf32>,
        %max3A_414 = arith.maximumf %scan3A_406, %get3A_413 : vector<16xf32>
        scf.yield %max3A_414 : vector<16xf32>
      }
      %scan3A_78 = arith.constant 78 : i32
      %eq3A_79 = arith.constant 0 : i32
      %eq3A_80 = arith.cmpi eq, %arg1, %eq3A_79 : i32
      %convert_element_type3A_81 = arith.extui %eq3A_80 : i1 to i32
      %cond3A_82 = arith.constant 0 : i32
      %cond3A_83 = arith.cmpi ne, %convert_element_type3A_81, %cond3A_82 : i32
      scf.if %cond3A_83 {
        %get3A_405 = arith.constant 19968 : index
        %get3A_406 = tpu.vector_load %arg8[%get3A_405] {strides = array<i32>} : memref<20000xf32, #tpu.memory_space<vmem>>, vector<16xf32>,
        %get3A_407 = arith.constant 19984 : index
        %get3A_408 = tpu.vector_load %arg8[%get3A_407] {strides = array<i32>} : memref<20000xf32, #tpu.memory_space<vmem>>, vector<16xf32>,
        %max3A_409 = arith.maximumf %get3A_406, %get3A_408 : vector<16xf32>
        %max3A_410 = arith.maximumf %scan3A_77, %max3A_409 : vector<16xf32>
        %swap3A_411 = arith.constant 0 : index
        %swap3A_412 = tpu.vector_load %arg15[%swap3A_411] {strides = array<i32>} : memref<80xf32, #tpu.memory_space<vmem>>, vector<16xf32>,
        tpu.vector_store %arg15[%swap3A_411], %max3A_410 {strides = array<i32>} : memref<80xf32, #tpu.memory_space<vmem>>, vector<16xf32>,
      } else {
      }
      %ne3A = arith.constant 0 : i32
      %ne3A_84 = arith.cmpi ne, %arg1, %ne3A : i32
      %convert_element_type3A_85 = arith.extui %ne3A_84 : i1 to i32
      %cond3A_86 = arith.constant 0 : i32
      %cond3A_87 = arith.cmpi ne, %convert_element_type3A_85, %cond3A_86 : i32
      scf.if %cond3A_87 {
        %swap3A_405 = arith.constant 0 : index
        %swap3A_406 = tpu.vector_load %arg15[%swap3A_405] {strides = array<i32>} : memref<80xf32, #tpu.memory_space<vmem>>, vector<16xf32>,
        tpu.vector_store %arg15[%swap3A_405], %scan3A_77 {strides = array<i32>} : memref<80xf32, #tpu.memory_space<vmem>>, vector<16xf32>,
      } else {
      }
      %mul3A_88 = arith.constant 16 : i32
      %mul3A_89 = arith.muli %arg1, %mul3A_88 : i32
      "tpu.region"() ({
        %run_scoped3A = tpu.sem_alloc : memref<!tpu.dma_semaphore, #tpu.memory_space<semaphore_mem>>
        %dma_start3A_405 = arith.constant 0 : i32
        %dma_start3A_406 = tpu.memref_slice %arg15[%dma_start3A_405] : memref<80xf32, #tpu.memory_space<vmem>> -> memref<16xf32, #tpu.memory_space<vmem>>
        %dma_start3A_407 = tpu.memref_slice %arg31[%mul3A_89] : memref<256xf32, #tpu.memory_space<vmem_shared>> -> memref<16xf32, #tpu.memory_space<vmem_shared>>
        %dma_start3A_408 = tpu.memref_slice %arg31[%mul3A_89] : memref<256xf32, #tpu.memory_space<vmem_shared>> -> memref<16xf32, #tpu.memory_space<vmem_shared>>
        %dma_start3A_409 = arith.constant 0 : i32
        %dma_start3A_410 = tpu.memref_slice %arg15[%dma_start3A_409] : memref<80xf32, #tpu.memory_space<vmem>> -> memref<16xf32, #tpu.memory_space<vmem>>
        tpu.enqueue_dma source(%dma_start3A_410 : memref<16xf32, #tpu.memory_space<vmem>>) target(%dma_start3A_408 : memref<16xf32, #tpu.memory_space<vmem_shared>>) target_semaphore(%run_scoped3A : memref<!tpu.dma_semaphore, #tpu.memory_space<semaphore_mem>>)
        %dma_wait3A_411 = arith.constant 0 : i32
        %dma_wait3A_412 = tpu.memref_slice %arg15[%dma_wait3A_411] : memref<80xf32, #tpu.memory_space<vmem>> -> memref<16xf32, #tpu.memory_space<vmem>>
        %dma_wait3A_413 = tpu.memref_slice %arg31[%mul3A_89] : memref<256xf32, #tpu.memory_space<vmem_shared>> -> memref<16xf32, #tpu.memory_space<vmem_shared>>
        %dma_wait3A_414 = tpu.memref_slice %arg31[%mul3A_89] : memref<256xf32, #tpu.memory_space<vmem_shared>> -> memref<16xf32, #tpu.memory_space<vmem_shared>>
        %dma_wait3A_415 = arith.constant 0 : i32
        %dma_wait3A_416 = tpu.memref_slice %arg15[%dma_wait3A_415] : memref<80xf32, #tpu.memory_space<vmem>> -> memref<16xf32, #tpu.memory_space<vmem>>
        tpu.wait_dma2 semaphore(%run_scoped3A : memref<!tpu.dma_semaphore, #tpu.memory_space<semaphore_mem>>) src(%dma_wait3A_416 : memref<16xf32, #tpu.memory_space<vmem>>) dst(%dma_wait3A_414 : memref<16xf32, #tpu.memory_space<vmem_shared>>)
        tpu.yield
      }) : () -> ()
      %barrier3A = arith.constant 0 : index
      tpu.barrier barrier_id(%barrier3A)
      "tpu.region"() ({
        %run_scoped3A = tpu.sem_alloc : memref<!tpu.dma_semaphore, #tpu.memory_space<semaphore_mem>>
        tpu.enqueue_dma source(%arg31 : memref<256xf32, #tpu.memory_space<vmem_shared>>) target(%arg25 : memref<256xf32, #tpu.memory_space<vmem>>) target_semaphore(%run_scoped3A : memref<!tpu.dma_semaphore, #tpu.memory_space<semaphore_mem>>)
        tpu.wait_dma2 semaphore(%run_scoped3A : memref<!tpu.dma_semaphore, #tpu.memory_space<semaphore_mem>>) src(%arg31 : memref<256xf32, #tpu.memory_space<vmem_shared>>) dst(%arg25 : memref<256xf32, #tpu.memory_space<vmem>>)
        tpu.yield
      }) : () -> ()
      %get3A = arith.constant 0 : index
      %get3A_90 = tpu.vector_load %arg25[%get3A] {strides = array<i32>} : memref<256xf32, #tpu.memory_space<vmem>>, vector<16xf32>,
      %max3A = arith.maximumf %broadcast_in_dim3A_2, %get3A_90 : vector<16xf32>
      %get3A_91 = arith.constant 16 : index
      %get3A_92 = tpu.vector_load %arg25[%get3A_91] {strides = array<i32>} : memref<256xf32, #tpu.memory_space<vmem>>, vector<16xf32>,
      %max3A_93 = arith.maximumf %max3A, %get3A_92 : vector<16xf32>
      %get3A_94 = arith.constant 32 : index
      %get3A_95 = tpu.vector_load %arg25[%get3A_94] {strides = array<i32>} : memref<256xf32, #tpu.memory_space<vmem>>, vector<16xf32>,
      %max3A_96 = arith.maximumf %max3A_93, %get3A_95 : vector<16xf32>
      %get3A_97 = arith.constant 48 : index
      %get3A_98 = tpu.vector_load %arg25[%get3A_97] {strides = array<i32>} : memref<256xf32, #tpu.memory_space<vmem>>, vector<16xf32>,
      %max3A_99 = arith.maximumf %max3A_96, %get3A_98 : vector<16xf32>
      %get3A_100 = arith.constant 64 : index
      %get3A_101 = tpu.vector_load %arg25[%get3A_100] {strides = array<i32>} : memref<256xf32, #tpu.memory_space<vmem>>, vector<16xf32>,
      %max3A_102 = arith.maximumf %max3A_99, %get3A_101 : vector<16xf32>
      %get3A_103 = arith.constant 80 : index
      %get3A_104 = tpu.vector_load %arg25[%get3A_103] {strides = array<i32>} : memref<256xf32, #tpu.memory_space<vmem>>, vector<16xf32>,
      %max3A_105 = arith.maximumf %max3A_102, %get3A_104 : vector<16xf32>
      %get3A_106 = arith.constant 96 : index
      %get3A_107 = tpu.vector_load %arg25[%get3A_106] {strides = array<i32>} : memref<256xf32, #tpu.memory_space<vmem>>, vector<16xf32>,
      %max3A_108 = arith.maximumf %max3A_105, %get3A_107 : vector<16xf32>
      %get3A_109 = arith.constant 112 : index
      %get3A_110 = tpu.vector_load %arg25[%get3A_109] {strides = array<i32>} : memref<256xf32, #tpu.memory_space<vmem>>, vector<16xf32>,
      %max3A_111 = arith.maximumf %max3A_108, %get3A_110 : vector<16xf32>
      %get3A_112 = arith.constant 128 : index
      %get3A_113 = tpu.vector_load %arg25[%get3A_112] {strides = array<i32>} : memref<256xf32, #tpu.memory_space<vmem>>, vector<16xf32>,
      %max3A_114 = arith.maximumf %max3A_111, %get3A_113 : vector<16xf32>
      %get3A_115 = arith.constant 144 : index
      %get3A_116 = tpu.vector_load %arg25[%get3A_115] {strides = array<i32>} : memref<256xf32, #tpu.memory_space<vmem>>, vector<16xf32>,
      %max3A_117 = arith.maximumf %max3A_114, %get3A_116 : vector<16xf32>
      %get3A_118 = arith.constant 160 : index
      %get3A_119 = tpu.vector_load %arg25[%get3A_118] {strides = array<i32>} : memref<256xf32, #tpu.memory_space<vmem>>, vector<16xf32>,
      %max3A_120 = arith.maximumf %max3A_117, %get3A_119 : vector<16xf32>
      %get3A_121 = arith.constant 176 : index
      %get3A_122 = tpu.vector_load %arg25[%get3A_121] {strides = array<i32>} : memref<256xf32, #tpu.memory_space<vmem>>, vector<16xf32>,
      %max3A_123 = arith.maximumf %max3A_120, %get3A_122 : vector<16xf32>
      %get3A_124 = arith.constant 192 : index
      %get3A_125 = tpu.vector_load %arg25[%get3A_124] {strides = array<i32>} : memref<256xf32, #tpu.memory_space<vmem>>, vector<16xf32>,
      %max3A_126 = arith.maximumf %max3A_123, %get3A_125 : vector<16xf32>
      %get3A_127 = arith.constant 208 : index
      %get3A_128 = tpu.vector_load %arg25[%get3A_127] {strides = array<i32>} : memref<256xf32, #tpu.memory_space<vmem>>, vector<16xf32>,
      %max3A_129 = arith.maximumf %max3A_126, %get3A_128 : vector<16xf32>
      %get3A_130 = arith.constant 224 : index
      %get3A_131 = tpu.vector_load %arg25[%get3A_130] {strides = array<i32>} : memref<256xf32, #tpu.memory_space<vmem>>, vector<16xf32>,
      %max3A_132 = arith.maximumf %max3A_129, %get3A_131 : vector<16xf32>
      %get3A_133 = arith.constant 240 : index
      %get3A_134 = tpu.vector_load %arg25[%get3A_133] {strides = array<i32>} : memref<256xf32, #tpu.memory_space<vmem>>, vector<16xf32>,
      %max3A_135 = arith.maximumf %max3A_132, %get3A_134 : vector<16xf32>
      %reduce_max3A = arith.constant true
      %reduce_max3A_136 = vector.broadcast %reduce_max3A : i1 to vector<16xi1>
      %reduce_max3A_137 = tpu.scan <max>, %max3A_135 masked %reduce_max3A_136 : vector<16xf32>, vector<16xi1> -> vector<16xf32>
      %reduce_max3A_138 = vector.extract %reduce_max3A_137[15] : f32 from vector<16xf32>
      %add3A_139 = arith.constant 1.000000e+00 : f32
      %add3A_140 = arith.addf %reduce_max3A_138, %add3A_139 : f32
      %add3A_141 = arith.constant 0 : i32
      %add3A_142 = arith.addi %mul3A_60, %add3A_141 : i32
      %convert_element_type3A_143 = arith.sitofp %add3A_142 : i32 to f32
      %mul3A_144 = arith.mulf %convert_element_type3A_143, %add3A_140 : f32
      %while3A = arith.constant 0 : i32
      %while3A_145 = arith.constant 0 : i32
      %while3A_146 = arith.subi %shift_right_arithmetic3A_72, %while3A : i32
      %while3A_147 = arith.addi %while3A, %while3A_146 : i32
      %while3A_148 = arith.constant 1 : i32
      %while3A_149 = arith.divsi %while3A_146, %while3A_148 : i32
      %while3A_150 = arith.muli %while3A_149, %while3A_148 : i32
      %while3A_151 = arith.addi %while3A, %while3A_150 : i32
      %while3A_152 = arith.constant 1 : i32
      %while3A_153 = scf.for %while3A_405 = %while3A to %while3A_151 step %while3A_152 iter_args(%while3A_406 = %while3A_145) -> (i32)  : i32 {
        %mul3A_407 = arith.constant 16 : i32
        %mul3A_408 = arith.muli %while3A_405, %mul3A_407 : i32
        %get3A_409 = arith.index_cast %mul3A_408 : i32 to index
        %get3A_410 = tpu.vector_load %arg12[%get3A_409] {strides = array<i32>} : memref<5136xi32, #tpu.memory_space<vmem>>, vector<16xi32>,
        %eq3A_411 = vector.broadcast %add3A_142 : i32 to vector<16xi32>
        %eq3A_412 = arith.cmpi eq, %get3A_410, %eq3A_411 : vector<16xi32>
        %mul3A_413 = arith.constant 16 : i32
        %mul3A_414 = arith.muli %while3A_405, %mul3A_413 : i32
        %get3A_415 = arith.index_cast %mul3A_414 : i32 to index
        %get3A_416 = tpu.vector_load %arg11[%get3A_415] {strides = array<i32>} : memref<5136xi32, #tpu.memory_space<vmem>>, vector<16xi32>,
        %swap3A_417 = arith.index_cast %while3A_406 : i32 to index
        %swap3A_418 = tpu.vector_load %arg13[%swap3A_417] masked %eq3A_412 {strides = array<i32>} : memref<5136xi32, #tpu.memory_space<vmem>>, vector<16xi32>, vector<16xi1>
        tpu.vector_store %arg13[%swap3A_417], %get3A_416 masked %eq3A_412 {strides = array<i32>} : memref<5136xi32, #tpu.memory_space<vmem>>, vector<16xi32>, vector<16xi1>
        %all_reduce_population_count3A = tpu.all_reduce %eq3A_412 {dim = 0 : i64, kind = #tpu.reduction_kind<sum>} : vector<16xi1> -> vector<16xi32>
        %slice3A = vector.extract_strided_slice %all_reduce_population_count3A {offsets = [0], sizes = [1], strides = [1]} : vector<16xi32> to vector<1xi32>
        %squeeze3A = vector.extract %slice3A[0] : i32 from vector<1xi32>
        %add3A_419 = arith.addi %while3A_406, %squeeze3A : i32
        scf.yield %add3A_419 : i32
      }
      %while3A_154 = arith.constant 1 : i32
      %while3A_155 = scf.for %while3A_405 = %while3A_151 to %while3A_147 step %while3A_154 iter_args(%while3A_406 = %while3A_153) -> (i32)  : i32 {
        %mul3A_407 = arith.constant 16 : i32
        %mul3A_408 = arith.muli %while3A_405, %mul3A_407 : i32
        %get3A_409 = arith.index_cast %mul3A_408 : i32 to index
        %get3A_410 = tpu.vector_load %arg12[%get3A_409] {strides = array<i32>} : memref<5136xi32, #tpu.memory_space<vmem>>, vector<16xi32>,
        %eq3A_411 = vector.broadcast %add3A_142 : i32 to vector<16xi32>
        %eq3A_412 = arith.cmpi eq, %get3A_410, %eq3A_411 : vector<16xi32>
        %mul3A_413 = arith.constant 16 : i32
        %mul3A_414 = arith.muli %while3A_405, %mul3A_413 : i32
        %get3A_415 = arith.index_cast %mul3A_414 : i32 to index
        %get3A_416 = tpu.vector_load %arg11[%get3A_415] {strides = array<i32>} : memref<5136xi32, #tpu.memory_space<vmem>>, vector<16xi32>,
        %swap3A_417 = arith.index_cast %while3A_406 : i32 to index
        %swap3A_418 = tpu.vector_load %arg13[%swap3A_417] masked %eq3A_412 {strides = array<i32>} : memref<5136xi32, #tpu.memory_space<vmem>>, vector<16xi32>, vector<16xi1>
        tpu.vector_store %arg13[%swap3A_417], %get3A_416 masked %eq3A_412 {strides = array<i32>} : memref<5136xi32, #tpu.memory_space<vmem>>, vector<16xi32>, vector<16xi1>
        %all_reduce_population_count3A = tpu.all_reduce %eq3A_412 {dim = 0 : i64, kind = #tpu.reduction_kind<sum>} : vector<16xi1> -> vector<16xi32>
        %slice3A = vector.extract_strided_slice %all_reduce_population_count3A {offsets = [0], sizes = [1], strides = [1]} : vector<16xi32> to vector<1xi32>
        %squeeze3A = vector.extract %slice3A[0] : i32 from vector<1xi32>
        %add3A_419 = arith.addi %while3A_406, %squeeze3A : i32
        scf.yield %add3A_419 : i32
      }
      %add3A_156 = arith.constant 15 : i32
      %add3A_157 = arith.addi %while3A_155, %add3A_156 : i32
      %shift_right_arithmetic3A_158 = arith.constant 4 : i32
      %shift_right_arithmetic3A_159 = arith.shrsi %add3A_157, %shift_right_arithmetic3A_158 : i32
      %broadcast_in_dim3A_160 = arith.constant 0 : i32
      %broadcast_in_dim3A_161 = vector.broadcast %broadcast_in_dim3A_160 : i32 to vector<16xi32>
      %swap3A_162 = arith.index_cast %while3A_155 : i32 to index
      %swap3A_163 = tpu.vector_load %arg13[%swap3A_162] masked %ge3A_1 {strides = array<i32>} : memref<5136xi32, #tpu.memory_space<vmem>>, vector<16xi32>, vector<16xi1>
      tpu.vector_store %arg13[%swap3A_162], %broadcast_in_dim3A_161 masked %ge3A_1 {strides = array<i32>} : memref<5136xi32, #tpu.memory_space<vmem>>, vector<16xi32>, vector<16xi1>
      %while3A_164 = arith.constant 0 : i32
      %while3A_165 = arith.constant 0 : i32
      %while3A_166 = arith.subi %shift_right_arithmetic3A_159, %while3A_164 : i32
      %while3A_167 = arith.addi %while3A_164, %while3A_166 : i32
      %while3A_168 = arith.constant 1 : i32
      %while3A_169 = arith.divsi %while3A_166, %while3A_168 : i32
      %while3A_170 = arith.muli %while3A_169, %while3A_168 : i32
      %while3A_171 = arith.addi %while3A_164, %while3A_170 : i32
      %while3A_172 = arith.constant 1 : i32
      %while3A_173 = scf.for %while3A_405 = %while3A_164 to %while3A_171 step %while3A_172 iter_args(%while3A_406 = %while3A_165) -> (i32)  : i32 {
        %mul3A_407 = arith.constant 16 : i32
        %mul3A_408 = arith.muli %while3A_405, %mul3A_407 : i32
        %get3A_409 = arith.index_cast %mul3A_408 : i32 to index
        %get3A_410 = tpu.vector_load %arg13[%get3A_409] {strides = array<i32>} : memref<5136xi32, #tpu.memory_space<vmem>>, vector<16xi32>,
        %gather3A = tpu.vector_load_idx %arg9[%get3A_410] : memref<5136xf32, #tpu.memory_space<vmem>>[vector<16xi32>], vector<16xf32>,
        %mul3A_411 = arith.constant 16 : i32
        %mul3A_412 = arith.muli %while3A_405, %mul3A_411 : i32
        %swap3A_413 = arith.index_cast %mul3A_412 : i32 to index
        %swap3A_414 = tpu.vector_load %arg14[%swap3A_413] {strides = array<i32>} : memref<5152xf32, #tpu.memory_space<vmem>>, vector<16xf32>,
        tpu.vector_store %arg14[%swap3A_413], %gather3A {strides = array<i32>} : memref<5152xf32, #tpu.memory_space<vmem>>, vector<16xf32>,
        %while3A_415 = arith.constant 0 : i32
        scf.yield %while3A_415 : i32
      }
      %while3A_174 = arith.constant 1 : i32
      %while3A_175 = scf.for %while3A_405 = %while3A_171 to %while3A_167 step %while3A_174 iter_args(%while3A_406 = %while3A_173) -> (i32)  : i32 {
        %mul3A_407 = arith.constant 16 : i32
        %mul3A_408 = arith.muli %while3A_405, %mul3A_407 : i32
        %get3A_409 = arith.index_cast %mul3A_408 : i32 to index
        %get3A_410 = tpu.vector_load %arg13[%get3A_409] {strides = array<i32>} : memref<5136xi32, #tpu.memory_space<vmem>>, vector<16xi32>,
        %gather3A = tpu.vector_load_idx %arg9[%get3A_410] : memref<5136xf32, #tpu.memory_space<vmem>>[vector<16xi32>], vector<16xf32>,
        %mul3A_411 = arith.constant 16 : i32
        %mul3A_412 = arith.muli %while3A_405, %mul3A_411 : i32
        %swap3A_413 = arith.index_cast %mul3A_412 : i32 to index
        %swap3A_414 = tpu.vector_load %arg14[%swap3A_413] {strides = array<i32>} : memref<5152xf32, #tpu.memory_space<vmem>>, vector<16xf32>,
        tpu.vector_store %arg14[%swap3A_413], %gather3A {strides = array<i32>} : memref<5152xf32, #tpu.memory_space<vmem>>, vector<16xf32>,
        %while3A_415 = arith.constant 0 : i32
        scf.yield %while3A_415 : i32
      }
      %swap3A_176 = arith.index_cast %while3A_155 : i32 to index
      %swap3A_177 = tpu.vector_load %arg14[%swap3A_176] masked %ge3A_1 {strides = array<i32>} : memref<5152xf32, #tpu.memory_space<vmem>>, vector<16xf32>, vector<16xi1>
      tpu.vector_store %arg14[%swap3A_176], %broadcast_in_dim3A_2 masked %ge3A_1 {strides = array<i32>} : memref<5152xf32, #tpu.memory_space<vmem>>, vector<16xf32>, vector<16xi1>
      %add3A_178 = arith.constant 16 : i32
      %add3A_179 = arith.addi %while3A_155, %add3A_178 : i32
      %swap3A_180 = arith.index_cast %add3A_179 : i32 to index
      %swap3A_181 = tpu.vector_load %arg14[%swap3A_180] masked %ge3A_1 {strides = array<i32>} : memref<5152xf32, #tpu.memory_space<vmem>>, vector<16xf32>, vector<16xi1>
      tpu.vector_store %arg14[%swap3A_180], %broadcast_in_dim3A_2 masked %ge3A_1 {strides = array<i32>} : memref<5152xf32, #tpu.memory_space<vmem>>, vector<16xf32>, vector<16xi1>
      %broadcast_in_dim3A_182 = arith.constant 3.000000e+09 : f32
      %broadcast_in_dim3A_183 = vector.broadcast %broadcast_in_dim3A_182 : f32 to vector<16xf32>
      %while3A_184 = arith.constant 0 : i32
      %while3A_185 = arith.constant 0 : i32
      %while3A_186:8 = scf.while (%while3A_405 = %while3A_184, %while3A_406 = %while3A_185, %while3A_407 = %broadcast_in_dim3A_183, %while3A_408 = %broadcast_in_dim3A_183, %while3A_409 = %broadcast_in_dim3A_183, %while3A_410 = %broadcast_in_dim3A_183, %while3A_411 = %broadcast_in_dim3A_4, %while3A_412 = %broadcast_in_dim3A_2) : (i32, i32, vector<16xf32>, vector<16xf32>, vector<16xf32>, vector<16xf32>, vector<16xi32>, vector<16xf32>) -> (i32, i32, vector<16xf32>, vector<16xf32>, vector<16xf32>, vector<16xf32>, vector<16xi32>, vector<16xf32>) {
        %lt3A = arith.cmpi slt, %while3A_405, %while3A_155 : i32
        %lt3A_413 = arith.constant 15 : i32
        %lt3A_414 = arith.cmpi slt, %while3A_406, %lt3A_413 : i32
        %and3A = arith.andi %lt3A, %lt3A_414 : i1
        scf.condition(%and3A) %while3A_405, %while3A_406, %while3A_407, %while3A_408, %while3A_409, %while3A_410, %while3A_411, %while3A_412 : i32, i32, vector<16xf32>, vector<16xf32>, vector<16xf32>, vector<16xf32>, vector<16xi32>, vector<16xf32>
      } do {
      ^bb0(%while3A_405: i32, %while3A_406: i32, %while3A_407: vector<16xf32>, %while3A_408: vector<16xf32>, %while3A_409: vector<16xf32>, %while3A_410: vector<16xf32>, %while3A_411: vector<16xi32>, %while3A_412: vector<16xf32>):
        %add3A_413 = arith.constant 31 : i32
        %add3A_414 = arith.addi %while3A_155, %add3A_413 : i32
        %shift_right_arithmetic3A_415 = arith.constant 5 : i32
        %shift_right_arithmetic3A_416 = arith.shrsi %add3A_414, %shift_right_arithmetic3A_415 : i32
        %broadcast_in_dim3A_417 = arith.constant 0 : i32
        %broadcast_in_dim3A_418 = vector.broadcast %broadcast_in_dim3A_417 : i32 to vector<16xi32>
        %while3A_419 = arith.constant 0 : i32
        %while3A_420 = arith.subi %shift_right_arithmetic3A_416, %while3A_419 : i32
        %while3A_421 = arith.addi %while3A_419, %while3A_420 : i32
        %while3A_422 = arith.constant 1 : i32
        %while3A_423 = arith.divsi %while3A_420, %while3A_422 : i32
        %while3A_424 = arith.muli %while3A_423, %while3A_422 : i32
        %while3A_425 = arith.addi %while3A_419, %while3A_424 : i32
        %while3A_426 = arith.constant 1 : i32
        %while3A_427:2 = scf.for %while3A_519 = %while3A_419 to %while3A_425 step %while3A_426 iter_args(%while3A_520 = %broadcast_in_dim3A_2, %while3A_521 = %broadcast_in_dim3A_418) -> (vector<16xf32>, vector<16xi32>)  : i32 {
          %mul3A_522 = arith.constant 2 : i32
          %mul3A_523 = arith.muli %mul3A_522, %while3A_519 : i32
          %mul3A_524 = arith.constant 16 : i32
          %mul3A_525 = arith.muli %mul3A_523, %mul3A_524 : i32
          %get3A_526 = arith.index_cast %mul3A_525 : i32 to index
          %get3A_527 = tpu.vector_load %arg14[%get3A_526] {strides = array<i32>} : memref<5152xf32, #tpu.memory_space<vmem>>, vector<16xf32>,
          %gt3A_528 = arith.cmpf ogt, %get3A_527, %while3A_520 : vector<16xf32>
          %select_n3A_529 = arith.select %gt3A_528, %get3A_527, %while3A_520 : vector<16xi1>, vector<16xf32>
          %mul3A_530 = arith.constant 2 : i32
          %mul3A_531 = arith.muli %mul3A_530, %while3A_519 : i32
          %broadcast_in_dim3A_532 = vector.broadcast %mul3A_531 : i32 to vector<16xi32>
          %select_n3A_533 = arith.select %gt3A_528, %broadcast_in_dim3A_532, %while3A_521 : vector<16xi1>, vector<16xi32>
          %mul3A_534 = arith.constant 2 : i32
          %mul3A_535 = arith.muli %mul3A_534, %while3A_519 : i32
          %add3A_536 = arith.constant 1 : i32
          %add3A_537 = arith.addi %mul3A_535, %add3A_536 : i32
          %mul3A_538 = arith.constant 16 : i32
          %mul3A_539 = arith.muli %add3A_537, %mul3A_538 : i32
          %get3A_540 = arith.index_cast %mul3A_539 : i32 to index
          %get3A_541 = tpu.vector_load %arg14[%get3A_540] {strides = array<i32>} : memref<5152xf32, #tpu.memory_space<vmem>>, vector<16xf32>,
          %gt3A_542 = arith.cmpf ogt, %get3A_541, %select_n3A_529 : vector<16xf32>
          %select_n3A_543 = arith.select %gt3A_542, %get3A_541, %select_n3A_529 : vector<16xi1>, vector<16xf32>
          %mul3A_544 = arith.constant 2 : i32
          %mul3A_545 = arith.muli %mul3A_544, %while3A_519 : i32
          %add3A_546 = arith.constant 1 : i32
          %add3A_547 = arith.addi %mul3A_545, %add3A_546 : i32
          %broadcast_in_dim3A_548 = vector.broadcast %add3A_547 : i32 to vector<16xi32>
          %select_n3A_549 = arith.select %gt3A_542, %broadcast_in_dim3A_548, %select_n3A_533 : vector<16xi1>, vector<16xi32>
          scf.yield %select_n3A_543, %select_n3A_549 : vector<16xf32>, vector<16xi32>
        }
        %while3A_428 = arith.constant 1 : i32
        %while3A_429:2 = scf.for %while3A_519 = %while3A_425 to %while3A_421 step %while3A_428 iter_args(%while3A_520 = %while3A_427#0, %while3A_521 = %while3A_427#1) -> (vector<16xf32>, vector<16xi32>)  : i32 {
          %mul3A_522 = arith.constant 2 : i32
          %mul3A_523 = arith.muli %mul3A_522, %while3A_519 : i32
          %mul3A_524 = arith.constant 16 : i32
          %mul3A_525 = arith.muli %mul3A_523, %mul3A_524 : i32
          %get3A_526 = arith.index_cast %mul3A_525 : i32 to index
          %get3A_527 = tpu.vector_load %arg14[%get3A_526] {strides = array<i32>} : memref<5152xf32, #tpu.memory_space<vmem>>, vector<16xf32>,
          %gt3A_528 = arith.cmpf ogt, %get3A_527, %while3A_520 : vector<16xf32>
          %select_n3A_529 = arith.select %gt3A_528, %get3A_527, %while3A_520 : vector<16xi1>, vector<16xf32>
          %mul3A_530 = arith.constant 2 : i32
          %mul3A_531 = arith.muli %mul3A_530, %while3A_519 : i32
          %broadcast_in_dim3A_532 = vector.broadcast %mul3A_531 : i32 to vector<16xi32>
          %select_n3A_533 = arith.select %gt3A_528, %broadcast_in_dim3A_532, %while3A_521 : vector<16xi1>, vector<16xi32>
          %mul3A_534 = arith.constant 2 : i32
          %mul3A_535 = arith.muli %mul3A_534, %while3A_519 : i32
          %add3A_536 = arith.constant 1 : i32
          %add3A_537 = arith.addi %mul3A_535, %add3A_536 : i32
          %mul3A_538 = arith.constant 16 : i32
          %mul3A_539 = arith.muli %add3A_537, %mul3A_538 : i32
          %get3A_540 = arith.index_cast %mul3A_539 : i32 to index
          %get3A_541 = tpu.vector_load %arg14[%get3A_540] {strides = array<i32>} : memref<5152xf32, #tpu.memory_space<vmem>>, vector<16xf32>,
          %gt3A_542 = arith.cmpf ogt, %get3A_541, %select_n3A_529 : vector<16xf32>
          %select_n3A_543 = arith.select %gt3A_542, %get3A_541, %select_n3A_529 : vector<16xi1>, vector<16xf32>
          %mul3A_544 = arith.constant 2 : i32
          %mul3A_545 = arith.muli %mul3A_544, %while3A_519 : i32
          %add3A_546 = arith.constant 1 : i32
          %add3A_547 = arith.addi %mul3A_545, %add3A_546 : i32
          %broadcast_in_dim3A_548 = vector.broadcast %add3A_547 : i32 to vector<16xi32>
          %select_n3A_549 = arith.select %gt3A_542, %broadcast_in_dim3A_548, %select_n3A_533 : vector<16xi1>, vector<16xi32>
          scf.yield %select_n3A_543, %select_n3A_549 : vector<16xf32>, vector<16xi32>
        }
        %reduce_max3A_430 = arith.constant true
        %reduce_max3A_431 = vector.broadcast %reduce_max3A_430 : i1 to vector<16xi1>
        %reduce_max3A_432 = tpu.scan <max>, %while3A_429#0 masked %reduce_max3A_431 : vector<16xf32>, vector<16xi1> -> vector<16xf32>
        %reduce_max3A_433 = vector.extract %reduce_max3A_432[15] : f32 from vector<16xf32>
        %eq3A_434 = vector.broadcast %reduce_max3A_433 : f32 to vector<16xf32>
        %eq3A_435 = arith.cmpf oeq, %while3A_429#0, %eq3A_434 : vector<16xf32>
        %mul3A_436 = arith.constant 16 : i32
        %mul3A_437 = vector.broadcast %mul3A_436 : i32 to vector<16xi32>
        %mul3A_438 = arith.muli %while3A_429#1, %mul3A_437 : vector<16xi32>
        %add3A_439 = arith.addi %mul3A_438, %iota3A : vector<16xi32>
        %jit3A = arith.constant 1073741824 : i32
        %broadcast_in_dim3A_440 = vector.broadcast %jit3A : i32 to vector<16xi32>
        %select_n3A = arith.select %eq3A_435, %add3A_439, %broadcast_in_dim3A_440 : vector<16xi1>, vector<16xi32>
        %reduce_min3A = arith.constant true
        %reduce_min3A_441 = vector.broadcast %reduce_min3A : i1 to vector<16xi1>
        %reduce_min3A_442 = arith.constant -2147483648 : i32
        %reduce_min3A_443 = vector.broadcast %reduce_min3A_442 : i32 to vector<16xi32>
        %reduce_min3A_444 = arith.xori %select_n3A, %reduce_min3A_443 : vector<16xi32>
        %reduce_min3A_445 = tpu.scan <min>, %reduce_min3A_444 masked %reduce_min3A_441 : vector<16xi32>, vector<16xi1> -> vector<16xi32>
        %reduce_min3A_446 = arith.xori %reduce_min3A_445, %reduce_min3A_443 : vector<16xi32>
        %reduce_min3A_447 = vector.extract %reduce_min3A_446[15] : i32 from vector<16xi32>
        %broadcast_in_dim3A_448 = vector.broadcast %reduce_min3A_447 : i32 to vector<16xi32>
        %eq3A_449 = arith.constant 0 : i32
        %eq3A_450 = vector.broadcast %eq3A_449 : i32 to vector<16xi32>
        %eq3A_451 = arith.cmpi eq, %iota3A, %eq3A_450 : vector<16xi32>
        tpu.vector_store_idx %arg14[%broadcast_in_dim3A_448], %broadcast_in_dim3A_2 masked %eq3A_451 : memref<5152xf32, #tpu.memory_space<vmem>>[vector<16xi32>], vector<16xf32>, vector<16xi1>
        %gather3A = tpu.vector_load_idx %arg13[%broadcast_in_dim3A_448] : memref<5136xi32, #tpu.memory_space<vmem>>[vector<16xi32>], vector<16xi32>,
        %mul3A_452 = arith.constant 4 : i32
        %mul3A_453 = vector.broadcast %mul3A_452 : i32 to vector<16xi32>
        %mul3A_454 = arith.muli %gather3A, %mul3A_453 : vector<16xi32>
        %gather3A_455 = tpu.vector_load_idx %arg8[%mul3A_454] : memref<20000xf32, #tpu.memory_space<vmem>>[vector<16xi32>], vector<16xf32>,
        %add3A_456 = vector.broadcast %mul3A_144 : f32 to vector<16xf32>
        %add3A_457 = arith.addf %gather3A_455, %add3A_456 : vector<16xf32>
        %add3A_458 = arith.constant 1 : i32
        %add3A_459 = vector.broadcast %add3A_458 : i32 to vector<16xi32>
        %add3A_460 = arith.addi %mul3A_454, %add3A_459 : vector<16xi32>
        %gather3A_461 = tpu.vector_load_idx %arg8[%add3A_460] : memref<20000xf32, #tpu.memory_space<vmem>>[vector<16xi32>], vector<16xf32>,
        %add3A_462 = vector.broadcast %mul3A_144 : f32 to vector<16xf32>
        %add3A_463 = arith.addf %gather3A_461, %add3A_462 : vector<16xf32>
        %add3A_464 = arith.constant 2 : i32
        %add3A_465 = vector.broadcast %add3A_464 : i32 to vector<16xi32>
        %add3A_466 = arith.addi %mul3A_454, %add3A_465 : vector<16xi32>
        %gather3A_467 = tpu.vector_load_idx %arg8[%add3A_466] : memref<20000xf32, #tpu.memory_space<vmem>>[vector<16xi32>], vector<16xf32>,
        %add3A_468 = vector.broadcast %mul3A_144 : f32 to vector<16xf32>
        %add3A_469 = arith.addf %gather3A_467, %add3A_468 : vector<16xf32>
        %add3A_470 = arith.constant 3 : i32
        %add3A_471 = vector.broadcast %add3A_470 : i32 to vector<16xi32>
        %add3A_472 = arith.addi %mul3A_454, %add3A_471 : vector<16xi32>
        %gather3A_473 = tpu.vector_load_idx %arg8[%add3A_472] : memref<20000xf32, #tpu.memory_space<vmem>>[vector<16xi32>], vector<16xf32>,
        %add3A_474 = vector.broadcast %mul3A_144 : f32 to vector<16xf32>
        %add3A_475 = arith.addf %gather3A_473, %add3A_474 : vector<16xf32>
        %min3A = arith.minimumf %while3A_409, %add3A_469 : vector<16xf32>
        %max3A_476 = arith.maximumf %while3A_407, %add3A_457 : vector<16xf32>
        %sub3A = arith.subf %min3A, %max3A_476 : vector<16xf32>
        %max3A_477 = arith.constant 0.000000e+00 : f32
        %max3A_478 = vector.broadcast %max3A_477 : f32 to vector<16xf32>
        %max3A_479 = arith.maximumf %sub3A, %max3A_478 : vector<16xf32>
        %min3A_480 = arith.minimumf %while3A_410, %add3A_475 : vector<16xf32>
        %max3A_481 = arith.maximumf %while3A_408, %add3A_463 : vector<16xf32>
        %sub3A_482 = arith.subf %min3A_480, %max3A_481 : vector<16xf32>
        %max3A_483 = arith.constant 0.000000e+00 : f32
        %max3A_484 = vector.broadcast %max3A_483 : f32 to vector<16xf32>
        %max3A_485 = arith.maximumf %sub3A_482, %max3A_484 : vector<16xf32>
        %mul3A_486 = arith.mulf %max3A_479, %max3A_485 : vector<16xf32>
        %sub3A_487 = arith.subf %while3A_409, %while3A_407 : vector<16xf32>
        %sub3A_488 = arith.subf %while3A_410, %while3A_408 : vector<16xf32>
        %mul3A_489 = arith.mulf %sub3A_487, %sub3A_488 : vector<16xf32>
        %sub3A_490 = arith.subf %add3A_469, %add3A_457 : vector<16xf32>
        %sub3A_491 = arith.subf %add3A_475, %add3A_463 : vector<16xf32>
        %mul3A_492 = arith.mulf %sub3A_490, %sub3A_491 : vector<16xf32>
        %add3A_493 = arith.addf %mul3A_489, %mul3A_492 : vector<16xf32>
        %sub3A_494 = arith.subf %add3A_493, %mul3A_486 : vector<16xf32>
        %max3A_495 = arith.constant 9.99999971E-10 : f32
        %max3A_496 = vector.broadcast %max3A_495 : f32 to vector<16xf32>
        %max3A_497 = arith.maximumf %sub3A_494, %max3A_496 : vector<16xf32>
        %div3A = arith.divf %mul3A_486, %max3A_497 : vector<16xf32>
        %gt3A = arith.constant 5.000000e-01 : f32
        %gt3A_498 = vector.broadcast %gt3A : f32 to vector<16xf32>
        %gt3A_499 = arith.cmpf ogt, %div3A, %gt3A_498 : vector<16xf32>
        %all_reduce_population_count3A = tpu.all_reduce %gt3A_499 {dim = 0 : i64, kind = #tpu.reduction_kind<sum>} : vector<16xi1> -> vector<16xi32>
        %slice3A = vector.extract_strided_slice %all_reduce_population_count3A {offsets = [0], sizes = [1], strides = [1]} : vector<16xi32> to vector<1xi32>
        %squeeze3A = vector.extract %slice3A[0] : i32 from vector<1xi32>
        %gt3A_500 = arith.constant 0 : i32
        %gt3A_501 = arith.cmpi sgt, %squeeze3A, %gt3A_500 : i32
        %not3A = arith.constant true
        %not3A_502 = arith.xori %gt3A_501, %not3A : i1
        %eq3A_503 = vector.broadcast %while3A_406 : i32 to vector<16xi32>
        %eq3A_504 = arith.cmpi eq, %iota3A, %eq3A_503 : vector<16xi32>
        %and3A = vector.broadcast %not3A_502 : i1 to vector<16xi1>
        %and3A_505 = arith.andi %and3A, %eq3A_504 : vector<16xi1>
        %select_n3A_506 = arith.select %and3A_505, %add3A_457, %while3A_407 : vector<16xi1>, vector<16xf32>
        %select_n3A_507 = arith.select %and3A_505, %add3A_463, %while3A_408 : vector<16xi1>, vector<16xf32>
        %select_n3A_508 = arith.select %and3A_505, %add3A_469, %while3A_409 : vector<16xi1>, vector<16xf32>
        %select_n3A_509 = arith.select %and3A_505, %add3A_475, %while3A_410 : vector<16xi1>, vector<16xf32>
        %select_n3A_510 = arith.select %and3A_505, %gather3A, %while3A_411 : vector<16xi1>, vector<16xi32>
        %broadcast_in_dim3A_511 = vector.broadcast %reduce_max3A_433 : f32 to vector<16xf32>
        %select_n3A_512 = arith.select %and3A_505, %broadcast_in_dim3A_511, %while3A_412 : vector<16xi1>, vector<16xf32>
        %jit3A_513 = arith.constant 0 : i32
        %jit3A_514 = arith.constant 1 : i32
        %select_n3A_515 = arith.select %gt3A_501, %jit3A_513, %jit3A_514 : i32
        %add3A_516 = arith.addi %while3A_406, %select_n3A_515 : i32
        %add3A_517 = arith.constant 1 : i32
        %add3A_518 = arith.addi %while3A_405, %add3A_517 : i32
        scf.yield %add3A_518, %add3A_516, %select_n3A_506, %select_n3A_507, %select_n3A_508, %select_n3A_509, %select_n3A_510, %select_n3A_512 : i32, i32, vector<16xf32>, vector<16xf32>, vector<16xf32>, vector<16xf32>, vector<16xi32>, vector<16xf32>
      }
      %swap3A_187 = arith.constant 0 : index
      %swap3A_188 = tpu.vector_load %arg15[%swap3A_187] {strides = array<i32>} : memref<80xf32, #tpu.memory_space<vmem>>, vector<16xf32>,
      tpu.vector_store %arg15[%swap3A_187], %while3A_186#7 {strides = array<i32>} : memref<80xf32, #tpu.memory_space<vmem>>, vector<16xf32>,
      %swap3A_189 = arith.constant 0 : index
      %swap3A_190 = tpu.vector_load %arg16[%swap3A_189] {strides = array<i32>} : memref<80xi32, #tpu.memory_space<vmem>>, vector<16xi32>,
      tpu.vector_store %arg16[%swap3A_189], %while3A_186#6 {strides = array<i32>} : memref<80xi32, #tpu.memory_space<vmem>>, vector<16xi32>,
      %add3A_191 = arith.constant 1 : i32
      %add3A_192 = arith.addi %mul3A_60, %add3A_191 : i32
      %convert_element_type3A_193 = arith.sitofp %add3A_192 : i32 to f32
      %mul3A_194 = arith.mulf %convert_element_type3A_193, %add3A_140 : f32
      %while3A_195 = arith.constant 0 : i32
      %while3A_196 = arith.constant 0 : i32
      %while3A_197 = arith.subi %shift_right_arithmetic3A_72, %while3A_195 : i32
      %while3A_198 = arith.addi %while3A_195, %while3A_197 : i32
      %while3A_199 = arith.constant 1 : i32
      %while3A_200 = arith.divsi %while3A_197, %while3A_199 : i32
      %while3A_201 = arith.muli %while3A_200, %while3A_199 : i32
      %while3A_202 = arith.addi %while3A_195, %while3A_201 : i32
      %while3A_203 = arith.constant 1 : i32
      %while3A_204 = scf.for %while3A_405 = %while3A_195 to %while3A_202 step %while3A_203 iter_args(%while3A_406 = %while3A_196) -> (i32)  : i32 {
        %mul3A_407 = arith.constant 16 : i32
        %mul3A_408 = arith.muli %while3A_405, %mul3A_407 : i32
        %get3A_409 = arith.index_cast %mul3A_408 : i32 to index
        %get3A_410 = tpu.vector_load %arg12[%get3A_409] {strides = array<i32>} : memref<5136xi32, #tpu.memory_space<vmem>>, vector<16xi32>,
        %eq3A_411 = vector.broadcast %add3A_192 : i32 to vector<16xi32>
        %eq3A_412 = arith.cmpi eq, %get3A_410, %eq3A_411 : vector<16xi32>
        %mul3A_413 = arith.constant 16 : i32
        %mul3A_414 = arith.muli %while3A_405, %mul3A_413 : i32
        %get3A_415 = arith.index_cast %mul3A_414 : i32 to index
        %get3A_416 = tpu.vector_load %arg11[%get3A_415] {strides = array<i32>} : memref<5136xi32, #tpu.memory_space<vmem>>, vector<16xi32>,
        %swap3A_417 = arith.index_cast %while3A_406 : i32 to index
        %swap3A_418 = tpu.vector_load %arg13[%swap3A_417] masked %eq3A_412 {strides = array<i32>} : memref<5136xi32, #tpu.memory_space<vmem>>, vector<16xi32>, vector<16xi1>
        tpu.vector_store %arg13[%swap3A_417], %get3A_416 masked %eq3A_412 {strides = array<i32>} : memref<5136xi32, #tpu.memory_space<vmem>>, vector<16xi32>, vector<16xi1>
        %all_reduce_population_count3A = tpu.all_reduce %eq3A_412 {dim = 0 : i64, kind = #tpu.reduction_kind<sum>} : vector<16xi1> -> vector<16xi32>
        %slice3A = vector.extract_strided_slice %all_reduce_population_count3A {offsets = [0], sizes = [1], strides = [1]} : vector<16xi32> to vector<1xi32>
        %squeeze3A = vector.extract %slice3A[0] : i32 from vector<1xi32>
        %add3A_419 = arith.addi %while3A_406, %squeeze3A : i32
        scf.yield %add3A_419 : i32
      }
      %while3A_205 = arith.constant 1 : i32
      %while3A_206 = scf.for %while3A_405 = %while3A_202 to %while3A_198 step %while3A_205 iter_args(%while3A_406 = %while3A_204) -> (i32)  : i32 {
        %mul3A_407 = arith.constant 16 : i32
        %mul3A_408 = arith.muli %while3A_405, %mul3A_407 : i32
        %get3A_409 = arith.index_cast %mul3A_408 : i32 to index
        %get3A_410 = tpu.vector_load %arg12[%get3A_409] {strides = array<i32>} : memref<5136xi32, #tpu.memory_space<vmem>>, vector<16xi32>,
        %eq3A_411 = vector.broadcast %add3A_192 : i32 to vector<16xi32>
        %eq3A_412 = arith.cmpi eq, %get3A_410, %eq3A_411 : vector<16xi32>
        %mul3A_413 = arith.constant 16 : i32
        %mul3A_414 = arith.muli %while3A_405, %mul3A_413 : i32
        %get3A_415 = arith.index_cast %mul3A_414 : i32 to index
        %get3A_416 = tpu.vector_load %arg11[%get3A_415] {strides = array<i32>} : memref<5136xi32, #tpu.memory_space<vmem>>, vector<16xi32>,
        %swap3A_417 = arith.index_cast %while3A_406 : i32 to index
        %swap3A_418 = tpu.vector_load %arg13[%swap3A_417] masked %eq3A_412 {strides = array<i32>} : memref<5136xi32, #tpu.memory_space<vmem>>, vector<16xi32>, vector<16xi1>
        tpu.vector_store %arg13[%swap3A_417], %get3A_416 masked %eq3A_412 {strides = array<i32>} : memref<5136xi32, #tpu.memory_space<vmem>>, vector<16xi32>, vector<16xi1>
        %all_reduce_population_count3A = tpu.all_reduce %eq3A_412 {dim = 0 : i64, kind = #tpu.reduction_kind<sum>} : vector<16xi1> -> vector<16xi32>
        %slice3A = vector.extract_strided_slice %all_reduce_population_count3A {offsets = [0], sizes = [1], strides = [1]} : vector<16xi32> to vector<1xi32>
        %squeeze3A = vector.extract %slice3A[0] : i32 from vector<1xi32>
        %add3A_419 = arith.addi %while3A_406, %squeeze3A : i32
        scf.yield %add3A_419 : i32
      }
      %add3A_207 = arith.constant 15 : i32
      %add3A_208 = arith.addi %while3A_206, %add3A_207 : i32
      %shift_right_arithmetic3A_209 = arith.constant 4 : i32
      %shift_right_arithmetic3A_210 = arith.shrsi %add3A_208, %shift_right_arithmetic3A_209 : i32
      %broadcast_in_dim3A_211 = arith.constant 0 : i32
      %broadcast_in_dim3A_212 = vector.broadcast %broadcast_in_dim3A_211 : i32 to vector<16xi32>
      %swap3A_213 = arith.index_cast %while3A_206 : i32 to index
      %swap3A_214 = tpu.vector_load %arg13[%swap3A_213] masked %ge3A_1 {strides = array<i32>} : memref<5136xi32, #tpu.memory_space<vmem>>, vector<16xi32>, vector<16xi1>
      tpu.vector_store %arg13[%swap3A_213], %broadcast_in_dim3A_212 masked %ge3A_1 {strides = array<i32>} : memref<5136xi32, #tpu.memory_space<vmem>>, vector<16xi32>, vector<16xi1>
      %while3A_215 = arith.constant 0 : i32
      %while3A_216 = arith.constant 0 : i32
      %while3A_217 = arith.subi %shift_right_arithmetic3A_210, %while3A_215 : i32
      %while3A_218 = arith.addi %while3A_215, %while3A_217 : i32
      %while3A_219 = arith.constant 1 : i32
      %while3A_220 = arith.divsi %while3A_217, %while3A_219 : i32
      %while3A_221 = arith.muli %while3A_220, %while3A_219 : i32
      %while3A_222 = arith.addi %while3A_215, %while3A_221 : i32
      %while3A_223 = arith.constant 1 : i32
      %while3A_224 = scf.for %while3A_405 = %while3A_215 to %while3A_222 step %while3A_223 iter_args(%while3A_406 = %while3A_216) -> (i32)  : i32 {
        %mul3A_407 = arith.constant 16 : i32
        %mul3A_408 = arith.muli %while3A_405, %mul3A_407 : i32
        %get3A_409 = arith.index_cast %mul3A_408 : i32 to index
        %get3A_410 = tpu.vector_load %arg13[%get3A_409] {strides = array<i32>} : memref<5136xi32, #tpu.memory_space<vmem>>, vector<16xi32>,
        %gather3A = tpu.vector_load_idx %arg9[%get3A_410] : memref<5136xf32, #tpu.memory_space<vmem>>[vector<16xi32>], vector<16xf32>,
        %mul3A_411 = arith.constant 16 : i32
        %mul3A_412 = arith.muli %while3A_405, %mul3A_411 : i32
        %swap3A_413 = arith.index_cast %mul3A_412 : i32 to index
        %swap3A_414 = tpu.vector_load %arg14[%swap3A_413] {strides = array<i32>} : memref<5152xf32, #tpu.memory_space<vmem>>, vector<16xf32>,
        tpu.vector_store %arg14[%swap3A_413], %gather3A {strides = array<i32>} : memref<5152xf32, #tpu.memory_space<vmem>>, vector<16xf32>,
        %while3A_415 = arith.constant 0 : i32
        scf.yield %while3A_415 : i32
      }
      %while3A_225 = arith.constant 1 : i32
      %while3A_226 = scf.for %while3A_405 = %while3A_222 to %while3A_218 step %while3A_225 iter_args(%while3A_406 = %while3A_224) -> (i32)  : i32 {
        %mul3A_407 = arith.constant 16 : i32
        %mul3A_408 = arith.muli %while3A_405, %mul3A_407 : i32
        %get3A_409 = arith.index_cast %mul3A_408 : i32 to index
        %get3A_410 = tpu.vector_load %arg13[%get3A_409] {strides = array<i32>} : memref<5136xi32, #tpu.memory_space<vmem>>, vector<16xi32>,
        %gather3A = tpu.vector_load_idx %arg9[%get3A_410] : memref<5136xf32, #tpu.memory_space<vmem>>[vector<16xi32>], vector<16xf32>,
        %mul3A_411 = arith.constant 16 : i32
        %mul3A_412 = arith.muli %while3A_405, %mul3A_411 : i32
        %swap3A_413 = arith.index_cast %mul3A_412 : i32 to index
        %swap3A_414 = tpu.vector_load %arg14[%swap3A_413] {strides = array<i32>} : memref<5152xf32, #tpu.memory_space<vmem>>, vector<16xf32>,
        tpu.vector_store %arg14[%swap3A_413], %gather3A {strides = array<i32>} : memref<5152xf32, #tpu.memory_space<vmem>>, vector<16xf32>,
        %while3A_415 = arith.constant 0 : i32
        scf.yield %while3A_415 : i32
      }
      %swap3A_227 = arith.index_cast %while3A_206 : i32 to index
      %swap3A_228 = tpu.vector_load %arg14[%swap3A_227] masked %ge3A_1 {strides = array<i32>} : memref<5152xf32, #tpu.memory_space<vmem>>, vector<16xf32>, vector<16xi1>
      tpu.vector_store %arg14[%swap3A_227], %broadcast_in_dim3A_2 masked %ge3A_1 {strides = array<i32>} : memref<5152xf32, #tpu.memory_space<vmem>>, vector<16xf32>, vector<16xi1>
      %add3A_229 = arith.constant 16 : i32
      %add3A_230 = arith.addi %while3A_206, %add3A_229 : i32
      %swap3A_231 = arith.index_cast %add3A_230 : i32 to index
      %swap3A_232 = tpu.vector_load %arg14[%swap3A_231] masked %ge3A_1 {strides = array<i32>} : memref<5152xf32, #tpu.memory_space<vmem>>, vector<16xf32>, vector<16xi1>
      tpu.vector_store %arg14[%swap3A_231], %broadcast_in_dim3A_2 masked %ge3A_1 {strides = array<i32>} : memref<5152xf32, #tpu.memory_space<vmem>>, vector<16xf32>, vector<16xi1>
      %broadcast_in_dim3A_233 = arith.constant 3.000000e+09 : f32
      %broadcast_in_dim3A_234 = vector.broadcast %broadcast_in_dim3A_233 : f32 to vector<16xf32>
      %while3A_235 = arith.constant 0 : i32
      %while3A_236 = arith.constant 0 : i32
      %while3A_237:8 = scf.while (%while3A_405 = %while3A_235, %while3A_406 = %while3A_236, %while3A_407 = %broadcast_in_dim3A_234, %while3A_408 = %broadcast_in_dim3A_234, %while3A_409 = %broadcast_in_dim3A_234, %while3A_410 = %broadcast_in_dim3A_234, %while3A_411 = %broadcast_in_dim3A_4, %while3A_412 = %broadcast_in_dim3A_2) : (i32, i32, vector<16xf32>, vector<16xf32>, vector<16xf32>, vector<16xf32>, vector<16xi32>, vector<16xf32>) -> (i32, i32, vector<16xf32>, vector<16xf32>, vector<16xf32>, vector<16xf32>, vector<16xi32>, vector<16xf32>) {
        %lt3A = arith.cmpi slt, %while3A_405, %while3A_206 : i32
        %lt3A_413 = arith.constant 15 : i32
        %lt3A_414 = arith.cmpi slt, %while3A_406, %lt3A_413 : i32
        %and3A = arith.andi %lt3A, %lt3A_414 : i1
        scf.condition(%and3A) %while3A_405, %while3A_406, %while3A_407, %while3A_408, %while3A_409, %while3A_410, %while3A_411, %while3A_412 : i32, i32, vector<16xf32>, vector<16xf32>, vector<16xf32>, vector<16xf32>, vector<16xi32>, vector<16xf32>
      } do {
      ^bb0(%while3A_405: i32, %while3A_406: i32, %while3A_407: vector<16xf32>, %while3A_408: vector<16xf32>, %while3A_409: vector<16xf32>, %while3A_410: vector<16xf32>, %while3A_411: vector<16xi32>, %while3A_412: vector<16xf32>):
        %add3A_413 = arith.constant 31 : i32
        %add3A_414 = arith.addi %while3A_206, %add3A_413 : i32
        %shift_right_arithmetic3A_415 = arith.constant 5 : i32
        %shift_right_arithmetic3A_416 = arith.shrsi %add3A_414, %shift_right_arithmetic3A_415 : i32
        %broadcast_in_dim3A_417 = arith.constant 0 : i32
        %broadcast_in_dim3A_418 = vector.broadcast %broadcast_in_dim3A_417 : i32 to vector<16xi32>
        %while3A_419 = arith.constant 0 : i32
        %while3A_420 = arith.subi %shift_right_arithmetic3A_416, %while3A_419 : i32
        %while3A_421 = arith.addi %while3A_419, %while3A_420 : i32
        %while3A_422 = arith.constant 1 : i32
        %while3A_423 = arith.divsi %while3A_420, %while3A_422 : i32
        %while3A_424 = arith.muli %while3A_423, %while3A_422 : i32
        %while3A_425 = arith.addi %while3A_419, %while3A_424 : i32
        %while3A_426 = arith.constant 1 : i32
        %while3A_427:2 = scf.for %while3A_519 = %while3A_419 to %while3A_425 step %while3A_426 iter_args(%while3A_520 = %broadcast_in_dim3A_2, %while3A_521 = %broadcast_in_dim3A_418) -> (vector<16xf32>, vector<16xi32>)  : i32 {
          %mul3A_522 = arith.constant 2 : i32
          %mul3A_523 = arith.muli %mul3A_522, %while3A_519 : i32
          %mul3A_524 = arith.constant 16 : i32
          %mul3A_525 = arith.muli %mul3A_523, %mul3A_524 : i32
          %get3A_526 = arith.index_cast %mul3A_525 : i32 to index
          %get3A_527 = tpu.vector_load %arg14[%get3A_526] {strides = array<i32>} : memref<5152xf32, #tpu.memory_space<vmem>>, vector<16xf32>,
          %gt3A_528 = arith.cmpf ogt, %get3A_527, %while3A_520 : vector<16xf32>
          %select_n3A_529 = arith.select %gt3A_528, %get3A_527, %while3A_520 : vector<16xi1>, vector<16xf32>
          %mul3A_530 = arith.constant 2 : i32
          %mul3A_531 = arith.muli %mul3A_530, %while3A_519 : i32
          %broadcast_in_dim3A_532 = vector.broadcast %mul3A_531 : i32 to vector<16xi32>
          %select_n3A_533 = arith.select %gt3A_528, %broadcast_in_dim3A_532, %while3A_521 : vector<16xi1>, vector<16xi32>
          %mul3A_534 = arith.constant 2 : i32
          %mul3A_535 = arith.muli %mul3A_534, %while3A_519 : i32
          %add3A_536 = arith.constant 1 : i32
          %add3A_537 = arith.addi %mul3A_535, %add3A_536 : i32
          %mul3A_538 = arith.constant 16 : i32
          %mul3A_539 = arith.muli %add3A_537, %mul3A_538 : i32
          %get3A_540 = arith.index_cast %mul3A_539 : i32 to index
          %get3A_541 = tpu.vector_load %arg14[%get3A_540] {strides = array<i32>} : memref<5152xf32, #tpu.memory_space<vmem>>, vector<16xf32>,
          %gt3A_542 = arith.cmpf ogt, %get3A_541, %select_n3A_529 : vector<16xf32>
          %select_n3A_543 = arith.select %gt3A_542, %get3A_541, %select_n3A_529 : vector<16xi1>, vector<16xf32>
          %mul3A_544 = arith.constant 2 : i32
          %mul3A_545 = arith.muli %mul3A_544, %while3A_519 : i32
          %add3A_546 = arith.constant 1 : i32
          %add3A_547 = arith.addi %mul3A_545, %add3A_546 : i32
          %broadcast_in_dim3A_548 = vector.broadcast %add3A_547 : i32 to vector<16xi32>
          %select_n3A_549 = arith.select %gt3A_542, %broadcast_in_dim3A_548, %select_n3A_533 : vector<16xi1>, vector<16xi32>
          scf.yield %select_n3A_543, %select_n3A_549 : vector<16xf32>, vector<16xi32>
        }
        %while3A_428 = arith.constant 1 : i32
        %while3A_429:2 = scf.for %while3A_519 = %while3A_425 to %while3A_421 step %while3A_428 iter_args(%while3A_520 = %while3A_427#0, %while3A_521 = %while3A_427#1) -> (vector<16xf32>, vector<16xi32>)  : i32 {
          %mul3A_522 = arith.constant 2 : i32
          %mul3A_523 = arith.muli %mul3A_522, %while3A_519 : i32
          %mul3A_524 = arith.constant 16 : i32
          %mul3A_525 = arith.muli %mul3A_523, %mul3A_524 : i32
          %get3A_526 = arith.index_cast %mul3A_525 : i32 to index
          %get3A_527 = tpu.vector_load %arg14[%get3A_526] {strides = array<i32>} : memref<5152xf32, #tpu.memory_space<vmem>>, vector<16xf32>,
          %gt3A_528 = arith.cmpf ogt, %get3A_527, %while3A_520 : vector<16xf32>
          %select_n3A_529 = arith.select %gt3A_528, %get3A_527, %while3A_520 : vector<16xi1>, vector<16xf32>
          %mul3A_530 = arith.constant 2 : i32
          %mul3A_531 = arith.muli %mul3A_530, %while3A_519 : i32
          %broadcast_in_dim3A_532 = vector.broadcast %mul3A_531 : i32 to vector<16xi32>
          %select_n3A_533 = arith.select %gt3A_528, %broadcast_in_dim3A_532, %while3A_521 : vector<16xi1>, vector<16xi32>
          %mul3A_534 = arith.constant 2 : i32
          %mul3A_535 = arith.muli %mul3A_534, %while3A_519 : i32
          %add3A_536 = arith.constant 1 : i32
          %add3A_537 = arith.addi %mul3A_535, %add3A_536 : i32
          %mul3A_538 = arith.constant 16 : i32
          %mul3A_539 = arith.muli %add3A_537, %mul3A_538 : i32
          %get3A_540 = arith.index_cast %mul3A_539 : i32 to index
          %get3A_541 = tpu.vector_load %arg14[%get3A_540] {strides = array<i32>} : memref<5152xf32, #tpu.memory_space<vmem>>, vector<16xf32>,
          %gt3A_542 = arith.cmpf ogt, %get3A_541, %select_n3A_529 : vector<16xf32>
          %select_n3A_543 = arith.select %gt3A_542, %get3A_541, %select_n3A_529 : vector<16xi1>, vector<16xf32>
          %mul3A_544 = arith.constant 2 : i32
          %mul3A_545 = arith.muli %mul3A_544, %while3A_519 : i32
          %add3A_546 = arith.constant 1 : i32
          %add3A_547 = arith.addi %mul3A_545, %add3A_546 : i32
          %broadcast_in_dim3A_548 = vector.broadcast %add3A_547 : i32 to vector<16xi32>
          %select_n3A_549 = arith.select %gt3A_542, %broadcast_in_dim3A_548, %select_n3A_533 : vector<16xi1>, vector<16xi32>
          scf.yield %select_n3A_543, %select_n3A_549 : vector<16xf32>, vector<16xi32>
        }
        %reduce_max3A_430 = arith.constant true
        %reduce_max3A_431 = vector.broadcast %reduce_max3A_430 : i1 to vector<16xi1>
        %reduce_max3A_432 = tpu.scan <max>, %while3A_429#0 masked %reduce_max3A_431 : vector<16xf32>, vector<16xi1> -> vector<16xf32>
        %reduce_max3A_433 = vector.extract %reduce_max3A_432[15] : f32 from vector<16xf32>
        %eq3A_434 = vector.broadcast %reduce_max3A_433 : f32 to vector<16xf32>
        %eq3A_435 = arith.cmpf oeq, %while3A_429#0, %eq3A_434 : vector<16xf32>
        %mul3A_436 = arith.constant 16 : i32
        %mul3A_437 = vector.broadcast %mul3A_436 : i32 to vector<16xi32>
        %mul3A_438 = arith.muli %while3A_429#1, %mul3A_437 : vector<16xi32>
        %add3A_439 = arith.addi %mul3A_438, %iota3A : vector<16xi32>
        %jit3A = arith.constant 1073741824 : i32
        %broadcast_in_dim3A_440 = vector.broadcast %jit3A : i32 to vector<16xi32>
        %select_n3A = arith.select %eq3A_435, %add3A_439, %broadcast_in_dim3A_440 : vector<16xi1>, vector<16xi32>
        %reduce_min3A = arith.constant true
        %reduce_min3A_441 = vector.broadcast %reduce_min3A : i1 to vector<16xi1>
        %reduce_min3A_442 = arith.constant -2147483648 : i32
        %reduce_min3A_443 = vector.broadcast %reduce_min3A_442 : i32 to vector<16xi32>
        %reduce_min3A_444 = arith.xori %select_n3A, %reduce_min3A_443 : vector<16xi32>
        %reduce_min3A_445 = tpu.scan <min>, %reduce_min3A_444 masked %reduce_min3A_441 : vector<16xi32>, vector<16xi1> -> vector<16xi32>
        %reduce_min3A_446 = arith.xori %reduce_min3A_445, %reduce_min3A_443 : vector<16xi32>
        %reduce_min3A_447 = vector.extract %reduce_min3A_446[15] : i32 from vector<16xi32>
        %broadcast_in_dim3A_448 = vector.broadcast %reduce_min3A_447 : i32 to vector<16xi32>
        %eq3A_449 = arith.constant 0 : i32
        %eq3A_450 = vector.broadcast %eq3A_449 : i32 to vector<16xi32>
        %eq3A_451 = arith.cmpi eq, %iota3A, %eq3A_450 : vector<16xi32>
        tpu.vector_store_idx %arg14[%broadcast_in_dim3A_448], %broadcast_in_dim3A_2 masked %eq3A_451 : memref<5152xf32, #tpu.memory_space<vmem>>[vector<16xi32>], vector<16xf32>, vector<16xi1>
        %gather3A = tpu.vector_load_idx %arg13[%broadcast_in_dim3A_448] : memref<5136xi32, #tpu.memory_space<vmem>>[vector<16xi32>], vector<16xi32>,
        %mul3A_452 = arith.constant 4 : i32
        %mul3A_453 = vector.broadcast %mul3A_452 : i32 to vector<16xi32>
        %mul3A_454 = arith.muli %gather3A, %mul3A_453 : vector<16xi32>
        %gather3A_455 = tpu.vector_load_idx %arg8[%mul3A_454] : memref<20000xf32, #tpu.memory_space<vmem>>[vector<16xi32>], vector<16xf32>,
        %add3A_456 = vector.broadcast %mul3A_194 : f32 to vector<16xf32>
        %add3A_457 = arith.addf %gather3A_455, %add3A_456 : vector<16xf32>
        %add3A_458 = arith.constant 1 : i32
        %add3A_459 = vector.broadcast %add3A_458 : i32 to vector<16xi32>
        %add3A_460 = arith.addi %mul3A_454, %add3A_459 : vector<16xi32>
        %gather3A_461 = tpu.vector_load_idx %arg8[%add3A_460] : memref<20000xf32, #tpu.memory_space<vmem>>[vector<16xi32>], vector<16xf32>,
        %add3A_462 = vector.broadcast %mul3A_194 : f32 to vector<16xf32>
        %add3A_463 = arith.addf %gather3A_461, %add3A_462 : vector<16xf32>
        %add3A_464 = arith.constant 2 : i32
        %add3A_465 = vector.broadcast %add3A_464 : i32 to vector<16xi32>
        %add3A_466 = arith.addi %mul3A_454, %add3A_465 : vector<16xi32>
        %gather3A_467 = tpu.vector_load_idx %arg8[%add3A_466] : memref<20000xf32, #tpu.memory_space<vmem>>[vector<16xi32>], vector<16xf32>,
        %add3A_468 = vector.broadcast %mul3A_194 : f32 to vector<16xf32>
        %add3A_469 = arith.addf %gather3A_467, %add3A_468 : vector<16xf32>
        %add3A_470 = arith.constant 3 : i32
        %add3A_471 = vector.broadcast %add3A_470 : i32 to vector<16xi32>
        %add3A_472 = arith.addi %mul3A_454, %add3A_471 : vector<16xi32>
        %gather3A_473 = tpu.vector_load_idx %arg8[%add3A_472] : memref<20000xf32, #tpu.memory_space<vmem>>[vector<16xi32>], vector<16xf32>,
        %add3A_474 = vector.broadcast %mul3A_194 : f32 to vector<16xf32>
        %add3A_475 = arith.addf %gather3A_473, %add3A_474 : vector<16xf32>
        %min3A = arith.minimumf %while3A_409, %add3A_469 : vector<16xf32>
        %max3A_476 = arith.maximumf %while3A_407, %add3A_457 : vector<16xf32>
        %sub3A = arith.subf %min3A, %max3A_476 : vector<16xf32>
        %max3A_477 = arith.constant 0.000000e+00 : f32
        %max3A_478 = vector.broadcast %max3A_477 : f32 to vector<16xf32>
        %max3A_479 = arith.maximumf %sub3A, %max3A_478 : vector<16xf32>
        %min3A_480 = arith.minimumf %while3A_410, %add3A_475 : vector<16xf32>
        %max3A_481 = arith.maximumf %while3A_408, %add3A_463 : vector<16xf32>
        %sub3A_482 = arith.subf %min3A_480, %max3A_481 : vector<16xf32>
        %max3A_483 = arith.constant 0.000000e+00 : f32
        %max3A_484 = vector.broadcast %max3A_483 : f32 to vector<16xf32>
        %max3A_485 = arith.maximumf %sub3A_482, %max3A_484 : vector<16xf32>
        %mul3A_486 = arith.mulf %max3A_479, %max3A_485 : vector<16xf32>
        %sub3A_487 = arith.subf %while3A_409, %while3A_407 : vector<16xf32>
        %sub3A_488 = arith.subf %while3A_410, %while3A_408 : vector<16xf32>
        %mul3A_489 = arith.mulf %sub3A_487, %sub3A_488 : vector<16xf32>
        %sub3A_490 = arith.subf %add3A_469, %add3A_457 : vector<16xf32>
        %sub3A_491 = arith.subf %add3A_475, %add3A_463 : vector<16xf32>
        %mul3A_492 = arith.mulf %sub3A_490, %sub3A_491 : vector<16xf32>
        %add3A_493 = arith.addf %mul3A_489, %mul3A_492 : vector<16xf32>
        %sub3A_494 = arith.subf %add3A_493, %mul3A_486 : vector<16xf32>
        %max3A_495 = arith.constant 9.99999971E-10 : f32
        %max3A_496 = vector.broadcast %max3A_495 : f32 to vector<16xf32>
        %max3A_497 = arith.maximumf %sub3A_494, %max3A_496 : vector<16xf32>
        %div3A = arith.divf %mul3A_486, %max3A_497 : vector<16xf32>
        %gt3A = arith.constant 5.000000e-01 : f32
        %gt3A_498 = vector.broadcast %gt3A : f32 to vector<16xf32>
        %gt3A_499 = arith.cmpf ogt, %div3A, %gt3A_498 : vector<16xf32>
        %all_reduce_population_count3A = tpu.all_reduce %gt3A_499 {dim = 0 : i64, kind = #tpu.reduction_kind<sum>} : vector<16xi1> -> vector<16xi32>
        %slice3A = vector.extract_strided_slice %all_reduce_population_count3A {offsets = [0], sizes = [1], strides = [1]} : vector<16xi32> to vector<1xi32>
        %squeeze3A = vector.extract %slice3A[0] : i32 from vector<1xi32>
        %gt3A_500 = arith.constant 0 : i32
        %gt3A_501 = arith.cmpi sgt, %squeeze3A, %gt3A_500 : i32
        %not3A = arith.constant true
        %not3A_502 = arith.xori %gt3A_501, %not3A : i1
        %eq3A_503 = vector.broadcast %while3A_406 : i32 to vector<16xi32>
        %eq3A_504 = arith.cmpi eq, %iota3A, %eq3A_503 : vector<16xi32>
        %and3A = vector.broadcast %not3A_502 : i1 to vector<16xi1>
        %and3A_505 = arith.andi %and3A, %eq3A_504 : vector<16xi1>
        %select_n3A_506 = arith.select %and3A_505, %add3A_457, %while3A_407 : vector<16xi1>, vector<16xf32>
        %select_n3A_507 = arith.select %and3A_505, %add3A_463, %while3A_408 : vector<16xi1>, vector<16xf32>
        %select_n3A_508 = arith.select %and3A_505, %add3A_469, %while3A_409 : vector<16xi1>, vector<16xf32>
        %select_n3A_509 = arith.select %and3A_505, %add3A_475, %while3A_410 : vector<16xi1>, vector<16xf32>
        %select_n3A_510 = arith.select %and3A_505, %gather3A, %while3A_411 : vector<16xi1>, vector<16xi32>
        %broadcast_in_dim3A_511 = vector.broadcast %reduce_max3A_433 : f32 to vector<16xf32>
        %select_n3A_512 = arith.select %and3A_505, %broadcast_in_dim3A_511, %while3A_412 : vector<16xi1>, vector<16xf32>
        %jit3A_513 = arith.constant 0 : i32
        %jit3A_514 = arith.constant 1 : i32
        %select_n3A_515 = arith.select %gt3A_501, %jit3A_513, %jit3A_514 : i32
        %add3A_516 = arith.addi %while3A_406, %select_n3A_515 : i32
        %add3A_517 = arith.constant 1 : i32
        %add3A_518 = arith.addi %while3A_405, %add3A_517 : i32
        scf.yield %add3A_518, %add3A_516, %select_n3A_506, %select_n3A_507, %select_n3A_508, %select_n3A_509, %select_n3A_510, %select_n3A_512 : i32, i32, vector<16xf32>, vector<16xf32>, vector<16xf32>, vector<16xf32>, vector<16xi32>, vector<16xf32>
      }
      %swap3A_238 = arith.constant 16 : index
      %swap3A_239 = tpu.vector_load %arg15[%swap3A_238] {strides = array<i32>} : memref<80xf32, #tpu.memory_space<vmem>>, vector<16xf32>,
      tpu.vector_store %arg15[%swap3A_238], %while3A_237#7 {strides = array<i32>} : memref<80xf32, #tpu.memory_space<vmem>>, vector<16xf32>,
      %swap3A_240 = arith.constant 16 : index
      %swap3A_241 = tpu.vector_load %arg16[%swap3A_240] {strides = array<i32>} : memref<80xi32, #tpu.memory_space<vmem>>, vector<16xi32>,
      tpu.vector_store %arg16[%swap3A_240], %while3A_237#6 {strides = array<i32>} : memref<80xi32, #tpu.memory_space<vmem>>, vector<16xi32>,
      %add3A_242 = arith.constant 2 : i32
      %add3A_243 = arith.addi %mul3A_60, %add3A_242 : i32
      %convert_element_type3A_244 = arith.sitofp %add3A_243 : i32 to f32
      %mul3A_245 = arith.mulf %convert_element_type3A_244, %add3A_140 : f32
      %while3A_246 = arith.constant 0 : i32
      %while3A_247 = arith.constant 0 : i32
      %while3A_248 = arith.subi %shift_right_arithmetic3A_72, %while3A_246 : i32
      %while3A_249 = arith.addi %while3A_246, %while3A_248 : i32
      %while3A_250 = arith.constant 1 : i32
      %while3A_251 = arith.divsi %while3A_248, %while3A_250 : i32
      %while3A_252 = arith.muli %while3A_251, %while3A_250 : i32
      %while3A_253 = arith.addi %while3A_246, %while3A_252 : i32
      %while3A_254 = arith.constant 1 : i32
      %while3A_255 = scf.for %while3A_405 = %while3A_246 to %while3A_253 step %while3A_254 iter_args(%while3A_406 = %while3A_247) -> (i32)  : i32 {
        %mul3A_407 = arith.constant 16 : i32
        %mul3A_408 = arith.muli %while3A_405, %mul3A_407 : i32
        %get3A_409 = arith.index_cast %mul3A_408 : i32 to index
        %get3A_410 = tpu.vector_load %arg12[%get3A_409] {strides = array<i32>} : memref<5136xi32, #tpu.memory_space<vmem>>, vector<16xi32>,
        %eq3A_411 = vector.broadcast %add3A_243 : i32 to vector<16xi32>
        %eq3A_412 = arith.cmpi eq, %get3A_410, %eq3A_411 : vector<16xi32>
        %mul3A_413 = arith.constant 16 : i32
        %mul3A_414 = arith.muli %while3A_405, %mul3A_413 : i32
        %get3A_415 = arith.index_cast %mul3A_414 : i32 to index
        %get3A_416 = tpu.vector_load %arg11[%get3A_415] {strides = array<i32>} : memref<5136xi32, #tpu.memory_space<vmem>>, vector<16xi32>,
        %swap3A_417 = arith.index_cast %while3A_406 : i32 to index
        %swap3A_418 = tpu.vector_load %arg13[%swap3A_417] masked %eq3A_412 {strides = array<i32>} : memref<5136xi32, #tpu.memory_space<vmem>>, vector<16xi32>, vector<16xi1>
        tpu.vector_store %arg13[%swap3A_417], %get3A_416 masked %eq3A_412 {strides = array<i32>} : memref<5136xi32, #tpu.memory_space<vmem>>, vector<16xi32>, vector<16xi1>
        %all_reduce_population_count3A = tpu.all_reduce %eq3A_412 {dim = 0 : i64, kind = #tpu.reduction_kind<sum>} : vector<16xi1> -> vector<16xi32>
        %slice3A = vector.extract_strided_slice %all_reduce_population_count3A {offsets = [0], sizes = [1], strides = [1]} : vector<16xi32> to vector<1xi32>
        %squeeze3A = vector.extract %slice3A[0] : i32 from vector<1xi32>
        %add3A_419 = arith.addi %while3A_406, %squeeze3A : i32
        scf.yield %add3A_419 : i32
      }
      %while3A_256 = arith.constant 1 : i32
      %while3A_257 = scf.for %while3A_405 = %while3A_253 to %while3A_249 step %while3A_256 iter_args(%while3A_406 = %while3A_255) -> (i32)  : i32 {
        %mul3A_407 = arith.constant 16 : i32
        %mul3A_408 = arith.muli %while3A_405, %mul3A_407 : i32
        %get3A_409 = arith.index_cast %mul3A_408 : i32 to index
        %get3A_410 = tpu.vector_load %arg12[%get3A_409] {strides = array<i32>} : memref<5136xi32, #tpu.memory_space<vmem>>, vector<16xi32>,
        %eq3A_411 = vector.broadcast %add3A_243 : i32 to vector<16xi32>
        %eq3A_412 = arith.cmpi eq, %get3A_410, %eq3A_411 : vector<16xi32>
        %mul3A_413 = arith.constant 16 : i32
        %mul3A_414 = arith.muli %while3A_405, %mul3A_413 : i32
        %get3A_415 = arith.index_cast %mul3A_414 : i32 to index
        %get3A_416 = tpu.vector_load %arg11[%get3A_415] {strides = array<i32>} : memref<5136xi32, #tpu.memory_space<vmem>>, vector<16xi32>,
        %swap3A_417 = arith.index_cast %while3A_406 : i32 to index
        %swap3A_418 = tpu.vector_load %arg13[%swap3A_417] masked %eq3A_412 {strides = array<i32>} : memref<5136xi32, #tpu.memory_space<vmem>>, vector<16xi32>, vector<16xi1>
        tpu.vector_store %arg13[%swap3A_417], %get3A_416 masked %eq3A_412 {strides = array<i32>} : memref<5136xi32, #tpu.memory_space<vmem>>, vector<16xi32>, vector<16xi1>
        %all_reduce_population_count3A = tpu.all_reduce %eq3A_412 {dim = 0 : i64, kind = #tpu.reduction_kind<sum>} : vector<16xi1> -> vector<16xi32>
        %slice3A = vector.extract_strided_slice %all_reduce_population_count3A {offsets = [0], sizes = [1], strides = [1]} : vector<16xi32> to vector<1xi32>
        %squeeze3A = vector.extract %slice3A[0] : i32 from vector<1xi32>
        %add3A_419 = arith.addi %while3A_406, %squeeze3A : i32
        scf.yield %add3A_419 : i32
      }
      %add3A_258 = arith.constant 15 : i32
      %add3A_259 = arith.addi %while3A_257, %add3A_258 : i32
      %shift_right_arithmetic3A_260 = arith.constant 4 : i32
      %shift_right_arithmetic3A_261 = arith.shrsi %add3A_259, %shift_right_arithmetic3A_260 : i32
      %broadcast_in_dim3A_262 = arith.constant 0 : i32
      %broadcast_in_dim3A_263 = vector.broadcast %broadcast_in_dim3A_262 : i32 to vector<16xi32>
      %swap3A_264 = arith.index_cast %while3A_257 : i32 to index
      %swap3A_265 = tpu.vector_load %arg13[%swap3A_264] masked %ge3A_1 {strides = array<i32>} : memref<5136xi32, #tpu.memory_space<vmem>>, vector<16xi32>, vector<16xi1>
      tpu.vector_store %arg13[%swap3A_264], %broadcast_in_dim3A_263 masked %ge3A_1 {strides = array<i32>} : memref<5136xi32, #tpu.memory_space<vmem>>, vector<16xi32>, vector<16xi1>
      %while3A_266 = arith.constant 0 : i32
      %while3A_267 = arith.constant 0 : i32
      %while3A_268 = arith.subi %shift_right_arithmetic3A_261, %while3A_266 : i32
      %while3A_269 = arith.addi %while3A_266, %while3A_268 : i32
      %while3A_270 = arith.constant 1 : i32
      %while3A_271 = arith.divsi %while3A_268, %while3A_270 : i32
      %while3A_272 = arith.muli %while3A_271, %while3A_270 : i32
      %while3A_273 = arith.addi %while3A_266, %while3A_272 : i32
      %while3A_274 = arith.constant 1 : i32
      %while3A_275 = scf.for %while3A_405 = %while3A_266 to %while3A_273 step %while3A_274 iter_args(%while3A_406 = %while3A_267) -> (i32)  : i32 {
        %mul3A_407 = arith.constant 16 : i32
        %mul3A_408 = arith.muli %while3A_405, %mul3A_407 : i32
        %get3A_409 = arith.index_cast %mul3A_408 : i32 to index
        %get3A_410 = tpu.vector_load %arg13[%get3A_409] {strides = array<i32>} : memref<5136xi32, #tpu.memory_space<vmem>>, vector<16xi32>,
        %gather3A = tpu.vector_load_idx %arg9[%get3A_410] : memref<5136xf32, #tpu.memory_space<vmem>>[vector<16xi32>], vector<16xf32>,
        %mul3A_411 = arith.constant 16 : i32
        %mul3A_412 = arith.muli %while3A_405, %mul3A_411 : i32
        %swap3A_413 = arith.index_cast %mul3A_412 : i32 to index
        %swap3A_414 = tpu.vector_load %arg14[%swap3A_413] {strides = array<i32>} : memref<5152xf32, #tpu.memory_space<vmem>>, vector<16xf32>,
        tpu.vector_store %arg14[%swap3A_413], %gather3A {strides = array<i32>} : memref<5152xf32, #tpu.memory_space<vmem>>, vector<16xf32>,
        %while3A_415 = arith.constant 0 : i32
        scf.yield %while3A_415 : i32
      }
      %while3A_276 = arith.constant 1 : i32
      %while3A_277 = scf.for %while3A_405 = %while3A_273 to %while3A_269 step %while3A_276 iter_args(%while3A_406 = %while3A_275) -> (i32)  : i32 {
        %mul3A_407 = arith.constant 16 : i32
        %mul3A_408 = arith.muli %while3A_405, %mul3A_407 : i32
        %get3A_409 = arith.index_cast %mul3A_408 : i32 to index
        %get3A_410 = tpu.vector_load %arg13[%get3A_409] {strides = array<i32>} : memref<5136xi32, #tpu.memory_space<vmem>>, vector<16xi32>,
        %gather3A = tpu.vector_load_idx %arg9[%get3A_410] : memref<5136xf32, #tpu.memory_space<vmem>>[vector<16xi32>], vector<16xf32>,
        %mul3A_411 = arith.constant 16 : i32
        %mul3A_412 = arith.muli %while3A_405, %mul3A_411 : i32
        %swap3A_413 = arith.index_cast %mul3A_412 : i32 to index
        %swap3A_414 = tpu.vector_load %arg14[%swap3A_413] {strides = array<i32>} : memref<5152xf32, #tpu.memory_space<vmem>>, vector<16xf32>,
        tpu.vector_store %arg14[%swap3A_413], %gather3A {strides = array<i32>} : memref<5152xf32, #tpu.memory_space<vmem>>, vector<16xf32>,
        %while3A_415 = arith.constant 0 : i32
        scf.yield %while3A_415 : i32
      }
      %swap3A_278 = arith.index_cast %while3A_257 : i32 to index
      %swap3A_279 = tpu.vector_load %arg14[%swap3A_278] masked %ge3A_1 {strides = array<i32>} : memref<5152xf32, #tpu.memory_space<vmem>>, vector<16xf32>, vector<16xi1>
      tpu.vector_store %arg14[%swap3A_278], %broadcast_in_dim3A_2 masked %ge3A_1 {strides = array<i32>} : memref<5152xf32, #tpu.memory_space<vmem>>, vector<16xf32>, vector<16xi1>
      %add3A_280 = arith.constant 16 : i32
      %add3A_281 = arith.addi %while3A_257, %add3A_280 : i32
      %swap3A_282 = arith.index_cast %add3A_281 : i32 to index
      %swap3A_283 = tpu.vector_load %arg14[%swap3A_282] masked %ge3A_1 {strides = array<i32>} : memref<5152xf32, #tpu.memory_space<vmem>>, vector<16xf32>, vector<16xi1>
      tpu.vector_store %arg14[%swap3A_282], %broadcast_in_dim3A_2 masked %ge3A_1 {strides = array<i32>} : memref<5152xf32, #tpu.memory_space<vmem>>, vector<16xf32>, vector<16xi1>
      %broadcast_in_dim3A_284 = arith.constant 3.000000e+09 : f32
      %broadcast_in_dim3A_285 = vector.broadcast %broadcast_in_dim3A_284 : f32 to vector<16xf32>
      %while3A_286 = arith.constant 0 : i32
      %while3A_287 = arith.constant 0 : i32
      %while3A_288:8 = scf.while (%while3A_405 = %while3A_286, %while3A_406 = %while3A_287, %while3A_407 = %broadcast_in_dim3A_285, %while3A_408 = %broadcast_in_dim3A_285, %while3A_409 = %broadcast_in_dim3A_285, %while3A_410 = %broadcast_in_dim3A_285, %while3A_411 = %broadcast_in_dim3A_4, %while3A_412 = %broadcast_in_dim3A_2) : (i32, i32, vector<16xf32>, vector<16xf32>, vector<16xf32>, vector<16xf32>, vector<16xi32>, vector<16xf32>) -> (i32, i32, vector<16xf32>, vector<16xf32>, vector<16xf32>, vector<16xf32>, vector<16xi32>, vector<16xf32>) {
        %lt3A = arith.cmpi slt, %while3A_405, %while3A_257 : i32
        %lt3A_413 = arith.constant 15 : i32
        %lt3A_414 = arith.cmpi slt, %while3A_406, %lt3A_413 : i32
        %and3A = arith.andi %lt3A, %lt3A_414 : i1
        scf.condition(%and3A) %while3A_405, %while3A_406, %while3A_407, %while3A_408, %while3A_409, %while3A_410, %while3A_411, %while3A_412 : i32, i32, vector<16xf32>, vector<16xf32>, vector<16xf32>, vector<16xf32>, vector<16xi32>, vector<16xf32>
      } do {
      ^bb0(%while3A_405: i32, %while3A_406: i32, %while3A_407: vector<16xf32>, %while3A_408: vector<16xf32>, %while3A_409: vector<16xf32>, %while3A_410: vector<16xf32>, %while3A_411: vector<16xi32>, %while3A_412: vector<16xf32>):
        %add3A_413 = arith.constant 31 : i32
        %add3A_414 = arith.addi %while3A_257, %add3A_413 : i32
        %shift_right_arithmetic3A_415 = arith.constant 5 : i32
        %shift_right_arithmetic3A_416 = arith.shrsi %add3A_414, %shift_right_arithmetic3A_415 : i32
        %broadcast_in_dim3A_417 = arith.constant 0 : i32
        %broadcast_in_dim3A_418 = vector.broadcast %broadcast_in_dim3A_417 : i32 to vector<16xi32>
        %while3A_419 = arith.constant 0 : i32
        %while3A_420 = arith.subi %shift_right_arithmetic3A_416, %while3A_419 : i32
        %while3A_421 = arith.addi %while3A_419, %while3A_420 : i32
        %while3A_422 = arith.constant 1 : i32
        %while3A_423 = arith.divsi %while3A_420, %while3A_422 : i32
        %while3A_424 = arith.muli %while3A_423, %while3A_422 : i32
        %while3A_425 = arith.addi %while3A_419, %while3A_424 : i32
        %while3A_426 = arith.constant 1 : i32
        %while3A_427:2 = scf.for %while3A_519 = %while3A_419 to %while3A_425 step %while3A_426 iter_args(%while3A_520 = %broadcast_in_dim3A_2, %while3A_521 = %broadcast_in_dim3A_418) -> (vector<16xf32>, vector<16xi32>)  : i32 {
          %mul3A_522 = arith.constant 2 : i32
          %mul3A_523 = arith.muli %mul3A_522, %while3A_519 : i32
          %mul3A_524 = arith.constant 16 : i32
          %mul3A_525 = arith.muli %mul3A_523, %mul3A_524 : i32
          %get3A_526 = arith.index_cast %mul3A_525 : i32 to index
          %get3A_527 = tpu.vector_load %arg14[%get3A_526] {strides = array<i32>} : memref<5152xf32, #tpu.memory_space<vmem>>, vector<16xf32>,
          %gt3A_528 = arith.cmpf ogt, %get3A_527, %while3A_520 : vector<16xf32>
          %select_n3A_529 = arith.select %gt3A_528, %get3A_527, %while3A_520 : vector<16xi1>, vector<16xf32>
          %mul3A_530 = arith.constant 2 : i32
          %mul3A_531 = arith.muli %mul3A_530, %while3A_519 : i32
          %broadcast_in_dim3A_532 = vector.broadcast %mul3A_531 : i32 to vector<16xi32>
          %select_n3A_533 = arith.select %gt3A_528, %broadcast_in_dim3A_532, %while3A_521 : vector<16xi1>, vector<16xi32>
          %mul3A_534 = arith.constant 2 : i32
          %mul3A_535 = arith.muli %mul3A_534, %while3A_519 : i32
          %add3A_536 = arith.constant 1 : i32
          %add3A_537 = arith.addi %mul3A_535, %add3A_536 : i32
          %mul3A_538 = arith.constant 16 : i32
          %mul3A_539 = arith.muli %add3A_537, %mul3A_538 : i32
          %get3A_540 = arith.index_cast %mul3A_539 : i32 to index
          %get3A_541 = tpu.vector_load %arg14[%get3A_540] {strides = array<i32>} : memref<5152xf32, #tpu.memory_space<vmem>>, vector<16xf32>,
          %gt3A_542 = arith.cmpf ogt, %get3A_541, %select_n3A_529 : vector<16xf32>
          %select_n3A_543 = arith.select %gt3A_542, %get3A_541, %select_n3A_529 : vector<16xi1>, vector<16xf32>
          %mul3A_544 = arith.constant 2 : i32
          %mul3A_545 = arith.muli %mul3A_544, %while3A_519 : i32
          %add3A_546 = arith.constant 1 : i32
          %add3A_547 = arith.addi %mul3A_545, %add3A_546 : i32
          %broadcast_in_dim3A_548 = vector.broadcast %add3A_547 : i32 to vector<16xi32>
          %select_n3A_549 = arith.select %gt3A_542, %broadcast_in_dim3A_548, %select_n3A_533 : vector<16xi1>, vector<16xi32>
          scf.yield %select_n3A_543, %select_n3A_549 : vector<16xf32>, vector<16xi32>
        }
        %while3A_428 = arith.constant 1 : i32
        %while3A_429:2 = scf.for %while3A_519 = %while3A_425 to %while3A_421 step %while3A_428 iter_args(%while3A_520 = %while3A_427#0, %while3A_521 = %while3A_427#1) -> (vector<16xf32>, vector<16xi32>)  : i32 {
          %mul3A_522 = arith.constant 2 : i32
          %mul3A_523 = arith.muli %mul3A_522, %while3A_519 : i32
          %mul3A_524 = arith.constant 16 : i32
          %mul3A_525 = arith.muli %mul3A_523, %mul3A_524 : i32
          %get3A_526 = arith.index_cast %mul3A_525 : i32 to index
          %get3A_527 = tpu.vector_load %arg14[%get3A_526] {strides = array<i32>} : memref<5152xf32, #tpu.memory_space<vmem>>, vector<16xf32>,
          %gt3A_528 = arith.cmpf ogt, %get3A_527, %while3A_520 : vector<16xf32>
          %select_n3A_529 = arith.select %gt3A_528, %get3A_527, %while3A_520 : vector<16xi1>, vector<16xf32>
          %mul3A_530 = arith.constant 2 : i32
          %mul3A_531 = arith.muli %mul3A_530, %while3A_519 : i32
          %broadcast_in_dim3A_532 = vector.broadcast %mul3A_531 : i32 to vector<16xi32>
          %select_n3A_533 = arith.select %gt3A_528, %broadcast_in_dim3A_532, %while3A_521 : vector<16xi1>, vector<16xi32>
          %mul3A_534 = arith.constant 2 : i32
          %mul3A_535 = arith.muli %mul3A_534, %while3A_519 : i32
          %add3A_536 = arith.constant 1 : i32
          %add3A_537 = arith.addi %mul3A_535, %add3A_536 : i32
          %mul3A_538 = arith.constant 16 : i32
          %mul3A_539 = arith.muli %add3A_537, %mul3A_538 : i32
          %get3A_540 = arith.index_cast %mul3A_539 : i32 to index
          %get3A_541 = tpu.vector_load %arg14[%get3A_540] {strides = array<i32>} : memref<5152xf32, #tpu.memory_space<vmem>>, vector<16xf32>,
          %gt3A_542 = arith.cmpf ogt, %get3A_541, %select_n3A_529 : vector<16xf32>
          %select_n3A_543 = arith.select %gt3A_542, %get3A_541, %select_n3A_529 : vector<16xi1>, vector<16xf32>
          %mul3A_544 = arith.constant 2 : i32
          %mul3A_545 = arith.muli %mul3A_544, %while3A_519 : i32
          %add3A_546 = arith.constant 1 : i32
          %add3A_547 = arith.addi %mul3A_545, %add3A_546 : i32
          %broadcast_in_dim3A_548 = vector.broadcast %add3A_547 : i32 to vector<16xi32>
          %select_n3A_549 = arith.select %gt3A_542, %broadcast_in_dim3A_548, %select_n3A_533 : vector<16xi1>, vector<16xi32>
          scf.yield %select_n3A_543, %select_n3A_549 : vector<16xf32>, vector<16xi32>
        }
        %reduce_max3A_430 = arith.constant true
        %reduce_max3A_431 = vector.broadcast %reduce_max3A_430 : i1 to vector<16xi1>
        %reduce_max3A_432 = tpu.scan <max>, %while3A_429#0 masked %reduce_max3A_431 : vector<16xf32>, vector<16xi1> -> vector<16xf32>
        %reduce_max3A_433 = vector.extract %reduce_max3A_432[15] : f32 from vector<16xf32>
        %eq3A_434 = vector.broadcast %reduce_max3A_433 : f32 to vector<16xf32>
        %eq3A_435 = arith.cmpf oeq, %while3A_429#0, %eq3A_434 : vector<16xf32>
        %mul3A_436 = arith.constant 16 : i32
        %mul3A_437 = vector.broadcast %mul3A_436 : i32 to vector<16xi32>
        %mul3A_438 = arith.muli %while3A_429#1, %mul3A_437 : vector<16xi32>
        %add3A_439 = arith.addi %mul3A_438, %iota3A : vector<16xi32>
        %jit3A = arith.constant 1073741824 : i32
        %broadcast_in_dim3A_440 = vector.broadcast %jit3A : i32 to vector<16xi32>
        %select_n3A = arith.select %eq3A_435, %add3A_439, %broadcast_in_dim3A_440 : vector<16xi1>, vector<16xi32>
        %reduce_min3A = arith.constant true
        %reduce_min3A_441 = vector.broadcast %reduce_min3A : i1 to vector<16xi1>
        %reduce_min3A_442 = arith.constant -2147483648 : i32
        %reduce_min3A_443 = vector.broadcast %reduce_min3A_442 : i32 to vector<16xi32>
        %reduce_min3A_444 = arith.xori %select_n3A, %reduce_min3A_443 : vector<16xi32>
        %reduce_min3A_445 = tpu.scan <min>, %reduce_min3A_444 masked %reduce_min3A_441 : vector<16xi32>, vector<16xi1> -> vector<16xi32>
        %reduce_min3A_446 = arith.xori %reduce_min3A_445, %reduce_min3A_443 : vector<16xi32>
        %reduce_min3A_447 = vector.extract %reduce_min3A_446[15] : i32 from vector<16xi32>
        %broadcast_in_dim3A_448 = vector.broadcast %reduce_min3A_447 : i32 to vector<16xi32>
        %eq3A_449 = arith.constant 0 : i32
        %eq3A_450 = vector.broadcast %eq3A_449 : i32 to vector<16xi32>
        %eq3A_451 = arith.cmpi eq, %iota3A, %eq3A_450 : vector<16xi32>
        tpu.vector_store_idx %arg14[%broadcast_in_dim3A_448], %broadcast_in_dim3A_2 masked %eq3A_451 : memref<5152xf32, #tpu.memory_space<vmem>>[vector<16xi32>], vector<16xf32>, vector<16xi1>
        %gather3A = tpu.vector_load_idx %arg13[%broadcast_in_dim3A_448] : memref<5136xi32, #tpu.memory_space<vmem>>[vector<16xi32>], vector<16xi32>,
        %mul3A_452 = arith.constant 4 : i32
        %mul3A_453 = vector.broadcast %mul3A_452 : i32 to vector<16xi32>
        %mul3A_454 = arith.muli %gather3A, %mul3A_453 : vector<16xi32>
        %gather3A_455 = tpu.vector_load_idx %arg8[%mul3A_454] : memref<20000xf32, #tpu.memory_space<vmem>>[vector<16xi32>], vector<16xf32>,
        %add3A_456 = vector.broadcast %mul3A_245 : f32 to vector<16xf32>
        %add3A_457 = arith.addf %gather3A_455, %add3A_456 : vector<16xf32>
        %add3A_458 = arith.constant 1 : i32
        %add3A_459 = vector.broadcast %add3A_458 : i32 to vector<16xi32>
        %add3A_460 = arith.addi %mul3A_454, %add3A_459 : vector<16xi32>
        %gather3A_461 = tpu.vector_load_idx %arg8[%add3A_460] : memref<20000xf32, #tpu.memory_space<vmem>>[vector<16xi32>], vector<16xf32>,
        %add3A_462 = vector.broadcast %mul3A_245 : f32 to vector<16xf32>
        %add3A_463 = arith.addf %gather3A_461, %add3A_462 : vector<16xf32>
        %add3A_464 = arith.constant 2 : i32
        %add3A_465 = vector.broadcast %add3A_464 : i32 to vector<16xi32>
        %add3A_466 = arith.addi %mul3A_454, %add3A_465 : vector<16xi32>
        %gather3A_467 = tpu.vector_load_idx %arg8[%add3A_466] : memref<20000xf32, #tpu.memory_space<vmem>>[vector<16xi32>], vector<16xf32>,
        %add3A_468 = vector.broadcast %mul3A_245 : f32 to vector<16xf32>
        %add3A_469 = arith.addf %gather3A_467, %add3A_468 : vector<16xf32>
        %add3A_470 = arith.constant 3 : i32
        %add3A_471 = vector.broadcast %add3A_470 : i32 to vector<16xi32>
        %add3A_472 = arith.addi %mul3A_454, %add3A_471 : vector<16xi32>
        %gather3A_473 = tpu.vector_load_idx %arg8[%add3A_472] : memref<20000xf32, #tpu.memory_space<vmem>>[vector<16xi32>], vector<16xf32>,
        %add3A_474 = vector.broadcast %mul3A_245 : f32 to vector<16xf32>
        %add3A_475 = arith.addf %gather3A_473, %add3A_474 : vector<16xf32>
        %min3A = arith.minimumf %while3A_409, %add3A_469 : vector<16xf32>
        %max3A_476 = arith.maximumf %while3A_407, %add3A_457 : vector<16xf32>
        %sub3A = arith.subf %min3A, %max3A_476 : vector<16xf32>
        %max3A_477 = arith.constant 0.000000e+00 : f32
        %max3A_478 = vector.broadcast %max3A_477 : f32 to vector<16xf32>
        %max3A_479 = arith.maximumf %sub3A, %max3A_478 : vector<16xf32>
        %min3A_480 = arith.minimumf %while3A_410, %add3A_475 : vector<16xf32>
        %max3A_481 = arith.maximumf %while3A_408, %add3A_463 : vector<16xf32>
        %sub3A_482 = arith.subf %min3A_480, %max3A_481 : vector<16xf32>
        %max3A_483 = arith.constant 0.000000e+00 : f32
        %max3A_484 = vector.broadcast %max3A_483 : f32 to vector<16xf32>
        %max3A_485 = arith.maximumf %sub3A_482, %max3A_484 : vector<16xf32>
        %mul3A_486 = arith.mulf %max3A_479, %max3A_485 : vector<16xf32>
        %sub3A_487 = arith.subf %while3A_409, %while3A_407 : vector<16xf32>
        %sub3A_488 = arith.subf %while3A_410, %while3A_408 : vector<16xf32>
        %mul3A_489 = arith.mulf %sub3A_487, %sub3A_488 : vector<16xf32>
        %sub3A_490 = arith.subf %add3A_469, %add3A_457 : vector<16xf32>
        %sub3A_491 = arith.subf %add3A_475, %add3A_463 : vector<16xf32>
        %mul3A_492 = arith.mulf %sub3A_490, %sub3A_491 : vector<16xf32>
        %add3A_493 = arith.addf %mul3A_489, %mul3A_492 : vector<16xf32>
        %sub3A_494 = arith.subf %add3A_493, %mul3A_486 : vector<16xf32>
        %max3A_495 = arith.constant 9.99999971E-10 : f32
        %max3A_496 = vector.broadcast %max3A_495 : f32 to vector<16xf32>
        %max3A_497 = arith.maximumf %sub3A_494, %max3A_496 : vector<16xf32>
        %div3A = arith.divf %mul3A_486, %max3A_497 : vector<16xf32>
        %gt3A = arith.constant 5.000000e-01 : f32
        %gt3A_498 = vector.broadcast %gt3A : f32 to vector<16xf32>
        %gt3A_499 = arith.cmpf ogt, %div3A, %gt3A_498 : vector<16xf32>
        %all_reduce_population_count3A = tpu.all_reduce %gt3A_499 {dim = 0 : i64, kind = #tpu.reduction_kind<sum>} : vector<16xi1> -> vector<16xi32>
        %slice3A = vector.extract_strided_slice %all_reduce_population_count3A {offsets = [0], sizes = [1], strides = [1]} : vector<16xi32> to vector<1xi32>
        %squeeze3A = vector.extract %slice3A[0] : i32 from vector<1xi32>
        %gt3A_500 = arith.constant 0 : i32
        %gt3A_501 = arith.cmpi sgt, %squeeze3A, %gt3A_500 : i32
        %not3A = arith.constant true
        %not3A_502 = arith.xori %gt3A_501, %not3A : i1
        %eq3A_503 = vector.broadcast %while3A_406 : i32 to vector<16xi32>
        %eq3A_504 = arith.cmpi eq, %iota3A, %eq3A_503 : vector<16xi32>
        %and3A = vector.broadcast %not3A_502 : i1 to vector<16xi1>
        %and3A_505 = arith.andi %and3A, %eq3A_504 : vector<16xi1>
        %select_n3A_506 = arith.select %and3A_505, %add3A_457, %while3A_407 : vector<16xi1>, vector<16xf32>
        %select_n3A_507 = arith.select %and3A_505, %add3A_463, %while3A_408 : vector<16xi1>, vector<16xf32>
        %select_n3A_508 = arith.select %and3A_505, %add3A_469, %while3A_409 : vector<16xi1>, vector<16xf32>
        %select_n3A_509 = arith.select %and3A_505, %add3A_475, %while3A_410 : vector<16xi1>, vector<16xf32>
        %select_n3A_510 = arith.select %and3A_505, %gather3A, %while3A_411 : vector<16xi1>, vector<16xi32>
        %broadcast_in_dim3A_511 = vector.broadcast %reduce_max3A_433 : f32 to vector<16xf32>
        %select_n3A_512 = arith.select %and3A_505, %broadcast_in_dim3A_511, %while3A_412 : vector<16xi1>, vector<16xf32>
        %jit3A_513 = arith.constant 0 : i32
        %jit3A_514 = arith.constant 1 : i32
        %select_n3A_515 = arith.select %gt3A_501, %jit3A_513, %jit3A_514 : i32
        %add3A_516 = arith.addi %while3A_406, %select_n3A_515 : i32
        %add3A_517 = arith.constant 1 : i32
        %add3A_518 = arith.addi %while3A_405, %add3A_517 : i32
        scf.yield %add3A_518, %add3A_516, %select_n3A_506, %select_n3A_507, %select_n3A_508, %select_n3A_509, %select_n3A_510, %select_n3A_512 : i32, i32, vector<16xf32>, vector<16xf32>, vector<16xf32>, vector<16xf32>, vector<16xi32>, vector<16xf32>
      }
      %swap3A_289 = arith.constant 32 : index
      %swap3A_290 = tpu.vector_load %arg15[%swap3A_289] {strides = array<i32>} : memref<80xf32, #tpu.memory_space<vmem>>, vector<16xf32>,
      tpu.vector_store %arg15[%swap3A_289], %while3A_288#7 {strides = array<i32>} : memref<80xf32, #tpu.memory_space<vmem>>, vector<16xf32>,
      %swap3A_291 = arith.constant 32 : index
      %swap3A_292 = tpu.vector_load %arg16[%swap3A_291] {strides = array<i32>} : memref<80xi32, #tpu.memory_space<vmem>>, vector<16xi32>,
      tpu.vector_store %arg16[%swap3A_291], %while3A_288#6 {strides = array<i32>} : memref<80xi32, #tpu.memory_space<vmem>>, vector<16xi32>,
      %add3A_293 = arith.constant 3 : i32
      %add3A_294 = arith.addi %mul3A_60, %add3A_293 : i32
      %convert_element_type3A_295 = arith.sitofp %add3A_294 : i32 to f32
      %mul3A_296 = arith.mulf %convert_element_type3A_295, %add3A_140 : f32
      %while3A_297 = arith.constant 0 : i32
      %while3A_298 = arith.constant 0 : i32
      %while3A_299 = arith.subi %shift_right_arithmetic3A_72, %while3A_297 : i32
      %while3A_300 = arith.addi %while3A_297, %while3A_299 : i32
      %while3A_301 = arith.constant 1 : i32
      %while3A_302 = arith.divsi %while3A_299, %while3A_301 : i32
      %while3A_303 = arith.muli %while3A_302, %while3A_301 : i32
      %while3A_304 = arith.addi %while3A_297, %while3A_303 : i32
      %while3A_305 = arith.constant 1 : i32
      %while3A_306 = scf.for %while3A_405 = %while3A_297 to %while3A_304 step %while3A_305 iter_args(%while3A_406 = %while3A_298) -> (i32)  : i32 {
        %mul3A_407 = arith.constant 16 : i32
        %mul3A_408 = arith.muli %while3A_405, %mul3A_407 : i32
        %get3A_409 = arith.index_cast %mul3A_408 : i32 to index
        %get3A_410 = tpu.vector_load %arg12[%get3A_409] {strides = array<i32>} : memref<5136xi32, #tpu.memory_space<vmem>>, vector<16xi32>,
        %eq3A_411 = vector.broadcast %add3A_294 : i32 to vector<16xi32>
        %eq3A_412 = arith.cmpi eq, %get3A_410, %eq3A_411 : vector<16xi32>
        %mul3A_413 = arith.constant 16 : i32
        %mul3A_414 = arith.muli %while3A_405, %mul3A_413 : i32
        %get3A_415 = arith.index_cast %mul3A_414 : i32 to index
        %get3A_416 = tpu.vector_load %arg11[%get3A_415] {strides = array<i32>} : memref<5136xi32, #tpu.memory_space<vmem>>, vector<16xi32>,
        %swap3A_417 = arith.index_cast %while3A_406 : i32 to index
        %swap3A_418 = tpu.vector_load %arg13[%swap3A_417] masked %eq3A_412 {strides = array<i32>} : memref<5136xi32, #tpu.memory_space<vmem>>, vector<16xi32>, vector<16xi1>
        tpu.vector_store %arg13[%swap3A_417], %get3A_416 masked %eq3A_412 {strides = array<i32>} : memref<5136xi32, #tpu.memory_space<vmem>>, vector<16xi32>, vector<16xi1>
        %all_reduce_population_count3A = tpu.all_reduce %eq3A_412 {dim = 0 : i64, kind = #tpu.reduction_kind<sum>} : vector<16xi1> -> vector<16xi32>
        %slice3A = vector.extract_strided_slice %all_reduce_population_count3A {offsets = [0], sizes = [1], strides = [1]} : vector<16xi32> to vector<1xi32>
        %squeeze3A = vector.extract %slice3A[0] : i32 from vector<1xi32>
        %add3A_419 = arith.addi %while3A_406, %squeeze3A : i32
        scf.yield %add3A_419 : i32
      }
      %while3A_307 = arith.constant 1 : i32
      %while3A_308 = scf.for %while3A_405 = %while3A_304 to %while3A_300 step %while3A_307 iter_args(%while3A_406 = %while3A_306) -> (i32)  : i32 {
        %mul3A_407 = arith.constant 16 : i32
        %mul3A_408 = arith.muli %while3A_405, %mul3A_407 : i32
        %get3A_409 = arith.index_cast %mul3A_408 : i32 to index
        %get3A_410 = tpu.vector_load %arg12[%get3A_409] {strides = array<i32>} : memref<5136xi32, #tpu.memory_space<vmem>>, vector<16xi32>,
        %eq3A_411 = vector.broadcast %add3A_294 : i32 to vector<16xi32>
        %eq3A_412 = arith.cmpi eq, %get3A_410, %eq3A_411 : vector<16xi32>
        %mul3A_413 = arith.constant 16 : i32
        %mul3A_414 = arith.muli %while3A_405, %mul3A_413 : i32
        %get3A_415 = arith.index_cast %mul3A_414 : i32 to index
        %get3A_416 = tpu.vector_load %arg11[%get3A_415] {strides = array<i32>} : memref<5136xi32, #tpu.memory_space<vmem>>, vector<16xi32>,
        %swap3A_417 = arith.index_cast %while3A_406 : i32 to index
        %swap3A_418 = tpu.vector_load %arg13[%swap3A_417] masked %eq3A_412 {strides = array<i32>} : memref<5136xi32, #tpu.memory_space<vmem>>, vector<16xi32>, vector<16xi1>
        tpu.vector_store %arg13[%swap3A_417], %get3A_416 masked %eq3A_412 {strides = array<i32>} : memref<5136xi32, #tpu.memory_space<vmem>>, vector<16xi32>, vector<16xi1>
        %all_reduce_population_count3A = tpu.all_reduce %eq3A_412 {dim = 0 : i64, kind = #tpu.reduction_kind<sum>} : vector<16xi1> -> vector<16xi32>
        %slice3A = vector.extract_strided_slice %all_reduce_population_count3A {offsets = [0], sizes = [1], strides = [1]} : vector<16xi32> to vector<1xi32>
        %squeeze3A = vector.extract %slice3A[0] : i32 from vector<1xi32>
        %add3A_419 = arith.addi %while3A_406, %squeeze3A : i32
        scf.yield %add3A_419 : i32
      }
      %add3A_309 = arith.constant 15 : i32
      %add3A_310 = arith.addi %while3A_308, %add3A_309 : i32
      %shift_right_arithmetic3A_311 = arith.constant 4 : i32
      %shift_right_arithmetic3A_312 = arith.shrsi %add3A_310, %shift_right_arithmetic3A_311 : i32
      %broadcast_in_dim3A_313 = arith.constant 0 : i32
      %broadcast_in_dim3A_314 = vector.broadcast %broadcast_in_dim3A_313 : i32 to vector<16xi32>
      %swap3A_315 = arith.index_cast %while3A_308 : i32 to index
      %swap3A_316 = tpu.vector_load %arg13[%swap3A_315] masked %ge3A_1 {strides = array<i32>} : memref<5136xi32, #tpu.memory_space<vmem>>, vector<16xi32>, vector<16xi1>
      tpu.vector_store %arg13[%swap3A_315], %broadcast_in_dim3A_314 masked %ge3A_1 {strides = array<i32>} : memref<5136xi32, #tpu.memory_space<vmem>>, vector<16xi32>, vector<16xi1>
      %while3A_317 = arith.constant 0 : i32
      %while3A_318 = arith.constant 0 : i32
      %while3A_319 = arith.subi %shift_right_arithmetic3A_312, %while3A_317 : i32
      %while3A_320 = arith.addi %while3A_317, %while3A_319 : i32
      %while3A_321 = arith.constant 1 : i32
      %while3A_322 = arith.divsi %while3A_319, %while3A_321 : i32
      %while3A_323 = arith.muli %while3A_322, %while3A_321 : i32
      %while3A_324 = arith.addi %while3A_317, %while3A_323 : i32
      %while3A_325 = arith.constant 1 : i32
      %while3A_326 = scf.for %while3A_405 = %while3A_317 to %while3A_324 step %while3A_325 iter_args(%while3A_406 = %while3A_318) -> (i32)  : i32 {
        %mul3A_407 = arith.constant 16 : i32
        %mul3A_408 = arith.muli %while3A_405, %mul3A_407 : i32
        %get3A_409 = arith.index_cast %mul3A_408 : i32 to index
        %get3A_410 = tpu.vector_load %arg13[%get3A_409] {strides = array<i32>} : memref<5136xi32, #tpu.memory_space<vmem>>, vector<16xi32>,
        %gather3A = tpu.vector_load_idx %arg9[%get3A_410] : memref<5136xf32, #tpu.memory_space<vmem>>[vector<16xi32>], vector<16xf32>,
        %mul3A_411 = arith.constant 16 : i32
        %mul3A_412 = arith.muli %while3A_405, %mul3A_411 : i32
        %swap3A_413 = arith.index_cast %mul3A_412 : i32 to index
        %swap3A_414 = tpu.vector_load %arg14[%swap3A_413] {strides = array<i32>} : memref<5152xf32, #tpu.memory_space<vmem>>, vector<16xf32>,
        tpu.vector_store %arg14[%swap3A_413], %gather3A {strides = array<i32>} : memref<5152xf32, #tpu.memory_space<vmem>>, vector<16xf32>,
        %while3A_415 = arith.constant 0 : i32
        scf.yield %while3A_415 : i32
      }
      %while3A_327 = arith.constant 1 : i32
      %while3A_328 = scf.for %while3A_405 = %while3A_324 to %while3A_320 step %while3A_327 iter_args(%while3A_406 = %while3A_326) -> (i32)  : i32 {
        %mul3A_407 = arith.constant 16 : i32
        %mul3A_408 = arith.muli %while3A_405, %mul3A_407 : i32
        %get3A_409 = arith.index_cast %mul3A_408 : i32 to index
        %get3A_410 = tpu.vector_load %arg13[%get3A_409] {strides = array<i32>} : memref<5136xi32, #tpu.memory_space<vmem>>, vector<16xi32>,
        %gather3A = tpu.vector_load_idx %arg9[%get3A_410] : memref<5136xf32, #tpu.memory_space<vmem>>[vector<16xi32>], vector<16xf32>,
        %mul3A_411 = arith.constant 16 : i32
        %mul3A_412 = arith.muli %while3A_405, %mul3A_411 : i32
        %swap3A_413 = arith.index_cast %mul3A_412 : i32 to index
        %swap3A_414 = tpu.vector_load %arg14[%swap3A_413] {strides = array<i32>} : memref<5152xf32, #tpu.memory_space<vmem>>, vector<16xf32>,
        tpu.vector_store %arg14[%swap3A_413], %gather3A {strides = array<i32>} : memref<5152xf32, #tpu.memory_space<vmem>>, vector<16xf32>,
        %while3A_415 = arith.constant 0 : i32
        scf.yield %while3A_415 : i32
      }
      %swap3A_329 = arith.index_cast %while3A_308 : i32 to index
      %swap3A_330 = tpu.vector_load %arg14[%swap3A_329] masked %ge3A_1 {strides = array<i32>} : memref<5152xf32, #tpu.memory_space<vmem>>, vector<16xf32>, vector<16xi1>
      tpu.vector_store %arg14[%swap3A_329], %broadcast_in_dim3A_2 masked %ge3A_1 {strides = array<i32>} : memref<5152xf32, #tpu.memory_space<vmem>>, vector<16xf32>, vector<16xi1>
      %add3A_331 = arith.constant 16 : i32
      %add3A_332 = arith.addi %while3A_308, %add3A_331 : i32
      %swap3A_333 = arith.index_cast %add3A_332 : i32 to index
      %swap3A_334 = tpu.vector_load %arg14[%swap3A_333] masked %ge3A_1 {strides = array<i32>} : memref<5152xf32, #tpu.memory_space<vmem>>, vector<16xf32>, vector<16xi1>
      tpu.vector_store %arg14[%swap3A_333], %broadcast_in_dim3A_2 masked %ge3A_1 {strides = array<i32>} : memref<5152xf32, #tpu.memory_space<vmem>>, vector<16xf32>, vector<16xi1>
      %broadcast_in_dim3A_335 = arith.constant 3.000000e+09 : f32
      %broadcast_in_dim3A_336 = vector.broadcast %broadcast_in_dim3A_335 : f32 to vector<16xf32>
      %while3A_337 = arith.constant 0 : i32
      %while3A_338 = arith.constant 0 : i32
      %while3A_339:8 = scf.while (%while3A_405 = %while3A_337, %while3A_406 = %while3A_338, %while3A_407 = %broadcast_in_dim3A_336, %while3A_408 = %broadcast_in_dim3A_336, %while3A_409 = %broadcast_in_dim3A_336, %while3A_410 = %broadcast_in_dim3A_336, %while3A_411 = %broadcast_in_dim3A_4, %while3A_412 = %broadcast_in_dim3A_2) : (i32, i32, vector<16xf32>, vector<16xf32>, vector<16xf32>, vector<16xf32>, vector<16xi32>, vector<16xf32>) -> (i32, i32, vector<16xf32>, vector<16xf32>, vector<16xf32>, vector<16xf32>, vector<16xi32>, vector<16xf32>) {
        %lt3A = arith.cmpi slt, %while3A_405, %while3A_308 : i32
        %lt3A_413 = arith.constant 15 : i32
        %lt3A_414 = arith.cmpi slt, %while3A_406, %lt3A_413 : i32
        %and3A = arith.andi %lt3A, %lt3A_414 : i1
        scf.condition(%and3A) %while3A_405, %while3A_406, %while3A_407, %while3A_408, %while3A_409, %while3A_410, %while3A_411, %while3A_412 : i32, i32, vector<16xf32>, vector<16xf32>, vector<16xf32>, vector<16xf32>, vector<16xi32>, vector<16xf32>
      } do {
      ^bb0(%while3A_405: i32, %while3A_406: i32, %while3A_407: vector<16xf32>, %while3A_408: vector<16xf32>, %while3A_409: vector<16xf32>, %while3A_410: vector<16xf32>, %while3A_411: vector<16xi32>, %while3A_412: vector<16xf32>):
        %add3A_413 = arith.constant 31 : i32
        %add3A_414 = arith.addi %while3A_308, %add3A_413 : i32
        %shift_right_arithmetic3A_415 = arith.constant 5 : i32
        %shift_right_arithmetic3A_416 = arith.shrsi %add3A_414, %shift_right_arithmetic3A_415 : i32
        %broadcast_in_dim3A_417 = arith.constant 0 : i32
        %broadcast_in_dim3A_418 = vector.broadcast %broadcast_in_dim3A_417 : i32 to vector<16xi32>
        %while3A_419 = arith.constant 0 : i32
        %while3A_420 = arith.subi %shift_right_arithmetic3A_416, %while3A_419 : i32
        %while3A_421 = arith.addi %while3A_419, %while3A_420 : i32
        %while3A_422 = arith.constant 1 : i32
        %while3A_423 = arith.divsi %while3A_420, %while3A_422 : i32
        %while3A_424 = arith.muli %while3A_423, %while3A_422 : i32
        %while3A_425 = arith.addi %while3A_419, %while3A_424 : i32
        %while3A_426 = arith.constant 1 : i32
        %while3A_427:2 = scf.for %while3A_519 = %while3A_419 to %while3A_425 step %while3A_426 iter_args(%while3A_520 = %broadcast_in_dim3A_2, %while3A_521 = %broadcast_in_dim3A_418) -> (vector<16xf32>, vector<16xi32>)  : i32 {
          %mul3A_522 = arith.constant 2 : i32
          %mul3A_523 = arith.muli %mul3A_522, %while3A_519 : i32
          %mul3A_524 = arith.constant 16 : i32
          %mul3A_525 = arith.muli %mul3A_523, %mul3A_524 : i32
          %get3A_526 = arith.index_cast %mul3A_525 : i32 to index
          %get3A_527 = tpu.vector_load %arg14[%get3A_526] {strides = array<i32>} : memref<5152xf32, #tpu.memory_space<vmem>>, vector<16xf32>,
          %gt3A_528 = arith.cmpf ogt, %get3A_527, %while3A_520 : vector<16xf32>
          %select_n3A_529 = arith.select %gt3A_528, %get3A_527, %while3A_520 : vector<16xi1>, vector<16xf32>
          %mul3A_530 = arith.constant 2 : i32
          %mul3A_531 = arith.muli %mul3A_530, %while3A_519 : i32
          %broadcast_in_dim3A_532 = vector.broadcast %mul3A_531 : i32 to vector<16xi32>
          %select_n3A_533 = arith.select %gt3A_528, %broadcast_in_dim3A_532, %while3A_521 : vector<16xi1>, vector<16xi32>
          %mul3A_534 = arith.constant 2 : i32
          %mul3A_535 = arith.muli %mul3A_534, %while3A_519 : i32
          %add3A_536 = arith.constant 1 : i32
          %add3A_537 = arith.addi %mul3A_535, %add3A_536 : i32
          %mul3A_538 = arith.constant 16 : i32
          %mul3A_539 = arith.muli %add3A_537, %mul3A_538 : i32
          %get3A_540 = arith.index_cast %mul3A_539 : i32 to index
          %get3A_541 = tpu.vector_load %arg14[%get3A_540] {strides = array<i32>} : memref<5152xf32, #tpu.memory_space<vmem>>, vector<16xf32>,
          %gt3A_542 = arith.cmpf ogt, %get3A_541, %select_n3A_529 : vector<16xf32>
          %select_n3A_543 = arith.select %gt3A_542, %get3A_541, %select_n3A_529 : vector<16xi1>, vector<16xf32>
          %mul3A_544 = arith.constant 2 : i32
          %mul3A_545 = arith.muli %mul3A_544, %while3A_519 : i32
          %add3A_546 = arith.constant 1 : i32
          %add3A_547 = arith.addi %mul3A_545, %add3A_546 : i32
          %broadcast_in_dim3A_548 = vector.broadcast %add3A_547 : i32 to vector<16xi32>
          %select_n3A_549 = arith.select %gt3A_542, %broadcast_in_dim3A_548, %select_n3A_533 : vector<16xi1>, vector<16xi32>
          scf.yield %select_n3A_543, %select_n3A_549 : vector<16xf32>, vector<16xi32>
        }
        %while3A_428 = arith.constant 1 : i32
        %while3A_429:2 = scf.for %while3A_519 = %while3A_425 to %while3A_421 step %while3A_428 iter_args(%while3A_520 = %while3A_427#0, %while3A_521 = %while3A_427#1) -> (vector<16xf32>, vector<16xi32>)  : i32 {
          %mul3A_522 = arith.constant 2 : i32
          %mul3A_523 = arith.muli %mul3A_522, %while3A_519 : i32
          %mul3A_524 = arith.constant 16 : i32
          %mul3A_525 = arith.muli %mul3A_523, %mul3A_524 : i32
          %get3A_526 = arith.index_cast %mul3A_525 : i32 to index
          %get3A_527 = tpu.vector_load %arg14[%get3A_526] {strides = array<i32>} : memref<5152xf32, #tpu.memory_space<vmem>>, vector<16xf32>,
          %gt3A_528 = arith.cmpf ogt, %get3A_527, %while3A_520 : vector<16xf32>
          %select_n3A_529 = arith.select %gt3A_528, %get3A_527, %while3A_520 : vector<16xi1>, vector<16xf32>
          %mul3A_530 = arith.constant 2 : i32
          %mul3A_531 = arith.muli %mul3A_530, %while3A_519 : i32
          %broadcast_in_dim3A_532 = vector.broadcast %mul3A_531 : i32 to vector<16xi32>
          %select_n3A_533 = arith.select %gt3A_528, %broadcast_in_dim3A_532, %while3A_521 : vector<16xi1>, vector<16xi32>
          %mul3A_534 = arith.constant 2 : i32
          %mul3A_535 = arith.muli %mul3A_534, %while3A_519 : i32
          %add3A_536 = arith.constant 1 : i32
          %add3A_537 = arith.addi %mul3A_535, %add3A_536 : i32
          %mul3A_538 = arith.constant 16 : i32
          %mul3A_539 = arith.muli %add3A_537, %mul3A_538 : i32
          %get3A_540 = arith.index_cast %mul3A_539 : i32 to index
          %get3A_541 = tpu.vector_load %arg14[%get3A_540] {strides = array<i32>} : memref<5152xf32, #tpu.memory_space<vmem>>, vector<16xf32>,
          %gt3A_542 = arith.cmpf ogt, %get3A_541, %select_n3A_529 : vector<16xf32>
          %select_n3A_543 = arith.select %gt3A_542, %get3A_541, %select_n3A_529 : vector<16xi1>, vector<16xf32>
          %mul3A_544 = arith.constant 2 : i32
          %mul3A_545 = arith.muli %mul3A_544, %while3A_519 : i32
          %add3A_546 = arith.constant 1 : i32
          %add3A_547 = arith.addi %mul3A_545, %add3A_546 : i32
          %broadcast_in_dim3A_548 = vector.broadcast %add3A_547 : i32 to vector<16xi32>
          %select_n3A_549 = arith.select %gt3A_542, %broadcast_in_dim3A_548, %select_n3A_533 : vector<16xi1>, vector<16xi32>
          scf.yield %select_n3A_543, %select_n3A_549 : vector<16xf32>, vector<16xi32>
        }
        %reduce_max3A_430 = arith.constant true
        %reduce_max3A_431 = vector.broadcast %reduce_max3A_430 : i1 to vector<16xi1>
        %reduce_max3A_432 = tpu.scan <max>, %while3A_429#0 masked %reduce_max3A_431 : vector<16xf32>, vector<16xi1> -> vector<16xf32>
        %reduce_max3A_433 = vector.extract %reduce_max3A_432[15] : f32 from vector<16xf32>
        %eq3A_434 = vector.broadcast %reduce_max3A_433 : f32 to vector<16xf32>
        %eq3A_435 = arith.cmpf oeq, %while3A_429#0, %eq3A_434 : vector<16xf32>
        %mul3A_436 = arith.constant 16 : i32
        %mul3A_437 = vector.broadcast %mul3A_436 : i32 to vector<16xi32>
        %mul3A_438 = arith.muli %while3A_429#1, %mul3A_437 : vector<16xi32>
        %add3A_439 = arith.addi %mul3A_438, %iota3A : vector<16xi32>
        %jit3A = arith.constant 1073741824 : i32
        %broadcast_in_dim3A_440 = vector.broadcast %jit3A : i32 to vector<16xi32>
        %select_n3A = arith.select %eq3A_435, %add3A_439, %broadcast_in_dim3A_440 : vector<16xi1>, vector<16xi32>
        %reduce_min3A = arith.constant true
        %reduce_min3A_441 = vector.broadcast %reduce_min3A : i1 to vector<16xi1>
        %reduce_min3A_442 = arith.constant -2147483648 : i32
        %reduce_min3A_443 = vector.broadcast %reduce_min3A_442 : i32 to vector<16xi32>
        %reduce_min3A_444 = arith.xori %select_n3A, %reduce_min3A_443 : vector<16xi32>
        %reduce_min3A_445 = tpu.scan <min>, %reduce_min3A_444 masked %reduce_min3A_441 : vector<16xi32>, vector<16xi1> -> vector<16xi32>
        %reduce_min3A_446 = arith.xori %reduce_min3A_445, %reduce_min3A_443 : vector<16xi32>
        %reduce_min3A_447 = vector.extract %reduce_min3A_446[15] : i32 from vector<16xi32>
        %broadcast_in_dim3A_448 = vector.broadcast %reduce_min3A_447 : i32 to vector<16xi32>
        %eq3A_449 = arith.constant 0 : i32
        %eq3A_450 = vector.broadcast %eq3A_449 : i32 to vector<16xi32>
        %eq3A_451 = arith.cmpi eq, %iota3A, %eq3A_450 : vector<16xi32>
        tpu.vector_store_idx %arg14[%broadcast_in_dim3A_448], %broadcast_in_dim3A_2 masked %eq3A_451 : memref<5152xf32, #tpu.memory_space<vmem>>[vector<16xi32>], vector<16xf32>, vector<16xi1>
        %gather3A = tpu.vector_load_idx %arg13[%broadcast_in_dim3A_448] : memref<5136xi32, #tpu.memory_space<vmem>>[vector<16xi32>], vector<16xi32>,
        %mul3A_452 = arith.constant 4 : i32
        %mul3A_453 = vector.broadcast %mul3A_452 : i32 to vector<16xi32>
        %mul3A_454 = arith.muli %gather3A, %mul3A_453 : vector<16xi32>
        %gather3A_455 = tpu.vector_load_idx %arg8[%mul3A_454] : memref<20000xf32, #tpu.memory_space<vmem>>[vector<16xi32>], vector<16xf32>,
        %add3A_456 = vector.broadcast %mul3A_296 : f32 to vector<16xf32>
        %add3A_457 = arith.addf %gather3A_455, %add3A_456 : vector<16xf32>
        %add3A_458 = arith.constant 1 : i32
        %add3A_459 = vector.broadcast %add3A_458 : i32 to vector<16xi32>
        %add3A_460 = arith.addi %mul3A_454, %add3A_459 : vector<16xi32>
        %gather3A_461 = tpu.vector_load_idx %arg8[%add3A_460] : memref<20000xf32, #tpu.memory_space<vmem>>[vector<16xi32>], vector<16xf32>,
        %add3A_462 = vector.broadcast %mul3A_296 : f32 to vector<16xf32>
        %add3A_463 = arith.addf %gather3A_461, %add3A_462 : vector<16xf32>
        %add3A_464 = arith.constant 2 : i32
        %add3A_465 = vector.broadcast %add3A_464 : i32 to vector<16xi32>
        %add3A_466 = arith.addi %mul3A_454, %add3A_465 : vector<16xi32>
        %gather3A_467 = tpu.vector_load_idx %arg8[%add3A_466] : memref<20000xf32, #tpu.memory_space<vmem>>[vector<16xi32>], vector<16xf32>,
        %add3A_468 = vector.broadcast %mul3A_296 : f32 to vector<16xf32>
        %add3A_469 = arith.addf %gather3A_467, %add3A_468 : vector<16xf32>
        %add3A_470 = arith.constant 3 : i32
        %add3A_471 = vector.broadcast %add3A_470 : i32 to vector<16xi32>
        %add3A_472 = arith.addi %mul3A_454, %add3A_471 : vector<16xi32>
        %gather3A_473 = tpu.vector_load_idx %arg8[%add3A_472] : memref<20000xf32, #tpu.memory_space<vmem>>[vector<16xi32>], vector<16xf32>,
        %add3A_474 = vector.broadcast %mul3A_296 : f32 to vector<16xf32>
        %add3A_475 = arith.addf %gather3A_473, %add3A_474 : vector<16xf32>
        %min3A = arith.minimumf %while3A_409, %add3A_469 : vector<16xf32>
        %max3A_476 = arith.maximumf %while3A_407, %add3A_457 : vector<16xf32>
        %sub3A = arith.subf %min3A, %max3A_476 : vector<16xf32>
        %max3A_477 = arith.constant 0.000000e+00 : f32
        %max3A_478 = vector.broadcast %max3A_477 : f32 to vector<16xf32>
        %max3A_479 = arith.maximumf %sub3A, %max3A_478 : vector<16xf32>
        %min3A_480 = arith.minimumf %while3A_410, %add3A_475 : vector<16xf32>
        %max3A_481 = arith.maximumf %while3A_408, %add3A_463 : vector<16xf32>
        %sub3A_482 = arith.subf %min3A_480, %max3A_481 : vector<16xf32>
        %max3A_483 = arith.constant 0.000000e+00 : f32
        %max3A_484 = vector.broadcast %max3A_483 : f32 to vector<16xf32>
        %max3A_485 = arith.maximumf %sub3A_482, %max3A_484 : vector<16xf32>
        %mul3A_486 = arith.mulf %max3A_479, %max3A_485 : vector<16xf32>
        %sub3A_487 = arith.subf %while3A_409, %while3A_407 : vector<16xf32>
        %sub3A_488 = arith.subf %while3A_410, %while3A_408 : vector<16xf32>
        %mul3A_489 = arith.mulf %sub3A_487, %sub3A_488 : vector<16xf32>
        %sub3A_490 = arith.subf %add3A_469, %add3A_457 : vector<16xf32>
        %sub3A_491 = arith.subf %add3A_475, %add3A_463 : vector<16xf32>
        %mul3A_492 = arith.mulf %sub3A_490, %sub3A_491 : vector<16xf32>
        %add3A_493 = arith.addf %mul3A_489, %mul3A_492 : vector<16xf32>
        %sub3A_494 = arith.subf %add3A_493, %mul3A_486 : vector<16xf32>
        %max3A_495 = arith.constant 9.99999971E-10 : f32
        %max3A_496 = vector.broadcast %max3A_495 : f32 to vector<16xf32>
        %max3A_497 = arith.maximumf %sub3A_494, %max3A_496 : vector<16xf32>
        %div3A = arith.divf %mul3A_486, %max3A_497 : vector<16xf32>
        %gt3A = arith.constant 5.000000e-01 : f32
        %gt3A_498 = vector.broadcast %gt3A : f32 to vector<16xf32>
        %gt3A_499 = arith.cmpf ogt, %div3A, %gt3A_498 : vector<16xf32>
        %all_reduce_population_count3A = tpu.all_reduce %gt3A_499 {dim = 0 : i64, kind = #tpu.reduction_kind<sum>} : vector<16xi1> -> vector<16xi32>
        %slice3A = vector.extract_strided_slice %all_reduce_population_count3A {offsets = [0], sizes = [1], strides = [1]} : vector<16xi32> to vector<1xi32>
        %squeeze3A = vector.extract %slice3A[0] : i32 from vector<1xi32>
        %gt3A_500 = arith.constant 0 : i32
        %gt3A_501 = arith.cmpi sgt, %squeeze3A, %gt3A_500 : i32
        %not3A = arith.constant true
        %not3A_502 = arith.xori %gt3A_501, %not3A : i1
        %eq3A_503 = vector.broadcast %while3A_406 : i32 to vector<16xi32>
        %eq3A_504 = arith.cmpi eq, %iota3A, %eq3A_503 : vector<16xi32>
        %and3A = vector.broadcast %not3A_502 : i1 to vector<16xi1>
        %and3A_505 = arith.andi %and3A, %eq3A_504 : vector<16xi1>
        %select_n3A_506 = arith.select %and3A_505, %add3A_457, %while3A_407 : vector<16xi1>, vector<16xf32>
        %select_n3A_507 = arith.select %and3A_505, %add3A_463, %while3A_408 : vector<16xi1>, vector<16xf32>
        %select_n3A_508 = arith.select %and3A_505, %add3A_469, %while3A_409 : vector<16xi1>, vector<16xf32>
        %select_n3A_509 = arith.select %and3A_505, %add3A_475, %while3A_410 : vector<16xi1>, vector<16xf32>
        %select_n3A_510 = arith.select %and3A_505, %gather3A, %while3A_411 : vector<16xi1>, vector<16xi32>
        %broadcast_in_dim3A_511 = vector.broadcast %reduce_max3A_433 : f32 to vector<16xf32>
        %select_n3A_512 = arith.select %and3A_505, %broadcast_in_dim3A_511, %while3A_412 : vector<16xi1>, vector<16xf32>
        %jit3A_513 = arith.constant 0 : i32
        %jit3A_514 = arith.constant 1 : i32
        %select_n3A_515 = arith.select %gt3A_501, %jit3A_513, %jit3A_514 : i32
        %add3A_516 = arith.addi %while3A_406, %select_n3A_515 : i32
        %add3A_517 = arith.constant 1 : i32
        %add3A_518 = arith.addi %while3A_405, %add3A_517 : i32
        scf.yield %add3A_518, %add3A_516, %select_n3A_506, %select_n3A_507, %select_n3A_508, %select_n3A_509, %select_n3A_510, %select_n3A_512 : i32, i32, vector<16xf32>, vector<16xf32>, vector<16xf32>, vector<16xf32>, vector<16xi32>, vector<16xf32>
      }
      %swap3A_340 = arith.constant 48 : index
      %swap3A_341 = tpu.vector_load %arg15[%swap3A_340] {strides = array<i32>} : memref<80xf32, #tpu.memory_space<vmem>>, vector<16xf32>,
      tpu.vector_store %arg15[%swap3A_340], %while3A_339#7 {strides = array<i32>} : memref<80xf32, #tpu.memory_space<vmem>>, vector<16xf32>,
      %swap3A_342 = arith.constant 48 : index
      %swap3A_343 = tpu.vector_load %arg16[%swap3A_342] {strides = array<i32>} : memref<80xi32, #tpu.memory_space<vmem>>, vector<16xi32>,
      tpu.vector_store %arg16[%swap3A_342], %while3A_339#6 {strides = array<i32>} : memref<80xi32, #tpu.memory_space<vmem>>, vector<16xi32>,
      %add3A_344 = arith.constant 4 : i32
      %add3A_345 = arith.addi %mul3A_60, %add3A_344 : i32
      %convert_element_type3A_346 = arith.sitofp %add3A_345 : i32 to f32
      %mul3A_347 = arith.mulf %convert_element_type3A_346, %add3A_140 : f32
      %while3A_348 = arith.constant 0 : i32
      %while3A_349 = arith.constant 0 : i32
      %while3A_350 = arith.subi %shift_right_arithmetic3A_72, %while3A_348 : i32
      %while3A_351 = arith.addi %while3A_348, %while3A_350 : i32
      %while3A_352 = arith.constant 1 : i32
      %while3A_353 = arith.divsi %while3A_350, %while3A_352 : i32
      %while3A_354 = arith.muli %while3A_353, %while3A_352 : i32
      %while3A_355 = arith.addi %while3A_348, %while3A_354 : i32
      %while3A_356 = arith.constant 1 : i32
      %while3A_357 = scf.for %while3A_405 = %while3A_348 to %while3A_355 step %while3A_356 iter_args(%while3A_406 = %while3A_349) -> (i32)  : i32 {
        %mul3A_407 = arith.constant 16 : i32
        %mul3A_408 = arith.muli %while3A_405, %mul3A_407 : i32
        %get3A_409 = arith.index_cast %mul3A_408 : i32 to index
        %get3A_410 = tpu.vector_load %arg12[%get3A_409] {strides = array<i32>} : memref<5136xi32, #tpu.memory_space<vmem>>, vector<16xi32>,
        %eq3A_411 = vector.broadcast %add3A_345 : i32 to vector<16xi32>
        %eq3A_412 = arith.cmpi eq, %get3A_410, %eq3A_411 : vector<16xi32>
        %mul3A_413 = arith.constant 16 : i32
        %mul3A_414 = arith.muli %while3A_405, %mul3A_413 : i32
        %get3A_415 = arith.index_cast %mul3A_414 : i32 to index
        %get3A_416 = tpu.vector_load %arg11[%get3A_415] {strides = array<i32>} : memref<5136xi32, #tpu.memory_space<vmem>>, vector<16xi32>,
        %swap3A_417 = arith.index_cast %while3A_406 : i32 to index
        %swap3A_418 = tpu.vector_load %arg13[%swap3A_417] masked %eq3A_412 {strides = array<i32>} : memref<5136xi32, #tpu.memory_space<vmem>>, vector<16xi32>, vector<16xi1>
        tpu.vector_store %arg13[%swap3A_417], %get3A_416 masked %eq3A_412 {strides = array<i32>} : memref<5136xi32, #tpu.memory_space<vmem>>, vector<16xi32>, vector<16xi1>
        %all_reduce_population_count3A = tpu.all_reduce %eq3A_412 {dim = 0 : i64, kind = #tpu.reduction_kind<sum>} : vector<16xi1> -> vector<16xi32>
        %slice3A = vector.extract_strided_slice %all_reduce_population_count3A {offsets = [0], sizes = [1], strides = [1]} : vector<16xi32> to vector<1xi32>
        %squeeze3A = vector.extract %slice3A[0] : i32 from vector<1xi32>
        %add3A_419 = arith.addi %while3A_406, %squeeze3A : i32
        scf.yield %add3A_419 : i32
      }
      %while3A_358 = arith.constant 1 : i32
      %while3A_359 = scf.for %while3A_405 = %while3A_355 to %while3A_351 step %while3A_358 iter_args(%while3A_406 = %while3A_357) -> (i32)  : i32 {
        %mul3A_407 = arith.constant 16 : i32
        %mul3A_408 = arith.muli %while3A_405, %mul3A_407 : i32
        %get3A_409 = arith.index_cast %mul3A_408 : i32 to index
        %get3A_410 = tpu.vector_load %arg12[%get3A_409] {strides = array<i32>} : memref<5136xi32, #tpu.memory_space<vmem>>, vector<16xi32>,
        %eq3A_411 = vector.broadcast %add3A_345 : i32 to vector<16xi32>
        %eq3A_412 = arith.cmpi eq, %get3A_410, %eq3A_411 : vector<16xi32>
        %mul3A_413 = arith.constant 16 : i32
        %mul3A_414 = arith.muli %while3A_405, %mul3A_413 : i32
        %get3A_415 = arith.index_cast %mul3A_414 : i32 to index
        %get3A_416 = tpu.vector_load %arg11[%get3A_415] {strides = array<i32>} : memref<5136xi32, #tpu.memory_space<vmem>>, vector<16xi32>,
        %swap3A_417 = arith.index_cast %while3A_406 : i32 to index
        %swap3A_418 = tpu.vector_load %arg13[%swap3A_417] masked %eq3A_412 {strides = array<i32>} : memref<5136xi32, #tpu.memory_space<vmem>>, vector<16xi32>, vector<16xi1>
        tpu.vector_store %arg13[%swap3A_417], %get3A_416 masked %eq3A_412 {strides = array<i32>} : memref<5136xi32, #tpu.memory_space<vmem>>, vector<16xi32>, vector<16xi1>
        %all_reduce_population_count3A = tpu.all_reduce %eq3A_412 {dim = 0 : i64, kind = #tpu.reduction_kind<sum>} : vector<16xi1> -> vector<16xi32>
        %slice3A = vector.extract_strided_slice %all_reduce_population_count3A {offsets = [0], sizes = [1], strides = [1]} : vector<16xi32> to vector<1xi32>
        %squeeze3A = vector.extract %slice3A[0] : i32 from vector<1xi32>
        %add3A_419 = arith.addi %while3A_406, %squeeze3A : i32
        scf.yield %add3A_419 : i32
      }
      %add3A_360 = arith.constant 15 : i32
      %add3A_361 = arith.addi %while3A_359, %add3A_360 : i32
      %shift_right_arithmetic3A_362 = arith.constant 4 : i32
      %shift_right_arithmetic3A_363 = arith.shrsi %add3A_361, %shift_right_arithmetic3A_362 : i32
      %broadcast_in_dim3A_364 = arith.constant 0 : i32
      %broadcast_in_dim3A_365 = vector.broadcast %broadcast_in_dim3A_364 : i32 to vector<16xi32>
      %swap3A_366 = arith.index_cast %while3A_359 : i32 to index
      %swap3A_367 = tpu.vector_load %arg13[%swap3A_366] masked %ge3A_1 {strides = array<i32>} : memref<5136xi32, #tpu.memory_space<vmem>>, vector<16xi32>, vector<16xi1>
      tpu.vector_store %arg13[%swap3A_366], %broadcast_in_dim3A_365 masked %ge3A_1 {strides = array<i32>} : memref<5136xi32, #tpu.memory_space<vmem>>, vector<16xi32>, vector<16xi1>
      %while3A_368 = arith.constant 0 : i32
      %while3A_369 = arith.constant 0 : i32
      %while3A_370 = arith.subi %shift_right_arithmetic3A_363, %while3A_368 : i32
      %while3A_371 = arith.addi %while3A_368, %while3A_370 : i32
      %while3A_372 = arith.constant 1 : i32
      %while3A_373 = arith.divsi %while3A_370, %while3A_372 : i32
      %while3A_374 = arith.muli %while3A_373, %while3A_372 : i32
      %while3A_375 = arith.addi %while3A_368, %while3A_374 : i32
      %while3A_376 = arith.constant 1 : i32
      %while3A_377 = scf.for %while3A_405 = %while3A_368 to %while3A_375 step %while3A_376 iter_args(%while3A_406 = %while3A_369) -> (i32)  : i32 {
        %mul3A_407 = arith.constant 16 : i32
        %mul3A_408 = arith.muli %while3A_405, %mul3A_407 : i32
        %get3A_409 = arith.index_cast %mul3A_408 : i32 to index
        %get3A_410 = tpu.vector_load %arg13[%get3A_409] {strides = array<i32>} : memref<5136xi32, #tpu.memory_space<vmem>>, vector<16xi32>,
        %gather3A = tpu.vector_load_idx %arg9[%get3A_410] : memref<5136xf32, #tpu.memory_space<vmem>>[vector<16xi32>], vector<16xf32>,
        %mul3A_411 = arith.constant 16 : i32
        %mul3A_412 = arith.muli %while3A_405, %mul3A_411 : i32
        %swap3A_413 = arith.index_cast %mul3A_412 : i32 to index
        %swap3A_414 = tpu.vector_load %arg14[%swap3A_413] {strides = array<i32>} : memref<5152xf32, #tpu.memory_space<vmem>>, vector<16xf32>,
        tpu.vector_store %arg14[%swap3A_413], %gather3A {strides = array<i32>} : memref<5152xf32, #tpu.memory_space<vmem>>, vector<16xf32>,
        %while3A_415 = arith.constant 0 : i32
        scf.yield %while3A_415 : i32
      }
      %while3A_378 = arith.constant 1 : i32
      %while3A_379 = scf.for %while3A_405 = %while3A_375 to %while3A_371 step %while3A_378 iter_args(%while3A_406 = %while3A_377) -> (i32)  : i32 {
        %mul3A_407 = arith.constant 16 : i32
        %mul3A_408 = arith.muli %while3A_405, %mul3A_407 : i32
        %get3A_409 = arith.index_cast %mul3A_408 : i32 to index
        %get3A_410 = tpu.vector_load %arg13[%get3A_409] {strides = array<i32>} : memref<5136xi32, #tpu.memory_space<vmem>>, vector<16xi32>,
        %gather3A = tpu.vector_load_idx %arg9[%get3A_410] : memref<5136xf32, #tpu.memory_space<vmem>>[vector<16xi32>], vector<16xf32>,
        %mul3A_411 = arith.constant 16 : i32
        %mul3A_412 = arith.muli %while3A_405, %mul3A_411 : i32
        %swap3A_413 = arith.index_cast %mul3A_412 : i32 to index
        %swap3A_414 = tpu.vector_load %arg14[%swap3A_413] {strides = array<i32>} : memref<5152xf32, #tpu.memory_space<vmem>>, vector<16xf32>,
        tpu.vector_store %arg14[%swap3A_413], %gather3A {strides = array<i32>} : memref<5152xf32, #tpu.memory_space<vmem>>, vector<16xf32>,
        %while3A_415 = arith.constant 0 : i32
        scf.yield %while3A_415 : i32
      }
      %swap3A_380 = arith.index_cast %while3A_359 : i32 to index
      %swap3A_381 = tpu.vector_load %arg14[%swap3A_380] masked %ge3A_1 {strides = array<i32>} : memref<5152xf32, #tpu.memory_space<vmem>>, vector<16xf32>, vector<16xi1>
      tpu.vector_store %arg14[%swap3A_380], %broadcast_in_dim3A_2 masked %ge3A_1 {strides = array<i32>} : memref<5152xf32, #tpu.memory_space<vmem>>, vector<16xf32>, vector<16xi1>
      %add3A_382 = arith.constant 16 : i32
      %add3A_383 = arith.addi %while3A_359, %add3A_382 : i32
      %swap3A_384 = arith.index_cast %add3A_383 : i32 to index
      %swap3A_385 = tpu.vector_load %arg14[%swap3A_384] masked %ge3A_1 {strides = array<i32>} : memref<5152xf32, #tpu.memory_space<vmem>>, vector<16xf32>, vector<16xi1>
      tpu.vector_store %arg14[%swap3A_384], %broadcast_in_dim3A_2 masked %ge3A_1 {strides = array<i32>} : memref<5152xf32, #tpu.memory_space<vmem>>, vector<16xf32>, vector<16xi1>
      %broadcast_in_dim3A_386 = arith.constant 3.000000e+09 : f32
      %broadcast_in_dim3A_387 = vector.broadcast %broadcast_in_dim3A_386 : f32 to vector<16xf32>
      %while3A_388 = arith.constant 0 : i32
      %while3A_389 = arith.constant 0 : i32
      %while3A_390:8 = scf.while (%while3A_405 = %while3A_388, %while3A_406 = %while3A_389, %while3A_407 = %broadcast_in_dim3A_387, %while3A_408 = %broadcast_in_dim3A_387, %while3A_409 = %broadcast_in_dim3A_387, %while3A_410 = %broadcast_in_dim3A_387, %while3A_411 = %broadcast_in_dim3A_4, %while3A_412 = %broadcast_in_dim3A_2) : (i32, i32, vector<16xf32>, vector<16xf32>, vector<16xf32>, vector<16xf32>, vector<16xi32>, vector<16xf32>) -> (i32, i32, vector<16xf32>, vector<16xf32>, vector<16xf32>, vector<16xf32>, vector<16xi32>, vector<16xf32>) {
        %lt3A = arith.cmpi slt, %while3A_405, %while3A_359 : i32
        %lt3A_413 = arith.constant 15 : i32
        %lt3A_414 = arith.cmpi slt, %while3A_406, %lt3A_413 : i32
        %and3A = arith.andi %lt3A, %lt3A_414 : i1
        scf.condition(%and3A) %while3A_405, %while3A_406, %while3A_407, %while3A_408, %while3A_409, %while3A_410, %while3A_411, %while3A_412 : i32, i32, vector<16xf32>, vector<16xf32>, vector<16xf32>, vector<16xf32>, vector<16xi32>, vector<16xf32>
      } do {
      ^bb0(%while3A_405: i32, %while3A_406: i32, %while3A_407: vector<16xf32>, %while3A_408: vector<16xf32>, %while3A_409: vector<16xf32>, %while3A_410: vector<16xf32>, %while3A_411: vector<16xi32>, %while3A_412: vector<16xf32>):
        %add3A_413 = arith.constant 31 : i32
        %add3A_414 = arith.addi %while3A_359, %add3A_413 : i32
        %shift_right_arithmetic3A_415 = arith.constant 5 : i32
        %shift_right_arithmetic3A_416 = arith.shrsi %add3A_414, %shift_right_arithmetic3A_415 : i32
        %broadcast_in_dim3A_417 = arith.constant 0 : i32
        %broadcast_in_dim3A_418 = vector.broadcast %broadcast_in_dim3A_417 : i32 to vector<16xi32>
        %while3A_419 = arith.constant 0 : i32
        %while3A_420 = arith.subi %shift_right_arithmetic3A_416, %while3A_419 : i32
        %while3A_421 = arith.addi %while3A_419, %while3A_420 : i32
        %while3A_422 = arith.constant 1 : i32
        %while3A_423 = arith.divsi %while3A_420, %while3A_422 : i32
        %while3A_424 = arith.muli %while3A_423, %while3A_422 : i32
        %while3A_425 = arith.addi %while3A_419, %while3A_424 : i32
        %while3A_426 = arith.constant 1 : i32
        %while3A_427:2 = scf.for %while3A_519 = %while3A_419 to %while3A_425 step %while3A_426 iter_args(%while3A_520 = %broadcast_in_dim3A_2, %while3A_521 = %broadcast_in_dim3A_418) -> (vector<16xf32>, vector<16xi32>)  : i32 {
          %mul3A_522 = arith.constant 2 : i32
          %mul3A_523 = arith.muli %mul3A_522, %while3A_519 : i32
          %mul3A_524 = arith.constant 16 : i32
          %mul3A_525 = arith.muli %mul3A_523, %mul3A_524 : i32
          %get3A_526 = arith.index_cast %mul3A_525 : i32 to index
          %get3A_527 = tpu.vector_load %arg14[%get3A_526] {strides = array<i32>} : memref<5152xf32, #tpu.memory_space<vmem>>, vector<16xf32>,
          %gt3A_528 = arith.cmpf ogt, %get3A_527, %while3A_520 : vector<16xf32>
          %select_n3A_529 = arith.select %gt3A_528, %get3A_527, %while3A_520 : vector<16xi1>, vector<16xf32>
          %mul3A_530 = arith.constant 2 : i32
          %mul3A_531 = arith.muli %mul3A_530, %while3A_519 : i32
          %broadcast_in_dim3A_532 = vector.broadcast %mul3A_531 : i32 to vector<16xi32>
          %select_n3A_533 = arith.select %gt3A_528, %broadcast_in_dim3A_532, %while3A_521 : vector<16xi1>, vector<16xi32>
          %mul3A_534 = arith.constant 2 : i32
          %mul3A_535 = arith.muli %mul3A_534, %while3A_519 : i32
          %add3A_536 = arith.constant 1 : i32
          %add3A_537 = arith.addi %mul3A_535, %add3A_536 : i32
          %mul3A_538 = arith.constant 16 : i32
          %mul3A_539 = arith.muli %add3A_537, %mul3A_538 : i32
          %get3A_540 = arith.index_cast %mul3A_539 : i32 to index
          %get3A_541 = tpu.vector_load %arg14[%get3A_540] {strides = array<i32>} : memref<5152xf32, #tpu.memory_space<vmem>>, vector<16xf32>,
          %gt3A_542 = arith.cmpf ogt, %get3A_541, %select_n3A_529 : vector<16xf32>
          %select_n3A_543 = arith.select %gt3A_542, %get3A_541, %select_n3A_529 : vector<16xi1>, vector<16xf32>
          %mul3A_544 = arith.constant 2 : i32
          %mul3A_545 = arith.muli %mul3A_544, %while3A_519 : i32
          %add3A_546 = arith.constant 1 : i32
          %add3A_547 = arith.addi %mul3A_545, %add3A_546 : i32
          %broadcast_in_dim3A_548 = vector.broadcast %add3A_547 : i32 to vector<16xi32>
          %select_n3A_549 = arith.select %gt3A_542, %broadcast_in_dim3A_548, %select_n3A_533 : vector<16xi1>, vector<16xi32>
          scf.yield %select_n3A_543, %select_n3A_549 : vector<16xf32>, vector<16xi32>
        }
        %while3A_428 = arith.constant 1 : i32
        %while3A_429:2 = scf.for %while3A_519 = %while3A_425 to %while3A_421 step %while3A_428 iter_args(%while3A_520 = %while3A_427#0, %while3A_521 = %while3A_427#1) -> (vector<16xf32>, vector<16xi32>)  : i32 {
          %mul3A_522 = arith.constant 2 : i32
          %mul3A_523 = arith.muli %mul3A_522, %while3A_519 : i32
          %mul3A_524 = arith.constant 16 : i32
          %mul3A_525 = arith.muli %mul3A_523, %mul3A_524 : i32
          %get3A_526 = arith.index_cast %mul3A_525 : i32 to index
          %get3A_527 = tpu.vector_load %arg14[%get3A_526] {strides = array<i32>} : memref<5152xf32, #tpu.memory_space<vmem>>, vector<16xf32>,
          %gt3A_528 = arith.cmpf ogt, %get3A_527, %while3A_520 : vector<16xf32>
          %select_n3A_529 = arith.select %gt3A_528, %get3A_527, %while3A_520 : vector<16xi1>, vector<16xf32>
          %mul3A_530 = arith.constant 2 : i32
          %mul3A_531 = arith.muli %mul3A_530, %while3A_519 : i32
          %broadcast_in_dim3A_532 = vector.broadcast %mul3A_531 : i32 to vector<16xi32>
          %select_n3A_533 = arith.select %gt3A_528, %broadcast_in_dim3A_532, %while3A_521 : vector<16xi1>, vector<16xi32>
          %mul3A_534 = arith.constant 2 : i32
          %mul3A_535 = arith.muli %mul3A_534, %while3A_519 : i32
          %add3A_536 = arith.constant 1 : i32
          %add3A_537 = arith.addi %mul3A_535, %add3A_536 : i32
          %mul3A_538 = arith.constant 16 : i32
          %mul3A_539 = arith.muli %add3A_537, %mul3A_538 : i32
          %get3A_540 = arith.index_cast %mul3A_539 : i32 to index
          %get3A_541 = tpu.vector_load %arg14[%get3A_540] {strides = array<i32>} : memref<5152xf32, #tpu.memory_space<vmem>>, vector<16xf32>,
          %gt3A_542 = arith.cmpf ogt, %get3A_541, %select_n3A_529 : vector<16xf32>
          %select_n3A_543 = arith.select %gt3A_542, %get3A_541, %select_n3A_529 : vector<16xi1>, vector<16xf32>
          %mul3A_544 = arith.constant 2 : i32
          %mul3A_545 = arith.muli %mul3A_544, %while3A_519 : i32
          %add3A_546 = arith.constant 1 : i32
          %add3A_547 = arith.addi %mul3A_545, %add3A_546 : i32
          %broadcast_in_dim3A_548 = vector.broadcast %add3A_547 : i32 to vector<16xi32>
          %select_n3A_549 = arith.select %gt3A_542, %broadcast_in_dim3A_548, %select_n3A_533 : vector<16xi1>, vector<16xi32>
          scf.yield %select_n3A_543, %select_n3A_549 : vector<16xf32>, vector<16xi32>
        }
        %reduce_max3A_430 = arith.constant true
        %reduce_max3A_431 = vector.broadcast %reduce_max3A_430 : i1 to vector<16xi1>
        %reduce_max3A_432 = tpu.scan <max>, %while3A_429#0 masked %reduce_max3A_431 : vector<16xf32>, vector<16xi1> -> vector<16xf32>
        %reduce_max3A_433 = vector.extract %reduce_max3A_432[15] : f32 from vector<16xf32>
        %eq3A_434 = vector.broadcast %reduce_max3A_433 : f32 to vector<16xf32>
        %eq3A_435 = arith.cmpf oeq, %while3A_429#0, %eq3A_434 : vector<16xf32>
        %mul3A_436 = arith.constant 16 : i32
        %mul3A_437 = vector.broadcast %mul3A_436 : i32 to vector<16xi32>
        %mul3A_438 = arith.muli %while3A_429#1, %mul3A_437 : vector<16xi32>
        %add3A_439 = arith.addi %mul3A_438, %iota3A : vector<16xi32>
        %jit3A = arith.constant 1073741824 : i32
        %broadcast_in_dim3A_440 = vector.broadcast %jit3A : i32 to vector<16xi32>
        %select_n3A = arith.select %eq3A_435, %add3A_439, %broadcast_in_dim3A_440 : vector<16xi1>, vector<16xi32>
        %reduce_min3A = arith.constant true
        %reduce_min3A_441 = vector.broadcast %reduce_min3A : i1 to vector<16xi1>
        %reduce_min3A_442 = arith.constant -2147483648 : i32
        %reduce_min3A_443 = vector.broadcast %reduce_min3A_442 : i32 to vector<16xi32>
        %reduce_min3A_444 = arith.xori %select_n3A, %reduce_min3A_443 : vector<16xi32>
        %reduce_min3A_445 = tpu.scan <min>, %reduce_min3A_444 masked %reduce_min3A_441 : vector<16xi32>, vector<16xi1> -> vector<16xi32>
        %reduce_min3A_446 = arith.xori %reduce_min3A_445, %reduce_min3A_443 : vector<16xi32>
        %reduce_min3A_447 = vector.extract %reduce_min3A_446[15] : i32 from vector<16xi32>
        %broadcast_in_dim3A_448 = vector.broadcast %reduce_min3A_447 : i32 to vector<16xi32>
        %eq3A_449 = arith.constant 0 : i32
        %eq3A_450 = vector.broadcast %eq3A_449 : i32 to vector<16xi32>
        %eq3A_451 = arith.cmpi eq, %iota3A, %eq3A_450 : vector<16xi32>
        tpu.vector_store_idx %arg14[%broadcast_in_dim3A_448], %broadcast_in_dim3A_2 masked %eq3A_451 : memref<5152xf32, #tpu.memory_space<vmem>>[vector<16xi32>], vector<16xf32>, vector<16xi1>
        %gather3A = tpu.vector_load_idx %arg13[%broadcast_in_dim3A_448] : memref<5136xi32, #tpu.memory_space<vmem>>[vector<16xi32>], vector<16xi32>,
        %mul3A_452 = arith.constant 4 : i32
        %mul3A_453 = vector.broadcast %mul3A_452 : i32 to vector<16xi32>
        %mul3A_454 = arith.muli %gather3A, %mul3A_453 : vector<16xi32>
        %gather3A_455 = tpu.vector_load_idx %arg8[%mul3A_454] : memref<20000xf32, #tpu.memory_space<vmem>>[vector<16xi32>], vector<16xf32>,
        %add3A_456 = vector.broadcast %mul3A_347 : f32 to vector<16xf32>
        %add3A_457 = arith.addf %gather3A_455, %add3A_456 : vector<16xf32>
        %add3A_458 = arith.constant 1 : i32
        %add3A_459 = vector.broadcast %add3A_458 : i32 to vector<16xi32>
        %add3A_460 = arith.addi %mul3A_454, %add3A_459 : vector<16xi32>
        %gather3A_461 = tpu.vector_load_idx %arg8[%add3A_460] : memref<20000xf32, #tpu.memory_space<vmem>>[vector<16xi32>], vector<16xf32>,
        %add3A_462 = vector.broadcast %mul3A_347 : f32 to vector<16xf32>
        %add3A_463 = arith.addf %gather3A_461, %add3A_462 : vector<16xf32>
        %add3A_464 = arith.constant 2 : i32
        %add3A_465 = vector.broadcast %add3A_464 : i32 to vector<16xi32>
        %add3A_466 = arith.addi %mul3A_454, %add3A_465 : vector<16xi32>
        %gather3A_467 = tpu.vector_load_idx %arg8[%add3A_466] : memref<20000xf32, #tpu.memory_space<vmem>>[vector<16xi32>], vector<16xf32>,
        %add3A_468 = vector.broadcast %mul3A_347 : f32 to vector<16xf32>
        %add3A_469 = arith.addf %gather3A_467, %add3A_468 : vector<16xf32>
        %add3A_470 = arith.constant 3 : i32
        %add3A_471 = vector.broadcast %add3A_470 : i32 to vector<16xi32>
        %add3A_472 = arith.addi %mul3A_454, %add3A_471 : vector<16xi32>
        %gather3A_473 = tpu.vector_load_idx %arg8[%add3A_472] : memref<20000xf32, #tpu.memory_space<vmem>>[vector<16xi32>], vector<16xf32>,
        %add3A_474 = vector.broadcast %mul3A_347 : f32 to vector<16xf32>
        %add3A_475 = arith.addf %gather3A_473, %add3A_474 : vector<16xf32>
        %min3A = arith.minimumf %while3A_409, %add3A_469 : vector<16xf32>
        %max3A_476 = arith.maximumf %while3A_407, %add3A_457 : vector<16xf32>
        %sub3A = arith.subf %min3A, %max3A_476 : vector<16xf32>
        %max3A_477 = arith.constant 0.000000e+00 : f32
        %max3A_478 = vector.broadcast %max3A_477 : f32 to vector<16xf32>
        %max3A_479 = arith.maximumf %sub3A, %max3A_478 : vector<16xf32>
        %min3A_480 = arith.minimumf %while3A_410, %add3A_475 : vector<16xf32>
        %max3A_481 = arith.maximumf %while3A_408, %add3A_463 : vector<16xf32>
        %sub3A_482 = arith.subf %min3A_480, %max3A_481 : vector<16xf32>
        %max3A_483 = arith.constant 0.000000e+00 : f32
        %max3A_484 = vector.broadcast %max3A_483 : f32 to vector<16xf32>
        %max3A_485 = arith.maximumf %sub3A_482, %max3A_484 : vector<16xf32>
        %mul3A_486 = arith.mulf %max3A_479, %max3A_485 : vector<16xf32>
        %sub3A_487 = arith.subf %while3A_409, %while3A_407 : vector<16xf32>
        %sub3A_488 = arith.subf %while3A_410, %while3A_408 : vector<16xf32>
        %mul3A_489 = arith.mulf %sub3A_487, %sub3A_488 : vector<16xf32>
        %sub3A_490 = arith.subf %add3A_469, %add3A_457 : vector<16xf32>
        %sub3A_491 = arith.subf %add3A_475, %add3A_463 : vector<16xf32>
        %mul3A_492 = arith.mulf %sub3A_490, %sub3A_491 : vector<16xf32>
        %add3A_493 = arith.addf %mul3A_489, %mul3A_492 : vector<16xf32>
        %sub3A_494 = arith.subf %add3A_493, %mul3A_486 : vector<16xf32>
        %max3A_495 = arith.constant 9.99999971E-10 : f32
        %max3A_496 = vector.broadcast %max3A_495 : f32 to vector<16xf32>
        %max3A_497 = arith.maximumf %sub3A_494, %max3A_496 : vector<16xf32>
        %div3A = arith.divf %mul3A_486, %max3A_497 : vector<16xf32>
        %gt3A = arith.constant 5.000000e-01 : f32
        %gt3A_498 = vector.broadcast %gt3A : f32 to vector<16xf32>
        %gt3A_499 = arith.cmpf ogt, %div3A, %gt3A_498 : vector<16xf32>
        %all_reduce_population_count3A = tpu.all_reduce %gt3A_499 {dim = 0 : i64, kind = #tpu.reduction_kind<sum>} : vector<16xi1> -> vector<16xi32>
        %slice3A = vector.extract_strided_slice %all_reduce_population_count3A {offsets = [0], sizes = [1], strides = [1]} : vector<16xi32> to vector<1xi32>
        %squeeze3A = vector.extract %slice3A[0] : i32 from vector<1xi32>
        %gt3A_500 = arith.constant 0 : i32
        %gt3A_501 = arith.cmpi sgt, %squeeze3A, %gt3A_500 : i32
        %not3A = arith.constant true
        %not3A_502 = arith.xori %gt3A_501, %not3A : i1
        %eq3A_503 = vector.broadcast %while3A_406 : i32 to vector<16xi32>
        %eq3A_504 = arith.cmpi eq, %iota3A, %eq3A_503 : vector<16xi32>
        %and3A = vector.broadcast %not3A_502 : i1 to vector<16xi1>
        %and3A_505 = arith.andi %and3A, %eq3A_504 : vector<16xi1>
        %select_n3A_506 = arith.select %and3A_505, %add3A_457, %while3A_407 : vector<16xi1>, vector<16xf32>
        %select_n3A_507 = arith.select %and3A_505, %add3A_463, %while3A_408 : vector<16xi1>, vector<16xf32>
        %select_n3A_508 = arith.select %and3A_505, %add3A_469, %while3A_409 : vector<16xi1>, vector<16xf32>
        %select_n3A_509 = arith.select %and3A_505, %add3A_475, %while3A_410 : vector<16xi1>, vector<16xf32>
        %select_n3A_510 = arith.select %and3A_505, %gather3A, %while3A_411 : vector<16xi1>, vector<16xi32>
        %broadcast_in_dim3A_511 = vector.broadcast %reduce_max3A_433 : f32 to vector<16xf32>
        %select_n3A_512 = arith.select %and3A_505, %broadcast_in_dim3A_511, %while3A_412 : vector<16xi1>, vector<16xf32>
        %jit3A_513 = arith.constant 0 : i32
        %jit3A_514 = arith.constant 1 : i32
        %select_n3A_515 = arith.select %gt3A_501, %jit3A_513, %jit3A_514 : i32
        %add3A_516 = arith.addi %while3A_406, %select_n3A_515 : i32
        %add3A_517 = arith.constant 1 : i32
        %add3A_518 = arith.addi %while3A_405, %add3A_517 : i32
        scf.yield %add3A_518, %add3A_516, %select_n3A_506, %select_n3A_507, %select_n3A_508, %select_n3A_509, %select_n3A_510, %select_n3A_512 : i32, i32, vector<16xf32>, vector<16xf32>, vector<16xf32>, vector<16xf32>, vector<16xi32>, vector<16xf32>
      }
      %swap3A_391 = arith.constant 64 : index
      %swap3A_392 = tpu.vector_load %arg15[%swap3A_391] {strides = array<i32>} : memref<80xf32, #tpu.memory_space<vmem>>, vector<16xf32>,
      tpu.vector_store %arg15[%swap3A_391], %while3A_390#7 {strides = array<i32>} : memref<80xf32, #tpu.memory_space<vmem>>, vector<16xf32>,
      %swap3A_393 = arith.constant 64 : index
      %swap3A_394 = tpu.vector_load %arg16[%swap3A_393] {strides = array<i32>} : memref<80xi32, #tpu.memory_space<vmem>>, vector<16xi32>,
      tpu.vector_store %arg16[%swap3A_393], %while3A_390#6 {strides = array<i32>} : memref<80xi32, #tpu.memory_space<vmem>>, vector<16xi32>,
      %mul3A_395 = arith.constant 16 : i32
      %mul3A_396 = arith.muli %mul3A_60, %mul3A_395 : i32
      "tpu.region"() ({
        %run_scoped3A = tpu.sem_alloc : memref<!tpu.dma_semaphore, #tpu.memory_space<semaphore_mem>>
        %dma_start3A_405 = tpu.memref_slice %arg29[%mul3A_396] : memref<1280xf32, #tpu.memory_space<vmem_shared>> -> memref<80xf32, #tpu.memory_space<vmem_shared>>
        %dma_start3A_406 = tpu.memref_slice %arg29[%mul3A_396] : memref<1280xf32, #tpu.memory_space<vmem_shared>> -> memref<80xf32, #tpu.memory_space<vmem_shared>>
        tpu.enqueue_dma source(%arg15 : memref<80xf32, #tpu.memory_space<vmem>>) target(%dma_start3A_406 : memref<80xf32, #tpu.memory_space<vmem_shared>>) target_semaphore(%run_scoped3A : memref<!tpu.dma_semaphore, #tpu.memory_space<semaphore_mem>>)
        %dma_wait3A_407 = tpu.memref_slice %arg29[%mul3A_396] : memref<1280xf32, #tpu.memory_space<vmem_shared>> -> memref<80xf32, #tpu.memory_space<vmem_shared>>
        %dma_wait3A_408 = tpu.memref_slice %arg29[%mul3A_396] : memref<1280xf32, #tpu.memory_space<vmem_shared>> -> memref<80xf32, #tpu.memory_space<vmem_shared>>
        tpu.wait_dma2 semaphore(%run_scoped3A : memref<!tpu.dma_semaphore, #tpu.memory_space<semaphore_mem>>) src(%arg15 : memref<80xf32, #tpu.memory_space<vmem>>) dst(%dma_wait3A_408 : memref<80xf32, #tpu.memory_space<vmem_shared>>)
        tpu.yield
      }) : () -> ()
      %mul3A_397 = arith.constant 16 : i32
      %mul3A_398 = arith.muli %mul3A_60, %mul3A_397 : i32
      "tpu.region"() ({
        %run_scoped3A = tpu.sem_alloc : memref<!tpu.dma_semaphore, #tpu.memory_space<semaphore_mem>>
        %dma_start3A_405 = tpu.memref_slice %arg30[%mul3A_398] : memref<1280xi32, #tpu.memory_space<vmem_shared>> -> memref<80xi32, #tpu.memory_space<vmem_shared>>
        %dma_start3A_406 = tpu.memref_slice %arg30[%mul3A_398] : memref<1280xi32, #tpu.memory_space<vmem_shared>> -> memref<80xi32, #tpu.memory_space<vmem_shared>>
        tpu.enqueue_dma source(%arg16 : memref<80xi32, #tpu.memory_space<vmem>>) target(%dma_start3A_406 : memref<80xi32, #tpu.memory_space<vmem_shared>>) target_semaphore(%run_scoped3A : memref<!tpu.dma_semaphore, #tpu.memory_space<semaphore_mem>>)
        %dma_wait3A_407 = tpu.memref_slice %arg30[%mul3A_398] : memref<1280xi32, #tpu.memory_space<vmem_shared>> -> memref<80xi32, #tpu.memory_space<vmem_shared>>
        %dma_wait3A_408 = tpu.memref_slice %arg30[%mul3A_398] : memref<1280xi32, #tpu.memory_space<vmem_shared>> -> memref<80xi32, #tpu.memory_space<vmem_shared>>
        tpu.wait_dma2 semaphore(%run_scoped3A : memref<!tpu.dma_semaphore, #tpu.memory_space<semaphore_mem>>) src(%arg16 : memref<80xi32, #tpu.memory_space<vmem>>) dst(%dma_wait3A_408 : memref<80xi32, #tpu.memory_space<vmem_shared>>)
        tpu.yield
      }) : () -> ()
      %barrier3A_399 = arith.constant 0 : index
      tpu.barrier barrier_id(%barrier3A_399)
      %eq3A_400 = arith.constant 0 : i32
      %eq3A_401 = arith.cmpi eq, %arg1, %eq3A_400 : i32
      %convert_element_type3A_402 = arith.extui %eq3A_401 : i1 to i32
      %cond3A_403 = arith.constant 0 : i32
      %cond3A_404 = arith.cmpi ne, %convert_element_type3A_402, %cond3A_403 : i32
      scf.if %cond3A_404 {
        "tpu.region"() ({
          %run_scoped3A = tpu.sem_alloc : memref<!tpu.dma_semaphore, #tpu.memory_space<semaphore_mem>>
          tpu.enqueue_dma source(%arg29 : memref<1280xf32, #tpu.memory_space<vmem_shared>>) target(%arg17 : memref<1280xf32, #tpu.memory_space<vmem>>) target_semaphore(%run_scoped3A : memref<!tpu.dma_semaphore, #tpu.memory_space<semaphore_mem>>)
          tpu.wait_dma2 semaphore(%run_scoped3A : memref<!tpu.dma_semaphore, #tpu.memory_space<semaphore_mem>>) src(%arg29 : memref<1280xf32, #tpu.memory_space<vmem_shared>>) dst(%arg17 : memref<1280xf32, #tpu.memory_space<vmem>>)
          tpu.yield
        }) : () -> ()
        "tpu.region"() ({
          %run_scoped3A = tpu.sem_alloc : memref<!tpu.dma_semaphore, #tpu.memory_space<semaphore_mem>>
          tpu.enqueue_dma source(%arg30 : memref<1280xi32, #tpu.memory_space<vmem_shared>>) target(%arg18 : memref<1280xi32, #tpu.memory_space<vmem>>) target_semaphore(%run_scoped3A : memref<!tpu.dma_semaphore, #tpu.memory_space<semaphore_mem>>)
          tpu.wait_dma2 semaphore(%run_scoped3A : memref<!tpu.dma_semaphore, #tpu.memory_space<semaphore_mem>>) src(%arg30 : memref<1280xi32, #tpu.memory_space<vmem_shared>>) dst(%arg18 : memref<1280xi32, #tpu.memory_space<vmem>>)
          tpu.yield
        }) : () -> ()
        %get3A_405 = arith.constant 16 : index
        %get3A_406 = tpu.vector_load %arg17[%get3A_405] {strides = array<i32>} : memref<1280xf32, #tpu.memory_space<vmem>>, vector<16xf32>,
        %get3A_407 = arith.constant 16 : index
        %get3A_408 = tpu.vector_load %arg18[%get3A_407] {strides = array<i32>} : memref<1280xi32, #tpu.memory_space<vmem>>, vector<16xi32>,
        %swap3A_409 = arith.constant 16 : index
        %swap3A_410 = tpu.vector_load %arg17[%swap3A_409] {strides = array<i32>} : memref<1280xf32, #tpu.memory_space<vmem>>, vector<16xf32>,
        tpu.vector_store %arg17[%swap3A_409], %broadcast_in_dim3A_2 {strides = array<i32>} : memref<1280xf32, #tpu.memory_space<vmem>>, vector<16xf32>,
        %add3A_411 = arith.constant 0 : i32
        %add3A_412 = vector.broadcast %add3A_411 : i32 to vector<16xi32>
        %add3A_413 = arith.addi %add3A_412, %iota3A : vector<16xi32>
        %mul3A_414 = arith.constant 16 : i32
        %mul3A_415 = vector.broadcast %mul3A_414 : i32 to vector<16xi32>
        %mul3A_416 = arith.muli %add3A_413, %mul3A_415 : vector<16xi32>
        %gather3A = tpu.vector_load_idx %arg17[%mul3A_416] : memref<1280xf32, #tpu.memory_space<vmem>>[vector<16xi32>], vector<16xf32>,
        %swap3A_417 = arith.constant 0 : index
        %swap3A_418 = tpu.vector_load %arg19[%swap3A_417] {strides = array<i32>} : memref<80xf32, #tpu.memory_space<vmem>>, vector<16xf32>,
        tpu.vector_store %arg19[%swap3A_417], %gather3A {strides = array<i32>} : memref<80xf32, #tpu.memory_space<vmem>>, vector<16xf32>,
        %gather3A_419 = tpu.vector_load_idx %arg18[%mul3A_416] : memref<1280xi32, #tpu.memory_space<vmem>>[vector<16xi32>], vector<16xi32>,
        %swap3A_420 = arith.constant 0 : index
        %swap3A_421 = tpu.vector_load %arg20[%swap3A_420] {strides = array<i32>} : memref<80xi32, #tpu.memory_space<vmem>>, vector<16xi32>,
        tpu.vector_store %arg20[%swap3A_420], %gather3A_419 {strides = array<i32>} : memref<80xi32, #tpu.memory_space<vmem>>, vector<16xi32>,
        %add3A_422 = arith.constant 16 : i32
        %add3A_423 = vector.broadcast %add3A_422 : i32 to vector<16xi32>
        %add3A_424 = arith.addi %add3A_423, %iota3A : vector<16xi32>
        %mul3A_425 = arith.constant 16 : i32
        %mul3A_426 = vector.broadcast %mul3A_425 : i32 to vector<16xi32>
        %mul3A_427 = arith.muli %add3A_424, %mul3A_426 : vector<16xi32>
        %gather3A_428 = tpu.vector_load_idx %arg17[%mul3A_427] : memref<1280xf32, #tpu.memory_space<vmem>>[vector<16xi32>], vector<16xf32>,
        %swap3A_429 = arith.constant 16 : index
        %swap3A_430 = tpu.vector_load %arg19[%swap3A_429] {strides = array<i32>} : memref<80xf32, #tpu.memory_space<vmem>>, vector<16xf32>,
        tpu.vector_store %arg19[%swap3A_429], %gather3A_428 {strides = array<i32>} : memref<80xf32, #tpu.memory_space<vmem>>, vector<16xf32>,
        %gather3A_431 = tpu.vector_load_idx %arg18[%mul3A_427] : memref<1280xi32, #tpu.memory_space<vmem>>[vector<16xi32>], vector<16xi32>,
        %swap3A_432 = arith.constant 16 : index
        %swap3A_433 = tpu.vector_load %arg20[%swap3A_432] {strides = array<i32>} : memref<80xi32, #tpu.memory_space<vmem>>, vector<16xi32>,
        tpu.vector_store %arg20[%swap3A_432], %gather3A_431 {strides = array<i32>} : memref<80xi32, #tpu.memory_space<vmem>>, vector<16xi32>,
        %add3A_434 = arith.constant 32 : i32
        %add3A_435 = vector.broadcast %add3A_434 : i32 to vector<16xi32>
        %add3A_436 = arith.addi %add3A_435, %iota3A : vector<16xi32>
        %mul3A_437 = arith.constant 16 : i32
        %mul3A_438 = vector.broadcast %mul3A_437 : i32 to vector<16xi32>
        %mul3A_439 = arith.muli %add3A_436, %mul3A_438 : vector<16xi32>
        %gather3A_440 = tpu.vector_load_idx %arg17[%mul3A_439] : memref<1280xf32, #tpu.memory_space<vmem>>[vector<16xi32>], vector<16xf32>,
        %swap3A_441 = arith.constant 32 : index
        %swap3A_442 = tpu.vector_load %arg19[%swap3A_441] {strides = array<i32>} : memref<80xf32, #tpu.memory_space<vmem>>, vector<16xf32>,
        tpu.vector_store %arg19[%swap3A_441], %gather3A_440 {strides = array<i32>} : memref<80xf32, #tpu.memory_space<vmem>>, vector<16xf32>,
        %gather3A_443 = tpu.vector_load_idx %arg18[%mul3A_439] : memref<1280xi32, #tpu.memory_space<vmem>>[vector<16xi32>], vector<16xi32>,
        %swap3A_444 = arith.constant 32 : index
        %swap3A_445 = tpu.vector_load %arg20[%swap3A_444] {strides = array<i32>} : memref<80xi32, #tpu.memory_space<vmem>>, vector<16xi32>,
        tpu.vector_store %arg20[%swap3A_444], %gather3A_443 {strides = array<i32>} : memref<80xi32, #tpu.memory_space<vmem>>, vector<16xi32>,
        %add3A_446 = arith.constant 48 : i32
        %add3A_447 = vector.broadcast %add3A_446 : i32 to vector<16xi32>
        %add3A_448 = arith.addi %add3A_447, %iota3A : vector<16xi32>
        %mul3A_449 = arith.constant 16 : i32
        %mul3A_450 = vector.broadcast %mul3A_449 : i32 to vector<16xi32>
        %mul3A_451 = arith.muli %add3A_448, %mul3A_450 : vector<16xi32>
        %gather3A_452 = tpu.vector_load_idx %arg17[%mul3A_451] : memref<1280xf32, #tpu.memory_space<vmem>>[vector<16xi32>], vector<16xf32>,
        %swap3A_453 = arith.constant 48 : index
        %swap3A_454 = tpu.vector_load %arg19[%swap3A_453] {strides = array<i32>} : memref<80xf32, #tpu.memory_space<vmem>>, vector<16xf32>,
        tpu.vector_store %arg19[%swap3A_453], %gather3A_452 {strides = array<i32>} : memref<80xf32, #tpu.memory_space<vmem>>, vector<16xf32>,
        %gather3A_455 = tpu.vector_load_idx %arg18[%mul3A_451] : memref<1280xi32, #tpu.memory_space<vmem>>[vector<16xi32>], vector<16xi32>,
        %swap3A_456 = arith.constant 48 : index
        %swap3A_457 = tpu.vector_load %arg20[%swap3A_456] {strides = array<i32>} : memref<80xi32, #tpu.memory_space<vmem>>, vector<16xi32>,
        tpu.vector_store %arg20[%swap3A_456], %gather3A_455 {strides = array<i32>} : memref<80xi32, #tpu.memory_space<vmem>>, vector<16xi32>,
        %add3A_458 = arith.constant 64 : i32
        %add3A_459 = vector.broadcast %add3A_458 : i32 to vector<16xi32>
        %add3A_460 = arith.addi %add3A_459, %iota3A : vector<16xi32>
        %mul3A_461 = arith.constant 16 : i32
        %mul3A_462 = vector.broadcast %mul3A_461 : i32 to vector<16xi32>
        %mul3A_463 = arith.muli %add3A_460, %mul3A_462 : vector<16xi32>
        %gather3A_464 = tpu.vector_load_idx %arg17[%mul3A_463] : memref<1280xf32, #tpu.memory_space<vmem>>[vector<16xi32>], vector<16xf32>,
        %swap3A_465 = arith.constant 64 : index
        %swap3A_466 = tpu.vector_load %arg19[%swap3A_465] {strides = array<i32>} : memref<80xf32, #tpu.memory_space<vmem>>, vector<16xf32>,
        tpu.vector_store %arg19[%swap3A_465], %gather3A_464 {strides = array<i32>} : memref<80xf32, #tpu.memory_space<vmem>>, vector<16xf32>,
        %gather3A_467 = tpu.vector_load_idx %arg18[%mul3A_463] : memref<1280xi32, #tpu.memory_space<vmem>>[vector<16xi32>], vector<16xi32>,
        %swap3A_468 = arith.constant 64 : index
        %swap3A_469 = tpu.vector_load %arg20[%swap3A_468] {strides = array<i32>} : memref<80xi32, #tpu.memory_space<vmem>>, vector<16xi32>,
        tpu.vector_store %arg20[%swap3A_468], %gather3A_467 {strides = array<i32>} : memref<80xi32, #tpu.memory_space<vmem>>, vector<16xi32>,
        %broadcast_in_dim3A_470 = arith.constant 1 : i32
        %broadcast_in_dim3A_471 = vector.broadcast %broadcast_in_dim3A_470 : i32 to vector<16xi32>
        %swap3A_472 = arith.constant 0 : index
        %swap3A_473 = tpu.vector_load %arg21[%swap3A_472] {strides = array<i32>} : memref<80xi32, #tpu.memory_space<vmem>>, vector<16xi32>,
        tpu.vector_store %arg21[%swap3A_472], %broadcast_in_dim3A_471 {strides = array<i32>} : memref<80xi32, #tpu.memory_space<vmem>>, vector<16xi32>,
        %swap3A_474 = arith.constant 16 : index
        %swap3A_475 = tpu.vector_load %arg21[%swap3A_474] {strides = array<i32>} : memref<80xi32, #tpu.memory_space<vmem>>, vector<16xi32>,
        tpu.vector_store %arg21[%swap3A_474], %broadcast_in_dim3A_471 {strides = array<i32>} : memref<80xi32, #tpu.memory_space<vmem>>, vector<16xi32>,
        %swap3A_476 = arith.constant 32 : index
        %swap3A_477 = tpu.vector_load %arg21[%swap3A_476] {strides = array<i32>} : memref<80xi32, #tpu.memory_space<vmem>>, vector<16xi32>,
        tpu.vector_store %arg21[%swap3A_476], %broadcast_in_dim3A_471 {strides = array<i32>} : memref<80xi32, #tpu.memory_space<vmem>>, vector<16xi32>,
        %swap3A_478 = arith.constant 48 : index
        %swap3A_479 = tpu.vector_load %arg21[%swap3A_478] {strides = array<i32>} : memref<80xi32, #tpu.memory_space<vmem>>, vector<16xi32>,
        tpu.vector_store %arg21[%swap3A_478], %broadcast_in_dim3A_471 {strides = array<i32>} : memref<80xi32, #tpu.memory_space<vmem>>, vector<16xi32>,
        %swap3A_480 = arith.constant 64 : index
        %swap3A_481 = tpu.vector_load %arg21[%swap3A_480] {strides = array<i32>} : memref<80xi32, #tpu.memory_space<vmem>>, vector<16xi32>,
        tpu.vector_store %arg21[%swap3A_480], %broadcast_in_dim3A_471 {strides = array<i32>} : memref<80xi32, #tpu.memory_space<vmem>>, vector<16xi32>,
        %scan3A_482 = arith.constant 0 : i32
        %scan3A_483 = arith.constant 15 : i32
        %scan3A_484 = arith.addi %scan3A_482, %scan3A_483 : i32
        %scan3A_485 = arith.constant 1 : i32
        %scan3A_486:2 = scf.for %scan3A_532 = %scan3A_482 to %scan3A_484 step %scan3A_485 iter_args(%scan3A_533 = %broadcast_in_dim3A_2, %scan3A_534 = %broadcast_in_dim3A_4) -> (vector<16xf32>, vector<16xi32>)  : i32 {
          %broadcast_in_dim3A_535 = arith.constant 0 : i32
          %broadcast_in_dim3A_536 = vector.broadcast %broadcast_in_dim3A_535 : i32 to vector<16xi32>
          %get3A_537 = arith.constant 0 : index
          %get3A_538 = tpu.vector_load %arg19[%get3A_537] {strides = array<i32>} : memref<80xf32, #tpu.memory_space<vmem>>, vector<16xf32>,
          %get3A_539 = arith.constant 0 : index
          %get3A_540 = tpu.vector_load %arg20[%get3A_539] {strides = array<i32>} : memref<80xi32, #tpu.memory_space<vmem>>, vector<16xi32>,
          %gt3A = arith.cmpf ogt, %get3A_538, %broadcast_in_dim3A_2 : vector<16xf32>
          %eq3A_541 = arith.cmpf oeq, %get3A_538, %broadcast_in_dim3A_2 : vector<16xf32>
          %lt3A = arith.cmpi slt, %get3A_540, %broadcast_in_dim3A_4 : vector<16xi32>
          %and3A = arith.andi %eq3A_541, %lt3A : vector<16xi1>
          %or3A = arith.ori %gt3A, %and3A : vector<16xi1>
          %select_n3A = arith.select %or3A, %get3A_538, %broadcast_in_dim3A_2 : vector<16xi1>, vector<16xf32>
          %select_n3A_542 = arith.select %or3A, %get3A_540, %broadcast_in_dim3A_4 : vector<16xi1>, vector<16xi32>
          %jit3A = arith.constant 0 : i32
          %broadcast_in_dim3A_543 = vector.broadcast %jit3A : i32 to vector<16xi32>
          %select_n3A_544 = arith.select %or3A, %broadcast_in_dim3A_543, %broadcast_in_dim3A_536 : vector<16xi1>, vector<16xi32>
          %get3A_545 = arith.constant 16 : index
          %get3A_546 = tpu.vector_load %arg19[%get3A_545] {strides = array<i32>} : memref<80xf32, #tpu.memory_space<vmem>>, vector<16xf32>,
          %get3A_547 = arith.constant 16 : index
          %get3A_548 = tpu.vector_load %arg20[%get3A_547] {strides = array<i32>} : memref<80xi32, #tpu.memory_space<vmem>>, vector<16xi32>,
          %gt3A_549 = arith.cmpf ogt, %get3A_546, %select_n3A : vector<16xf32>
          %eq3A_550 = arith.cmpf oeq, %get3A_546, %select_n3A : vector<16xf32>
          %lt3A_551 = arith.cmpi slt, %get3A_548, %select_n3A_542 : vector<16xi32>
          %and3A_552 = arith.andi %eq3A_550, %lt3A_551 : vector<16xi1>
          %or3A_553 = arith.ori %gt3A_549, %and3A_552 : vector<16xi1>
          %select_n3A_554 = arith.select %or3A_553, %get3A_546, %select_n3A : vector<16xi1>, vector<16xf32>
          %select_n3A_555 = arith.select %or3A_553, %get3A_548, %select_n3A_542 : vector<16xi1>, vector<16xi32>
          %jit3A_556 = arith.constant 1 : i32
          %broadcast_in_dim3A_557 = vector.broadcast %jit3A_556 : i32 to vector<16xi32>
          %select_n3A_558 = arith.select %or3A_553, %broadcast_in_dim3A_557, %select_n3A_544 : vector<16xi1>, vector<16xi32>
          %get3A_559 = arith.constant 32 : index
          %get3A_560 = tpu.vector_load %arg19[%get3A_559] {strides = array<i32>} : memref<80xf32, #tpu.memory_space<vmem>>, vector<16xf32>,
          %get3A_561 = arith.constant 32 : index
          %get3A_562 = tpu.vector_load %arg20[%get3A_561] {strides = array<i32>} : memref<80xi32, #tpu.memory_space<vmem>>, vector<16xi32>,
          %gt3A_563 = arith.cmpf ogt, %get3A_560, %select_n3A_554 : vector<16xf32>
          %eq3A_564 = arith.cmpf oeq, %get3A_560, %select_n3A_554 : vector<16xf32>
          %lt3A_565 = arith.cmpi slt, %get3A_562, %select_n3A_555 : vector<16xi32>
          %and3A_566 = arith.andi %eq3A_564, %lt3A_565 : vector<16xi1>
          %or3A_567 = arith.ori %gt3A_563, %and3A_566 : vector<16xi1>
          %select_n3A_568 = arith.select %or3A_567, %get3A_560, %select_n3A_554 : vector<16xi1>, vector<16xf32>
          %select_n3A_569 = arith.select %or3A_567, %get3A_562, %select_n3A_555 : vector<16xi1>, vector<16xi32>
          %jit3A_570 = arith.constant 2 : i32
          %broadcast_in_dim3A_571 = vector.broadcast %jit3A_570 : i32 to vector<16xi32>
          %select_n3A_572 = arith.select %or3A_567, %broadcast_in_dim3A_571, %select_n3A_558 : vector<16xi1>, vector<16xi32>
          %get3A_573 = arith.constant 48 : index
          %get3A_574 = tpu.vector_load %arg19[%get3A_573] {strides = array<i32>} : memref<80xf32, #tpu.memory_space<vmem>>, vector<16xf32>,
          %get3A_575 = arith.constant 48 : index
          %get3A_576 = tpu.vector_load %arg20[%get3A_575] {strides = array<i32>} : memref<80xi32, #tpu.memory_space<vmem>>, vector<16xi32>,
          %gt3A_577 = arith.cmpf ogt, %get3A_574, %select_n3A_568 : vector<16xf32>
          %eq3A_578 = arith.cmpf oeq, %get3A_574, %select_n3A_568 : vector<16xf32>
          %lt3A_579 = arith.cmpi slt, %get3A_576, %select_n3A_569 : vector<16xi32>
          %and3A_580 = arith.andi %eq3A_578, %lt3A_579 : vector<16xi1>
          %or3A_581 = arith.ori %gt3A_577, %and3A_580 : vector<16xi1>
          %select_n3A_582 = arith.select %or3A_581, %get3A_574, %select_n3A_568 : vector<16xi1>, vector<16xf32>
          %select_n3A_583 = arith.select %or3A_581, %get3A_576, %select_n3A_569 : vector<16xi1>, vector<16xi32>
          %jit3A_584 = arith.constant 3 : i32
          %broadcast_in_dim3A_585 = vector.broadcast %jit3A_584 : i32 to vector<16xi32>
          %select_n3A_586 = arith.select %or3A_581, %broadcast_in_dim3A_585, %select_n3A_572 : vector<16xi1>, vector<16xi32>
          %get3A_587 = arith.constant 64 : index
          %get3A_588 = tpu.vector_load %arg19[%get3A_587] {strides = array<i32>} : memref<80xf32, #tpu.memory_space<vmem>>, vector<16xf32>,
          %get3A_589 = arith.constant 64 : index
          %get3A_590 = tpu.vector_load %arg20[%get3A_589] {strides = array<i32>} : memref<80xi32, #tpu.memory_space<vmem>>, vector<16xi32>,
          %gt3A_591 = arith.cmpf ogt, %get3A_588, %select_n3A_582 : vector<16xf32>
          %eq3A_592 = arith.cmpf oeq, %get3A_588, %select_n3A_582 : vector<16xf32>
          %lt3A_593 = arith.cmpi slt, %get3A_590, %select_n3A_583 : vector<16xi32>
          %and3A_594 = arith.andi %eq3A_592, %lt3A_593 : vector<16xi1>
          %or3A_595 = arith.ori %gt3A_591, %and3A_594 : vector<16xi1>
          %select_n3A_596 = arith.select %or3A_595, %get3A_588, %select_n3A_582 : vector<16xi1>, vector<16xf32>
          %select_n3A_597 = arith.select %or3A_595, %get3A_590, %select_n3A_583 : vector<16xi1>, vector<16xi32>
          %jit3A_598 = arith.constant 4 : i32
          %broadcast_in_dim3A_599 = vector.broadcast %jit3A_598 : i32 to vector<16xi32>
          %select_n3A_600 = arith.select %or3A_595, %broadcast_in_dim3A_599, %select_n3A_586 : vector<16xi1>, vector<16xi32>
          %reduce_max3A_601 = arith.constant true
          %reduce_max3A_602 = vector.broadcast %reduce_max3A_601 : i1 to vector<16xi1>
          %reduce_max3A_603 = tpu.scan <max>, %select_n3A_596 masked %reduce_max3A_602 : vector<16xf32>, vector<16xi1> -> vector<16xf32>
          %reduce_max3A_604 = vector.extract %reduce_max3A_603[15] : f32 from vector<16xf32>
          %eq3A_605 = vector.broadcast %reduce_max3A_604 : f32 to vector<16xf32>
          %eq3A_606 = arith.cmpf oeq, %select_n3A_596, %eq3A_605 : vector<16xf32>
          %jit3A_607 = arith.constant 1073741824 : i32
          %broadcast_in_dim3A_608 = vector.broadcast %jit3A_607 : i32 to vector<16xi32>
          %select_n3A_609 = arith.select %eq3A_606, %select_n3A_597, %broadcast_in_dim3A_608 : vector<16xi1>, vector<16xi32>
          %reduce_min3A = arith.constant true
          %reduce_min3A_610 = vector.broadcast %reduce_min3A : i1 to vector<16xi1>
          %reduce_min3A_611 = arith.constant -2147483648 : i32
          %reduce_min3A_612 = vector.broadcast %reduce_min3A_611 : i32 to vector<16xi32>
          %reduce_min3A_613 = arith.xori %select_n3A_609, %reduce_min3A_612 : vector<16xi32>
          %reduce_min3A_614 = tpu.scan <min>, %reduce_min3A_613 masked %reduce_min3A_610 : vector<16xi32>, vector<16xi1> -> vector<16xi32>
          %reduce_min3A_615 = arith.xori %reduce_min3A_614, %reduce_min3A_612 : vector<16xi32>
          %reduce_min3A_616 = vector.extract %reduce_min3A_615[15] : i32 from vector<16xi32>
          %eq3A_617 = vector.broadcast %reduce_max3A_604 : f32 to vector<16xf32>
          %eq3A_618 = arith.cmpf oeq, %select_n3A_596, %eq3A_617 : vector<16xf32>
          %eq3A_619 = vector.broadcast %reduce_min3A_616 : i32 to vector<16xi32>
          %eq3A_620 = arith.cmpi eq, %select_n3A_597, %eq3A_619 : vector<16xi32>
          %and3A_621 = arith.andi %eq3A_618, %eq3A_620 : vector<16xi1>
          %mul3A_622 = arith.constant 16 : i32
          %mul3A_623 = vector.broadcast %mul3A_622 : i32 to vector<16xi32>
          %mul3A_624 = arith.muli %select_n3A_600, %mul3A_623 : vector<16xi32>
          %add3A_625 = arith.addi %mul3A_624, %iota3A : vector<16xi32>
          %jit3A_626 = arith.constant 1073741824 : i32
          %broadcast_in_dim3A_627 = vector.broadcast %jit3A_626 : i32 to vector<16xi32>
          %select_n3A_628 = arith.select %and3A_621, %add3A_625, %broadcast_in_dim3A_627 : vector<16xi1>, vector<16xi32>
          %reduce_min3A_629 = arith.constant true
          %reduce_min3A_630 = vector.broadcast %reduce_min3A_629 : i1 to vector<16xi1>
          %reduce_min3A_631 = arith.constant -2147483648 : i32
          %reduce_min3A_632 = vector.broadcast %reduce_min3A_631 : i32 to vector<16xi32>
          %reduce_min3A_633 = arith.xori %select_n3A_628, %reduce_min3A_632 : vector<16xi32>
          %reduce_min3A_634 = tpu.scan <min>, %reduce_min3A_633 masked %reduce_min3A_630 : vector<16xi32>, vector<16xi1> -> vector<16xi32>
          %reduce_min3A_635 = arith.xori %reduce_min3A_634, %reduce_min3A_632 : vector<16xi32>
          %reduce_min3A_636 = vector.extract %reduce_min3A_635[15] : i32 from vector<16xi32>
          %broadcast_in_dim3A_637 = vector.broadcast %reduce_min3A_636 : i32 to vector<16xi32>
          %gather3A_638 = tpu.vector_load_idx %arg21[%broadcast_in_dim3A_637] : memref<80xi32, #tpu.memory_space<vmem>>[vector<16xi32>], vector<16xi32>,
          %add3A_639 = arith.constant 1 : i32
          %add3A_640 = vector.broadcast %add3A_639 : i32 to vector<16xi32>
          %add3A_641 = arith.addi %gather3A_638, %add3A_640 : vector<16xi32>
          %eq3A_642 = arith.constant 0 : i32
          %eq3A_643 = vector.broadcast %eq3A_642 : i32 to vector<16xi32>
          %eq3A_644 = arith.cmpi eq, %iota3A, %eq3A_643 : vector<16xi32>
          tpu.vector_store_idx %arg21[%broadcast_in_dim3A_637], %add3A_641 masked %eq3A_644 : memref<80xi32, #tpu.memory_space<vmem>>[vector<16xi32>], vector<16xi32>, vector<16xi1>
          %min3A = arith.constant 15 : i32
          %min3A_645 = vector.broadcast %min3A : i32 to vector<16xi32>
          %min3A_646 = arith.minsi %gather3A_638, %min3A_645 : vector<16xi32>
          %mul3A_647 = arith.constant 16 : i32
          %mul3A_648 = vector.broadcast %mul3A_647 : i32 to vector<16xi32>
          %mul3A_649 = arith.muli %broadcast_in_dim3A_637, %mul3A_648 : vector<16xi32>
          %add3A_650 = arith.addi %mul3A_649, %min3A_646 : vector<16xi32>
          %gather3A_651 = tpu.vector_load_idx %arg17[%add3A_650] : memref<1280xf32, #tpu.memory_space<vmem>>[vector<16xi32>], vector<16xf32>,
          %mul3A_652 = arith.constant 16 : i32
          %mul3A_653 = vector.broadcast %mul3A_652 : i32 to vector<16xi32>
          %mul3A_654 = arith.muli %broadcast_in_dim3A_637, %mul3A_653 : vector<16xi32>
          %add3A_655 = arith.addi %mul3A_654, %min3A_646 : vector<16xi32>
          %gather3A_656 = tpu.vector_load_idx %arg18[%add3A_655] : memref<1280xi32, #tpu.memory_space<vmem>>[vector<16xi32>], vector<16xi32>,
          %ge3A_657 = arith.constant 16 : i32
          %ge3A_658 = vector.broadcast %ge3A_657 : i32 to vector<16xi32>
          %ge3A_659 = arith.cmpi sge, %gather3A_638, %ge3A_658 : vector<16xi32>
          %select_n3A_660 = arith.select %ge3A_659, %broadcast_in_dim3A_2, %gather3A_651 : vector<16xi1>, vector<16xf32>
          %eq3A_661 = arith.constant 0 : i32
          %eq3A_662 = vector.broadcast %eq3A_661 : i32 to vector<16xi32>
          %eq3A_663 = arith.cmpi eq, %iota3A, %eq3A_662 : vector<16xi32>
          tpu.vector_store_idx %arg19[%broadcast_in_dim3A_637], %select_n3A_660 masked %eq3A_663 : memref<80xf32, #tpu.memory_space<vmem>>[vector<16xi32>], vector<16xf32>, vector<16xi1>
          %eq3A_664 = arith.constant 0 : i32
          %eq3A_665 = vector.broadcast %eq3A_664 : i32 to vector<16xi32>
          %eq3A_666 = arith.cmpi eq, %iota3A, %eq3A_665 : vector<16xi32>
          tpu.vector_store_idx %arg20[%broadcast_in_dim3A_637], %gather3A_656 masked %eq3A_666 : memref<80xi32, #tpu.memory_space<vmem>>[vector<16xi32>], vector<16xi32>, vector<16xi1>
          %gt3A_667 = arith.constant -9.99999993E+36 : f32
          %gt3A_668 = arith.cmpf ogt, %reduce_max3A_604, %gt3A_667 : f32
          %eq3A_669 = vector.broadcast %scan3A_532 : i32 to vector<16xi32>
          %eq3A_670 = arith.cmpi eq, %iota3A, %eq3A_669 : vector<16xi32>
          %and3A_671 = vector.broadcast %gt3A_668 : i1 to vector<16xi1>
          %and3A_672 = arith.andi %eq3A_670, %and3A_671 : vector<16xi1>
          %broadcast_in_dim3A_673 = vector.broadcast %reduce_max3A_604 : f32 to vector<16xf32>
          %select_n3A_674 = arith.select %and3A_672, %broadcast_in_dim3A_673, %scan3A_533 : vector<16xi1>, vector<16xf32>
          %eq3A_675 = vector.broadcast %scan3A_532 : i32 to vector<16xi32>
          %eq3A_676 = arith.cmpi eq, %iota3A, %eq3A_675 : vector<16xi32>
          %and3A_677 = vector.broadcast %gt3A_668 : i1 to vector<16xi1>
          %and3A_678 = arith.andi %eq3A_676, %and3A_677 : vector<16xi1>
          %broadcast_in_dim3A_679 = vector.broadcast %reduce_min3A_616 : i32 to vector<16xi32>
          %select_n3A_680 = arith.select %and3A_678, %broadcast_in_dim3A_679, %scan3A_534 : vector<16xi1>, vector<16xi32>
          scf.yield %select_n3A_674, %select_n3A_680 : vector<16xf32>, vector<16xi32>
        }
        %scan3A_487 = arith.constant 15 : i32
        %swap3A_488 = arith.constant 0 : index
        %swap3A_489 = tpu.vector_load %arg19[%swap3A_488] {strides = array<i32>} : memref<80xf32, #tpu.memory_space<vmem>>, vector<16xf32>,
        tpu.vector_store %arg19[%swap3A_488], %get3A_406 {strides = array<i32>} : memref<80xf32, #tpu.memory_space<vmem>>, vector<16xf32>,
        %swap3A_490 = arith.constant 0 : index
        %swap3A_491 = tpu.vector_load %arg20[%swap3A_490] {strides = array<i32>} : memref<80xi32, #tpu.memory_space<vmem>>, vector<16xi32>,
        tpu.vector_store %arg20[%swap3A_490], %get3A_408 {strides = array<i32>} : memref<80xi32, #tpu.memory_space<vmem>>, vector<16xi32>,
        %swap3A_492 = arith.constant 16 : index
        %swap3A_493 = tpu.vector_load %arg19[%swap3A_492] {strides = array<i32>} : memref<80xf32, #tpu.memory_space<vmem>>, vector<16xf32>,
        tpu.vector_store %arg19[%swap3A_492], %scan3A_486#0 {strides = array<i32>} : memref<80xf32, #tpu.memory_space<vmem>>, vector<16xf32>,
        %swap3A_494 = arith.constant 16 : index
        %swap3A_495 = tpu.vector_load %arg20[%swap3A_494] {strides = array<i32>} : memref<80xi32, #tpu.memory_space<vmem>>, vector<16xi32>,
        tpu.vector_store %arg20[%swap3A_494], %scan3A_486#1 {strides = array<i32>} : memref<80xi32, #tpu.memory_space<vmem>>, vector<16xi32>,
        %broadcast_in_dim3A_496 = arith.constant 0.000000e+00 : f32
        %broadcast_in_dim3A_497 = vector.broadcast %broadcast_in_dim3A_496 : f32 to vector<16xf32>
        %swap3A_498 = arith.constant 0 : index
        %swap3A_499 = tpu.vector_load %arg22[%swap3A_498] {strides = array<i32>} : memref<128xf32, #tpu.memory_space<vmem>>, vector<16xf32>,
        tpu.vector_store %arg22[%swap3A_498], %broadcast_in_dim3A_497 {strides = array<i32>} : memref<128xf32, #tpu.memory_space<vmem>>, vector<16xf32>,
        %swap3A_500 = arith.constant 16 : index
        %swap3A_501 = tpu.vector_load %arg22[%swap3A_500] {strides = array<i32>} : memref<128xf32, #tpu.memory_space<vmem>>, vector<16xf32>,
        tpu.vector_store %arg22[%swap3A_500], %broadcast_in_dim3A_497 {strides = array<i32>} : memref<128xf32, #tpu.memory_space<vmem>>, vector<16xf32>,
        %swap3A_502 = arith.constant 32 : index
        %swap3A_503 = tpu.vector_load %arg22[%swap3A_502] {strides = array<i32>} : memref<128xf32, #tpu.memory_space<vmem>>, vector<16xf32>,
        tpu.vector_store %arg22[%swap3A_502], %broadcast_in_dim3A_497 {strides = array<i32>} : memref<128xf32, #tpu.memory_space<vmem>>, vector<16xf32>,
        %swap3A_504 = arith.constant 48 : index
        %swap3A_505 = tpu.vector_load %arg22[%swap3A_504] {strides = array<i32>} : memref<128xf32, #tpu.memory_space<vmem>>, vector<16xf32>,
        tpu.vector_store %arg22[%swap3A_504], %broadcast_in_dim3A_497 {strides = array<i32>} : memref<128xf32, #tpu.memory_space<vmem>>, vector<16xf32>,
        %swap3A_506 = arith.constant 64 : index
        %swap3A_507 = tpu.vector_load %arg22[%swap3A_506] {strides = array<i32>} : memref<128xf32, #tpu.memory_space<vmem>>, vector<16xf32>,
        tpu.vector_store %arg22[%swap3A_506], %broadcast_in_dim3A_497 {strides = array<i32>} : memref<128xf32, #tpu.memory_space<vmem>>, vector<16xf32>,
        %swap3A_508 = arith.constant 80 : index
        %swap3A_509 = tpu.vector_load %arg22[%swap3A_508] {strides = array<i32>} : memref<128xf32, #tpu.memory_space<vmem>>, vector<16xf32>,
        tpu.vector_store %arg22[%swap3A_508], %broadcast_in_dim3A_497 {strides = array<i32>} : memref<128xf32, #tpu.memory_space<vmem>>, vector<16xf32>,
        %swap3A_510 = arith.constant 96 : index
        %swap3A_511 = tpu.vector_load %arg22[%swap3A_510] {strides = array<i32>} : memref<128xf32, #tpu.memory_space<vmem>>, vector<16xf32>,
        tpu.vector_store %arg22[%swap3A_510], %broadcast_in_dim3A_497 {strides = array<i32>} : memref<128xf32, #tpu.memory_space<vmem>>, vector<16xf32>,
        %swap3A_512 = arith.constant 112 : index
        %swap3A_513 = tpu.vector_load %arg22[%swap3A_512] {strides = array<i32>} : memref<128xf32, #tpu.memory_space<vmem>>, vector<16xf32>,
        tpu.vector_store %arg22[%swap3A_512], %broadcast_in_dim3A_497 {strides = array<i32>} : memref<128xf32, #tpu.memory_space<vmem>>, vector<16xf32>,
        %swap3A_514 = arith.constant 0 : index
        %swap3A_515 = tpu.vector_load %arg23[%swap3A_514] {strides = array<i32>} : memref<32xf32, #tpu.memory_space<vmem>>, vector<16xf32>,
        tpu.vector_store %arg23[%swap3A_514], %broadcast_in_dim3A_497 {strides = array<i32>} : memref<32xf32, #tpu.memory_space<vmem>>, vector<16xf32>,
        %swap3A_516 = arith.constant 16 : index
        %swap3A_517 = tpu.vector_load %arg23[%swap3A_516] {strides = array<i32>} : memref<32xf32, #tpu.memory_space<vmem>>, vector<16xf32>,
        tpu.vector_store %arg23[%swap3A_516], %broadcast_in_dim3A_497 {strides = array<i32>} : memref<32xf32, #tpu.memory_space<vmem>>, vector<16xf32>,
        %broadcast_in_dim3A_518 = arith.constant -1 : i32
        %broadcast_in_dim3A_519 = vector.broadcast %broadcast_in_dim3A_518 : i32 to vector<16xi32>
        %swap3A_520 = arith.constant 0 : index
        %swap3A_521 = tpu.vector_load %arg24[%swap3A_520] {strides = array<i32>} : memref<32xi32, #tpu.memory_space<vmem>>, vector<16xi32>,
        tpu.vector_store %arg24[%swap3A_520], %broadcast_in_dim3A_519 {strides = array<i32>} : memref<32xi32, #tpu.memory_space<vmem>>, vector<16xi32>,
        %swap3A_522 = arith.constant 16 : index
        %swap3A_523 = tpu.vector_load %arg24[%swap3A_522] {strides = array<i32>} : memref<32xi32, #tpu.memory_space<vmem>>, vector<16xi32>,
        tpu.vector_store %arg24[%swap3A_522], %broadcast_in_dim3A_519 {strides = array<i32>} : memref<32xi32, #tpu.memory_space<vmem>>, vector<16xi32>,
        %scan3A_524 = arith.constant 0 : i32
        %scan3A_525 = arith.constant 0 : i32
        %scan3A_526 = arith.constant 0 : i32
        %scan3A_527 = arith.constant 30 : i32
        %scan3A_528 = arith.addi %scan3A_526, %scan3A_527 : i32
        %scan3A_529 = arith.constant 1 : i32
        %scan3A_530:2 = scf.for %scan3A_532 = %scan3A_526 to %scan3A_528 step %scan3A_529 iter_args(%scan3A_533 = %scan3A_524, %scan3A_534 = %scan3A_525) -> (i32, i32)  : i32 {
          %broadcast_in_dim3A_535 = vector.broadcast %scan3A_533 : i32 to vector<16xi32>
          %add3A_536 = arith.constant 16 : i32
          %add3A_537 = arith.addi %scan3A_534, %add3A_536 : i32
          %broadcast_in_dim3A_538 = vector.broadcast %add3A_537 : i32 to vector<16xi32>
          %gather3A_539 = tpu.vector_load_idx %arg19[%broadcast_in_dim3A_535] : memref<80xf32, #tpu.memory_space<vmem>>[vector<16xi32>], vector<16xf32>,
          %gather3A_540 = tpu.vector_load_idx %arg20[%broadcast_in_dim3A_535] : memref<80xi32, #tpu.memory_space<vmem>>[vector<16xi32>], vector<16xi32>,
          %gather3A_541 = tpu.vector_load_idx %arg19[%broadcast_in_dim3A_538] : memref<80xf32, #tpu.memory_space<vmem>>[vector<16xi32>], vector<16xf32>,
          %gather3A_542 = tpu.vector_load_idx %arg20[%broadcast_in_dim3A_538] : memref<80xi32, #tpu.memory_space<vmem>>[vector<16xi32>], vector<16xi32>,
          %slice3A = vector.extract_strided_slice %gather3A_539 {offsets = [0], sizes = [1], strides = [1]} : vector<16xf32> to vector<1xf32>
          %squeeze3A = vector.extract %slice3A[0] : f32 from vector<1xf32>
          %slice3A_543 = vector.extract_strided_slice %gather3A_541 {offsets = [0], sizes = [1], strides = [1]} : vector<16xf32> to vector<1xf32>
          %squeeze3A_544 = vector.extract %slice3A_543[0] : f32 from vector<1xf32>
          %slice3A_545 = vector.extract_strided_slice %gather3A_540 {offsets = [0], sizes = [1], strides = [1]} : vector<16xi32> to vector<1xi32>
          %squeeze3A_546 = vector.extract %slice3A_545[0] : i32 from vector<1xi32>
          %slice3A_547 = vector.extract_strided_slice %gather3A_542 {offsets = [0], sizes = [1], strides = [1]} : vector<16xi32> to vector<1xi32>
          %squeeze3A_548 = vector.extract %slice3A_547[0] : i32 from vector<1xi32>
          %gt3A = arith.cmpf ogt, %squeeze3A, %squeeze3A_544 : f32
          %eq3A_549 = arith.cmpf oeq, %squeeze3A, %squeeze3A_544 : f32
          %lt3A = arith.cmpi slt, %squeeze3A_546, %squeeze3A_548 : i32
          %and3A = arith.andi %eq3A_549, %lt3A : i1
          %or3A = arith.ori %gt3A, %and3A : i1
          %select_n3A = arith.select %or3A, %gather3A_539, %gather3A_541 : vector<16xf32>
          %select_n3A_550 = arith.select %or3A, %gather3A_540, %gather3A_542 : vector<16xi32>
          %slice3A_551 = vector.extract_strided_slice %select_n3A {offsets = [0], sizes = [1], strides = [1]} : vector<16xf32> to vector<1xf32>
          %squeeze3A_552 = vector.extract %slice3A_551[0] : f32 from vector<1xf32>
          %gt3A_553 = arith.constant -9.99999993E+36 : f32
          %gt3A_554 = arith.cmpf ogt, %squeeze3A_552, %gt3A_553 : f32
          %broadcast_in_dim3A_555 = arith.constant 0 : i32
          %broadcast_in_dim3A_556 = vector.broadcast %broadcast_in_dim3A_555 : i32 to vector<16xi32>
          %select_n3A_557 = arith.select %gt3A_554, %select_n3A_550, %broadcast_in_dim3A_556 : vector<16xi32>
          %mul3A_558 = arith.constant 4 : i32
          %mul3A_559 = vector.broadcast %mul3A_558 : i32 to vector<16xi32>
          %mul3A_560 = arith.muli %select_n3A_557, %mul3A_559 : vector<16xi32>
          %eq3A_561 = arith.constant 0 : i32
          %eq3A_562 = vector.broadcast %eq3A_561 : i32 to vector<16xi32>
          %eq3A_563 = arith.cmpi eq, %iota3A, %eq3A_562 : vector<16xi32>
          %and3A_564 = vector.broadcast %gt3A_554 : i1 to vector<16xi1>
          %and3A_565 = arith.andi %eq3A_563, %and3A_564 : vector<16xi1>
          %broadcast_in_dim3A_566 = vector.broadcast %scan3A_532 : i32 to vector<16xi32>
          %gather3A_567 = tpu.vector_load_idx %arg8[%mul3A_560] : memref<20000xf32, #tpu.memory_space<vmem>>[vector<16xi32>], vector<16xf32>,
          %add3A_568 = arith.constant 1 : i32
          %add3A_569 = vector.broadcast %add3A_568 : i32 to vector<16xi32>
          %add3A_570 = arith.addi %mul3A_560, %add3A_569 : vector<16xi32>
          %gather3A_571 = tpu.vector_load_idx %arg8[%add3A_570] : memref<20000xf32, #tpu.memory_space<vmem>>[vector<16xi32>], vector<16xf32>,
          %add3A_572 = arith.constant 2 : i32
          %add3A_573 = vector.broadcast %add3A_572 : i32 to vector<16xi32>
          %add3A_574 = arith.addi %mul3A_560, %add3A_573 : vector<16xi32>
          %gather3A_575 = tpu.vector_load_idx %arg8[%add3A_574] : memref<20000xf32, #tpu.memory_space<vmem>>[vector<16xi32>], vector<16xf32>,
          %add3A_576 = arith.constant 3 : i32
          %add3A_577 = vector.broadcast %add3A_576 : i32 to vector<16xi32>
          %add3A_578 = arith.addi %mul3A_560, %add3A_577 : vector<16xi32>
          %gather3A_579 = tpu.vector_load_idx %arg8[%add3A_578] : memref<20000xf32, #tpu.memory_space<vmem>>[vector<16xi32>], vector<16xf32>,
          %gather3A_580 = tpu.vector_load_idx %arg10[%select_n3A_557] : memref<5136xi32, #tpu.memory_space<vmem>>[vector<16xi32>], vector<16xi32>,
          %mul3A_581 = arith.constant 4 : i32
          %mul3A_582 = vector.broadcast %mul3A_581 : i32 to vector<16xi32>
          %mul3A_583 = arith.muli %broadcast_in_dim3A_566, %mul3A_582 : vector<16xi32>
          tpu.vector_store_idx %arg22[%mul3A_583], %gather3A_567 masked %and3A_565 : memref<128xf32, #tpu.memory_space<vmem>>[vector<16xi32>], vector<16xf32>, vector<16xi1>
          %mul3A_584 = arith.constant 4 : i32
          %mul3A_585 = vector.broadcast %mul3A_584 : i32 to vector<16xi32>
          %mul3A_586 = arith.muli %broadcast_in_dim3A_566, %mul3A_585 : vector<16xi32>
          %add3A_587 = arith.constant 1 : i32
          %add3A_588 = vector.broadcast %add3A_587 : i32 to vector<16xi32>
          %add3A_589 = arith.addi %mul3A_586, %add3A_588 : vector<16xi32>
          tpu.vector_store_idx %arg22[%add3A_589], %gather3A_571 masked %and3A_565 : memref<128xf32, #tpu.memory_space<vmem>>[vector<16xi32>], vector<16xf32>, vector<16xi1>
          %mul3A_590 = arith.constant 4 : i32
          %mul3A_591 = vector.broadcast %mul3A_590 : i32 to vector<16xi32>
          %mul3A_592 = arith.muli %broadcast_in_dim3A_566, %mul3A_591 : vector<16xi32>
          %add3A_593 = arith.constant 2 : i32
          %add3A_594 = vector.broadcast %add3A_593 : i32 to vector<16xi32>
          %add3A_595 = arith.addi %mul3A_592, %add3A_594 : vector<16xi32>
          tpu.vector_store_idx %arg22[%add3A_595], %gather3A_575 masked %and3A_565 : memref<128xf32, #tpu.memory_space<vmem>>[vector<16xi32>], vector<16xf32>, vector<16xi1>
          %mul3A_596 = arith.constant 4 : i32
          %mul3A_597 = vector.broadcast %mul3A_596 : i32 to vector<16xi32>
          %mul3A_598 = arith.muli %broadcast_in_dim3A_566, %mul3A_597 : vector<16xi32>
          %add3A_599 = arith.constant 3 : i32
          %add3A_600 = vector.broadcast %add3A_599 : i32 to vector<16xi32>
          %add3A_601 = arith.addi %mul3A_598, %add3A_600 : vector<16xi32>
          tpu.vector_store_idx %arg22[%add3A_601], %gather3A_579 masked %and3A_565 : memref<128xf32, #tpu.memory_space<vmem>>[vector<16xi32>], vector<16xf32>, vector<16xi1>
          tpu.vector_store_idx %arg23[%broadcast_in_dim3A_566], %select_n3A masked %and3A_565 : memref<32xf32, #tpu.memory_space<vmem>>[vector<16xi32>], vector<16xf32>, vector<16xi1>
          tpu.vector_store_idx %arg24[%broadcast_in_dim3A_566], %gather3A_580 masked %and3A_565 : memref<32xi32, #tpu.memory_space<vmem>>[vector<16xi32>], vector<16xi32>, vector<16xi1>
          %convert_element_type3A_602 = arith.extui %gt3A_554 : i1 to i32
          %jit3A = arith.constant 0 : i32
          %select_n3A_603 = arith.select %or3A, %convert_element_type3A_602, %jit3A : i32
          %add3A_604 = arith.addi %scan3A_533, %select_n3A_603 : i32
          %jit3A_605 = arith.constant 0 : i32
          %select_n3A_606 = arith.select %or3A, %jit3A_605, %convert_element_type3A_602 : i32
          %add3A_607 = arith.addi %scan3A_534, %select_n3A_606 : i32
          scf.yield %add3A_604, %add3A_607 : i32, i32
        }
        %scan3A_531 = arith.constant 30 : i32
        "tpu.region"() ({
          %run_scoped3A = tpu.sem_alloc : memref<!tpu.dma_semaphore, #tpu.memory_space<semaphore_mem>>
          tpu.enqueue_dma source(%arg22 : memref<128xf32, #tpu.memory_space<vmem>>) target(%arg5 : memref<128xf32, #tpu.memory_space<hbm>>) target_semaphore(%run_scoped3A : memref<!tpu.dma_semaphore, #tpu.memory_space<semaphore_mem>>)
          tpu.wait_dma2 semaphore(%run_scoped3A : memref<!tpu.dma_semaphore, #tpu.memory_space<semaphore_mem>>) src(%arg22 : memref<128xf32, #tpu.memory_space<vmem>>) dst(%arg5 : memref<128xf32, #tpu.memory_space<hbm>>)
          tpu.yield
        }) : () -> ()
        "tpu.region"() ({
          %run_scoped3A = tpu.sem_alloc : memref<!tpu.dma_semaphore, #tpu.memory_space<semaphore_mem>>
          tpu.enqueue_dma source(%arg23 : memref<32xf32, #tpu.memory_space<vmem>>) target(%arg6 : memref<32xf32, #tpu.memory_space<hbm>>) target_semaphore(%run_scoped3A : memref<!tpu.dma_semaphore, #tpu.memory_space<semaphore_mem>>)
          tpu.wait_dma2 semaphore(%run_scoped3A : memref<!tpu.dma_semaphore, #tpu.memory_space<semaphore_mem>>) src(%arg23 : memref<32xf32, #tpu.memory_space<vmem>>) dst(%arg6 : memref<32xf32, #tpu.memory_space<hbm>>)
          tpu.yield
        }) : () -> ()
        "tpu.region"() ({
          %run_scoped3A = tpu.sem_alloc : memref<!tpu.dma_semaphore, #tpu.memory_space<semaphore_mem>>
          tpu.enqueue_dma source(%arg24 : memref<32xi32, #tpu.memory_space<vmem>>) target(%arg7 : memref<32xi32, #tpu.memory_space<hbm>>) target_semaphore(%run_scoped3A : memref<!tpu.dma_semaphore, #tpu.memory_space<semaphore_mem>>)
          tpu.wait_dma2 semaphore(%run_scoped3A : memref<!tpu.dma_semaphore, #tpu.memory_space<semaphore_mem>>) src(%arg24 : memref<32xi32, #tpu.memory_space<vmem>>) dst(%arg7 : memref<32xi32, #tpu.memory_space<hbm>>)
          tpu.yield
        }) : () -> ()
      } else {
      }
    } else {
    }
    return
  }
}

</mosaic_0001>

<sc_bundles>
// kernel: kernel.3.cloned.1.call-start
scs
__scs_entry_jumppad:
0x0: {  	(pc) =	sbr.rel $0x88, $3  }
0x1: {  	(tag) =	ssettag $0x0;
	lr =	simm.s32 $0x1  }
0x2: {  	[smem:$0x3F9E] =	sst lr;
	_ =	strace $0xD0000000  }
0x3: {  	_ = 	snop  }
0x4: {  	_ = 	snop  }
0x5: {  	_ = 	snop  }
0x6: {  	_ = 	snop  }
0x7: {  	_ = 	snop  }
__scs_overlays_trampoline_lowered:
0x8: {  	[smem:$0x3FAD] =	sst s0  }
0x9: {  	[smem:$0x3FAE] =	sst s1  }
0xa: {  	[smem:$0x3FAF] =	sst s2  }
0xb: {  	[smem:$0x3FB0] =	sst s3  }
0xc: {  	[smem:$0x3FB1] =	sst s4  }
0xd: {  	[smem:$0x3FB2] =	sst s5  }
0xe: {  	[smem:$0x3FB3] =	sst s6  }
0xf: {  	[smem:$0x3FB4] =	sst s7  }
0x10: {  	[smem:$0x3FB5] =	sst s8  }
0x11: {  	[smem:$0x3FB6] =	sst s9;
	s0 =	simm.s32 @!p0 $0x0  }
0x12: {  	s1 =	sld [smem:$0x3F9C];
	s0 =	simm.s32 @p0 $0x1  }
0x13: {  	[smem:$0x3FB7] =	sst s0;
	s0 =	simm.s32 @!p1 $0x0  }
0x14: {  	s2 =	sld [smem:$0x3F9B];
	s0 =	simm.s32 @p1 $0x1  }
0x15: {  	[smem:$0x3FB8] =	sst s0;
	s0 =	simm.s32 @!p2 $0x0  }
0x16: {  	s3 =	sld [smem:$0x3FDB];
	s0 =	simm.s32 @p2 $0x1  }
0x17: {  	s4 =	simm.s32 $0x1BF5;
	[smem:$0x3FBA] =	sst s0  }
0x18: {  	s0 =	sld [smem:$0x3F9D];
	_ =	swait.ge [sflag:s4], $0x0  }
0x19: {  	s7 =	sld [smem:$0x3F9E]  }
0x1a: {  	s8 =	sadd.s32 $0xFFFFE003, lr  }
0x1b: {  	s9 =	sadd.s32 $0xFFFFFEF7, lr;
	s5 =	simm.s32 $0xFFFFFFFF;
	p2 =	slt.u32 s8, $0xFFFFF086  }
0x1c: {  	p1 =	slt.u32 s9, $0xF7A;
	s5 =	simm.s32 @!p2 $0x0  }
0x1d: {  	s5 =	simm.s32 @p1 $0x1;
	p0 =	seq.s32 s7, s2  }
0x1e: {  	s7 =	smul.u32 @!p0 $0xF7A, s2;
	p2 =	seq.s32 @!p0 s5, $0x0  }
0x1f: {  	s9 =	smul.u32 $0xF7A, s1;
	s8 =	simm.s32 @!p0 $0x1BF5;
	p2 =	por !p2, p0  }
0x20: {  	[sflag:s8] =	ssyncset.s32 @!p0 $0xFFFFF086;
	s6 =	sadd.s32 @!p0 s3, s7;
	s7 =	simm.s32 @!p0 $0x108  }
0x21: {  	s3 =	sadd.s32 s3, s9;
	s6 =	sadd.s32 @!p0 $0x88, s6;
	s7 =	simm.s32 @p2 $0x1082  }
0x22: {  	[simem:s7], [sflag:s8] =	dma.local @!p0 [hbm:s6], $0xF7A  }
0x23: {  	s9 =	sor.u32 $0xD0000000, s2;
	s6 =	simm.s32 $0x108;
	_ =	swait.ge @!p0 [sflag:s8], $0x0  }
0x24: {  	s3 =	sadd.s32 $0x88, s3;
	s6 =	simm.s32 @!p1 $0x1082;
	[sflag:s4] =	ssyncset.s32 $0xFFFFF086  }
0x25: {  	[simem:s6], [sflag:s4] =	dma.local [hbm:s3], $0xF7A  }
0x26: {  	[smem:$0x3F9E] =	sst s1;
	(tag) =	ssettag s2;
	_ =	strace s9  }
0x27: {  	s1 =	sld [smem:$0x3FAE]  }
0x28: {  	s2 =	sld [smem:$0x3FAF]  }
0x29: {  	s4 =	sld [smem:$0x3FB1]  }
0x2a: {  	p0 =	seq.s32 s5, $0x0;
	s5 =	sld [smem:$0x3FB2]  }
0x2b: {  	s6 =	sld [smem:$0x3FB3]  }
0x2c: {  	s7 =	sld [smem:$0x3FB4]  }
0x2d: {  	s3 =	simm.s32 $0x108;
	s8 =	sld [smem:$0x3FB5]  }
0x2e: {  	s3 =	simm.s32 @!p0 $0x1082;
	s9 =	sld [smem:$0x3FB6]  }
0x2f: {  	lr =	sadd.s32 s0, s3;
	s0 =	sld [smem:$0x3FAD]  }
0x30: {  	s3 =	sld [smem:$0x3FB0]  }
0x31: {  	[smem:$0x3FB9] =	sst s10  }
0x32: {  	s10 =	sld [smem:$0x3FB7];
	_ =	sdelay $0x3  }
0x33: {  	p0 =	seq.s32 s10, $0x1;
	s10 =	sld [smem:$0x3FB9];
	_ =	sdelay $0x3  }
0x34: {  	[smem:$0x3FB9] =	sst s10  }
0x35: {  	s10 =	sld [smem:$0x3FB8];
	_ =	sdelay $0x3  }
0x36: {  	p1 =	seq.s32 s10, $0x1;
	s10 =	sld [smem:$0x3FB9];
	_ =	sdelay $0x3  }
0x37: {  	[smem:$0x3FB9] =	sst s10  }
0x38: {  	s10 =	sld [smem:$0x3FBA]  }
0x39: {  	_ = 	snop;
	(pc) =	sbr.ind lr, $3  }
0x3a: {  	_ = 	snop  }
0x3b: {  	_ = 	snop  }
0x3c: {  	p2 =	seq.s32 s10, $0x1;
	s10 =	sld [smem:$0x3FB9]  }
0x3d: {  	_ =	shalt  }
0x3e: {  	_ =	shalt  }
0x3f: {  	_ =	shalt  }
0x40: {  	_ =	shalt  }
0x41: {  	_ =	shalt  }
0x42: {  	_ =	shalt  }
0x43: {  	_ =	shalt  }
0x44: {  	_ =	shalt  }
0x45: {  	_ =	shalt  }
0x46: {  	_ =	shalt  }
0x47: {  	_ =	shalt  }
0x48: {  	_ =	shalt  }
0x49: {  	_ =	shalt  }
0x4a: {  	_ =	shalt  }
0x4b: {  	_ =	shalt  }
0x4c: {  	_ =	shalt  }
0x4d: {  	_ =	shalt  }
0x4e: {  	_ =	shalt  }
0x4f: {  	_ =	shalt  }
0x50: {  	_ =	shalt  }
0x51: {  	_ =	shalt  }
0x52: {  	_ =	shalt  }
0x53: {  	_ =	shalt  }
0x54: {  	_ =	shalt  }
0x55: {  	_ =	shalt  }
0x56: {  	_ =	shalt  }
0x57: {  	_ =	shalt  }
0x58: {  	_ =	shalt  }
0x59: {  	_ =	shalt  }
0x5a: {  	_ =	shalt  }
0x5b: {  	_ =	shalt  }
0x5c: {  	_ =	shalt  }
0x5d: {  	_ =	shalt  }
0x5e: {  	_ =	shalt  }
0x5f: {  	_ =	shalt  }
0x60: {  	_ =	shalt  }
0x61: {  	_ =	shalt  }
0x62: {  	_ =	shalt  }
0x63: {  	_ =	shalt  }
0x64: {  	_ =	shalt  }
0x65: {  	_ =	shalt  }
0x66: {  	_ =	shalt  }
0x67: {  	_ =	shalt  }
0x68: {  	_ =	shalt  }
0x69: {  	_ =	shalt  }
0x6a: {  	_ =	shalt  }
0x6b: {  	_ =	shalt  }
0x6c: {  	_ =	shalt  }
0x6d: {  	_ =	shalt  }
0x6e: {  	_ =	shalt  }
0x6f: {  	_ =	shalt  }
0x70: {  	_ =	shalt  }
0x71: {  	_ =	shalt  }
0x72: {  	_ =	shalt  }
0x73: {  	_ =	shalt  }
0x74: {  	_ =	shalt  }
0x75: {  	_ =	shalt  }
0x76: {  	_ =	shalt  }
0x77: {  	_ =	shalt  }
0x78: {  	_ =	shalt  }
0x79: {  	_ =	shalt  }
0x7a: {  	_ =	shalt  }
0x7b: {  	_ =	shalt  }
0x7c: {  	_ =	shalt  }
0x7d: {  	_ =	shalt  }
0x7e: {  	_ =	shalt  }
0x7f: {  	_ =	shalt  }
0x80: {  	_ =	shalt  }
0x81: {  	_ =	shalt  }
0x82: {  	_ =	shalt  }
0x83: {  	_ =	shalt  }
0x84: {  	_ =	shalt  }
0x85: {  	_ =	shalt  }
0x86: {  	_ =	shalt  }
0x87: {  	_ =	shalt  }
.Lfunc_end0:
.L_simem_size_0:
called_computation_lowered:
.L_overlay_start_0:
0x88: {  	s2 =	sld [smem:$0x3FD9]  }
0x89: {  	s3 =	sld [smem:$0x3FFE];
	_ =	sdelay $0x1  }
0x8a: {  	s1 =	srdreg.scid  }
0x8b: {  	s0 =	sand.u32 $0x1, s1  }
0x8c: {  	s14 =	sshll.u32 s0, $0xA;
	s2 =	sadd.s32 s3, s2  }
0x8d: {  	s2 =	sadd.s32 s2, s14  }
0x8e: {  	[smem:$0x3FC5] =	sst s2  }
0x8f: {  	_ = 	snop  }
0x90: {  	s2 =	sld [smem:$0x3FD0];
	_ =	sdelay $0x1  }
0x91: {  	s15 =	sld [smem:$0x3FC8]  }
0x92: {  	s5 =	simm.s32 $0xA;
	s6 =	simm.s32 $0x10;
	s4 =	sld [smem:$0x3FC7]  }
0x93: {  	[smem:s6], [sflag:s5] =	dma.local [hbm:s2], $0x1  }
0x94: {  	_ =	swait.eq [sflag:s5], $0x1  }
0x95: {  	s16 =	sld [smem:$0x10];
	[sflag:s5] =	ssyncset.done $0x0  }
0x96: {  	s17 =	sld [smem:$0x11];
	[sflag:s5] =	ssyncadd.s32 $0xFFFFFFFF  }
0x97: {  	s18 =	sld [smem:$0x12];
	(tm) =	ssettm $0x1  }
0x98: {  	s7 =	sld [smem:$0x3FFB];
	_ =	sdelay $0x3  }
0x99: {  	_ =	strace s7  }
0x9a: {  	s7 =	sld [smem:$0x3FFC];
	_ =	sdelay $0x3  }
0x9b: {  	_ =	strace s7  }
0x9c: {  	s7 =	sld [smem:$0x3FFD];
	_ =	sdelay $0x3  }
0x9d: {  	_ =	strace s7  }
0x9e: {  	_ =	strace $0x8FFFFFFF  }
0x9f: {  	s19 =	sld [smem:$0x3FDB];
	_ =	sdelay $0x1  }
0xa0: {  	s8 =	simm.s32 $_scs_section_size  }
0xa1: {  	s9 =	simm.s32 $_size__tile_overlayer_lowered;
	s10 =	simm.s32 $_tile_overlayer_lowered  }
0xa2: {  	s22 =	simm.s32 $0x1BFF;
	s21 =	sshll.u32 s10, $0x1;
	s7 =	sadd.s32 s8, s19  }
0xa3: {  	s11 =	simm.s32 $0x0;
	s20 =	sshll.u32 s9, $0x1;
	s9 =	sadd.s32 s21, s7  }
0xa4: {  	[timem:s11], [sflag:s22] =	dma.local [hbm:s9], s20  }
0xa5: {  	_ =	swait.ge [sflag:s22], s20  }
0xa6: {  	s8 =	ssub.s32 $0x0, s20;
	[sflag:s22] =	ssyncset.done $0x0  }
0xa7: {  	[sflag:s22] =	ssyncadd.s32 s8;
	_ =	sdelay $0x1  }
0xa8: {  	s23 =	simm.s32 $0x1B8B  }
0xa9: {  	_ =	swait.ge [sflag:s23], $0x1  }
0xaa: {  	[sflag:s23] =	ssyncset.done $0x0  }
0xab: {  	s25 =	simm.s32 $0x1B8E;
	s24 =	sld [smem:$0x3FFE];
	[sflag:s23] =	ssyncadd.s32 $0xFFFFFFFF  }
0xac: {  	s26 =	simm.s32 $execute0_lowered;
	[smem:$0x3FD2] =	sst s25  }
0xad: {  	s9 =	sshll.u32 s26, $0x1;
	_ =	strace $0x80000046;
	[dreg:$0x1] =	wrdreg $0xFFFFFFFF  }
0xae: {  	s28 =	simm.s32 $_size_execute0_lowered;
	s7 =	sadd.s32 s7, s9;
	[dreg:$0x0] =	wrdreg $0x0  }
0xaf: {  	s9 =	sshll.u32 s28, $0x1;
	[dreg:$0x2] =	wrdreg s7  }
0xb0: {  	[dreg:$0x3] =	wrdreg s9  }
0xb1: {  	[dreg:$0x4] =	wrdreg $0xC0  }
0xb2: {  	_ =	task [dreg:s11], $0x5FFFF  }
0xb3: {  	[dreg:$0x1] =	wrdreg $0xFFFFFFFF  }
0xb4: {  	[dreg:$0x0] =	wrdreg $0x60  }
0xb5: {  	[dreg:$0x2] =	wrdreg s24  }
0xb6: {  	[dreg:$0x3] =	wrdreg s15  }
0xb7: {  	[dreg:$0x4] =	wrdreg s4  }
0xb8: {  	[dreg:$0x5] =	wrdreg s16  }
0xb9: {  	[dreg:$0x6] =	wrdreg s17  }
0xba: {  	[dreg:$0x7] =	wrdreg s18  }
0xbb: {  	[dreg:$0x8] =	wrdreg $0xD9200  }
0xbc: {  	[dreg:$0x9] =	wrdreg $0xD8800  }
0xbd: {  	[dreg:$0xa] =	wrdreg $0xD8D00  }
0xbe: {  	[dreg:$0xb] =	wrdreg $0x9  }
0xbf: {  	_ =	task.clear_ibuf [dreg:s11], $0xCFFFF;
	_ =	strace $0x90000046  }
0xc0: {  	s29 =	simm.s32 $0x9;
	_ =	strace $0x80000048  }
0xc1: {  	_ =	swait.ge [sflag:s29], $0x1  }
0xc2: {  	[sflag:s29] =	ssyncadd.s32 $0xFFFFFFFF  }
0xc3: {  	_ =	strace $0x90000048  }
0xc4: {  	_ =	sfence  }
0xc5: {  	s30 =	sld [smem:$0x0];
	_ =	sdelay $0x2  }
0xc6: {  	s31 =	sshll.u32 s1, $0xD;
	s1 =	sshrl.u32 s1, $0x2  }
0xc7: {  	s3 =	sand.u32 $0x4000, s31;
	s1 =	sadd.s32 s1, s30  }
0xc8: {  	s0 =	sor.u32 s3, s0;
	s1 =	sshll.u32 s1, $0x11  }
0xc9: {  	s0 =	sor.u32 s1, s0  }
0xca: {  	s0 =	sadd.s32 $0x8F2B, s0  }
0xcb: {  	[sflag:s0] =	ssyncadd.remote.s32 $0x1  }
0xcc: {  	_ =	sfence.sel $0xFFFF  }
0xcd: {  	[dreg:$0x0] =	wrdreg $0xFFFFFFFF;
	(pc) =	sbr.abs _section_cstart, $3  }
0xce: {  	[dreg:$0x1] =	wrdreg $0xFFFFFFFF  }
0xcf: {  	_ =	task.clear_ibuf [dreg:s11], $0x2FFFF;
	_ =	strace $0x9FFFFFFF  }
0xd0: {  	(tm) =	ssettm $0x7FFFFFFF  }
0xd1: {  	_ =	shalt  }
tec
execute0_lowered:
.L_overlay_start_1:
0x0: {  	(tag) =	ssettag $0x1  }
0x1: {  	s9 =	rddreg [dreg:$0x0]  }
0x2: {  	s8 =	rddreg [dreg:$0x1]  }
0x3: {  	s7 =	rddreg [dreg:$0x2];
	s0 =	srdreg.scid  }
0x4: {  	s4 =	rddreg [dreg:$0x3];
	s2 =	sand.u32 $0x1, s0  }
0x5: {  	s3 =	rddreg [dreg:$0x4];
	p0 =	seq.s32 s2, $0x1  }
.Ltmp0:
0x6: {  	s1 =	rddreg [dreg:$0x5];
	(pc) =	sbr.rel @p0 .LBB2_117-.Ltmp0, $4  }
0x7: {  	s10 =	rddreg [dreg:$0x6]  }
0x8: {  	s6 =	rddreg [dreg:$0x7]  }
0x9: {  	s5 =	rddreg [dreg:$0x8]  }
0xa: {  	s0 =	rddreg [dreg:$0x9];
	_ =	strace $0x80000047;
	s2 =	stileid.u32  }
0xb: {  	s9 =	sadd.s32 $0x800, s9;
	s11 =	simm.s32 $0x0  }
0xc: {  	[tilespmem:s11], [sflag:$0x1] =	stream.linear.gather [hbm4b:s9+s11], $0x4E80, $0x38;
	[tilespmem:$0xD930] =	vst v63  }
0xd: {  	s18 =	simm.s32 $0x4E80  }
0xe: {  	[tilespmem:s18], [sflag:$0x2] =	stream.linear.gather [hbm4b:s8+s11], $0x1388, $0x38;
	[tilespmem:$0xD930] =	vst v63  }
0xf: {  	s19 =	simm.s32 $0x6300;
	s20 =	simm.s32 $0x2  }
0x10: {  	[tilespmem:s19], [sflag:$0x3] =	stream.linear.gather [hbm4b:s7+s11], $0x1388, $0x38;
	[tilespmem:$0xD930] =	vst v63  }
0x11: {  	_ =	swait.ge [sflag:s20], $0x1388  }
0x12: {  	[sflag:s20] =	ssyncset.done $0x0  }
0x13: {  	s21 =	simm.s32 $0x3;
	[sflag:s20] =	ssyncadd.s32 $0xFFFFEC78  }
0x14: {  	_ =	swait.ge [sflag:s21], $0x1388  }
0x15: {  	[sflag:s21] =	ssyncset.done $0x0  }
0x16: {  	v0 =	vimm.f32 $-1.000000000e+00;
	[sflag:s21] =	ssyncadd.s32 $0xFFFFEC78  }
0x17: {  	v1 =	vimm.s32 $0xFFFFFFFF;
	[tilespmem:$0x6208] =	vst v0  }
0x18: {  	[tilespmem:$0x7688] =	vst v1  }
0x19: {  	[tilespmem:$0x6218] =	vst v0  }
0x1a: {  	[tilespmem:$0x7698] =	vst v1  }
0x1b: {  	[tilespmem:$0x6228] =	vst v0  }
0x1c: {  	[tilespmem:$0x76A8] =	vst v1  }
0x1d: {  	[tilespmem:$0x6238] =	vst v0  }
0x1e: {  	[tilespmem:$0x76B8] =	vst v1  }
0x1f: {  	[tilespmem:$0x6248] =	vst v0  }
0x20: {  	[tilespmem:$0x76C8] =	vst v1  }
0x21: {  	[tilespmem:$0x6258] =	vst v0  }
0x22: {  	[tilespmem:$0x76D8] =	vst v1  }
0x23: {  	[tilespmem:$0x6268] =	vst v0  }
0x24: {  	[tilespmem:$0x76E8] =	vst v1  }
0x25: {  	[tilespmem:$0x6278] =	vst v0  }
0x26: {  	[tilespmem:$0x76F8] =	vst v1  }
0x27: {  	[tilespmem:$0x6280] =	vst v0  }
0x28: {  	s22 =	simm.s32 $0x6310;
	[tilespmem:$0x7700] =	vst v1  }
0x29: {  	s23 =	simm.s32 $0x4E90;
	v0 =	vld [tilespmem:s22+$0xFFFFFFF0]  }
0x2a: {  	s24 =	smul.u32 $0x5, s2;
	v1 =	vld [tilespmem:s23+$0xFFFFFFF0];
	_ =	sdelay $0x1  }
0x2b: {  	s12 =	sadd.s32 $0x5, s24  }
0x2c: {  	v4 =	vmov s24;
	v6 =	vmov s12  }
0x2d: {  	vm0 =	vge.s32 v0, v4;
	vm1 =	vlt.s32 v0, v6  }
0x2e: {  	v5 =	vlaneseq.u32;
	s25 =	simm.s32 $0x0;
	vm0 =	vmand vm0, vm1;
	vm1 =	vge.f32 v1, $2.000000030e-01  }
0x2f: {  	v1 =	vor.u32 s25, v5;
	vm0 =	vmand vm0, vm1  }
0x30: {  	[tilespmem:s11+$0x7780] =	vst.msk vm0, v1;
	v1 =	vmpcnt.ones.xlane vm0  }
0x31: {  	[tilespmem:s11+$0x8C00] =	vst.msk vm0, v0  }
0x32: {  	v0 =	vld [tilespmem:s22+$0x0];
	(v2sf) =	vpush v1, $0x0  }
0x33: {  	v1 =	vld [tilespmem:s23+$0x0];
	_ =	sdelay $0x3  }
0x34: {  	vm0 =	vge.s32 v0, v4;
	vm1 =	vlt.s32 v0, v6  }
0x35: {  	vm0 =	vmand vm0, vm1;
	vm1 =	vge.f32 v1, $2.000000030e-01  }
0x36: {  	vm0 =	vmand vm0, vm1  }
0x37: {  	v1 =	vmpcnt.ones.xlane vm0;
	_ =	sdelay $0x1  }
0x38: {  	(v2sf) =	vpush v1, $0x0;
	_ =	sdelay $0x4  }
0x39: {  	s26 =	simm.s32 $0x10;
	s28 =	spop (v2sf)  }
0x3a: {  	v1 =	vor.u32 s26, v5;
	s20 =	sadd.s32 $0x0, s28  }
0x3b: {  	[tilespmem:s20+$0x7780] =	vst.msk vm0, v1  }
0x3c: {  	s16 =	simm.s32 $0x6330;
	[tilespmem:s20+$0x8C00] =	vst.msk vm0, v0  }
0x3d: {  	s17 =	simm.s32 $0x4EB0;
	v7 =	vld [tilespmem:s16+$0xFFFFFFF0]  }
0x3e: {  	s31 =	sshll.u32 s2, $0x4;
	s15 =	scvt.s32.f32 s24;
	s29 =	sadd.s32 $0x1, s24;
	v8 =	vld [tilespmem:s17+$0xFFFFFFF0]  }
0x3f: {  	s30 =	sadd.s32 $0x2, s24;
	s14 =	scvt.s32.f32 s29;
	s21 =	smul.u32 $0x50, s2  }
0x40: {  	s13 =	scvt.s32.f32 s30;
	s18 =	sadd.s32 $0x3, s24;
	s19 =	sadd.s32 $0x4, s24  }
0x41: {  	v3 =	vmov s29;
	v2 =	vmov s30;
	s12 =	scvt.s32.f32 s18;
	s9 =	scvt.s32.f32 s19;
	s8 =	sadd.s32 s21, s6  }
0x42: {  	s7 =	sadd.s32 s21, s5;
	s21 =	simm.s32 $0x20;
	s11 =	sadd.s32 s31, s10;
	v1 =	vmov s18;
	vm0 =	vge.s32 v7, v4;
	vm1 =	vlt.s32 v7, v6  }
0x43: {  	s18 =	simm.s32 $0x30;
	v0 =	vmov s19;
	s19 =	simm.s32 $0x50;
	vm0 =	vmand vm0, vm1;
	vm1 =	vge.f32 v8, $2.000000030e-01;
	s22 =	spop (v2sf)  }
.LBB2_2:
0x44: {  	p0 =	sne.s32 s19, $0x13F0  }
0x45: {  	vm0 =	vmand vm0, vm1;
	v8 =	vor.u32 s21, v5;
	s20 =	sadd.s32 s20, s22;
	s21 =	smov.u32 s19;
	s19 =	sadd.s32 $0x20, s19  }
0x46: {  	[tilespmem:s20+$0x7780] =	vst.msk vm0, v8;
	v8 =	vmpcnt.ones.xlane vm0  }
0x47: {  	[tilespmem:s20+$0x8C00] =	vst.msk vm0, v7  }
0x48: {  	v7 =	vld [tilespmem:s16+$0x0];
	(v2sf) =	vpush v8, $0x0  }
0x49: {  	v8 =	vld [tilespmem:s17+$0x0];
	_ =	sdelay $0x3  }
0x4a: {  	vm0 =	vge.s32 v7, v4;
	vm1 =	vlt.s32 v7, v6  }
0x4b: {  	vm0 =	vmand vm0, vm1;
	vm1 =	vge.f32 v8, $2.000000030e-01  }
0x4c: {  	vm0 =	vmand vm0, vm1  }
0x4d: {  	v8 =	vmpcnt.ones.xlane vm0;
	_ =	sdelay $0x1  }
0x4e: {  	(v2sf) =	vpush v8, $0x0;
	_ =	sdelay $0x4  }
0x4f: {  	s22 =	spop (v2sf)  }
0x50: {  	v8 =	vor.u32 s18, v5;
	s18 =	smov.u32 s21;
	s20 =	sadd.s32 s20, s22  }
0x51: {  	[tilespmem:s20+$0x7780] =	vst.msk vm0, v8  }
0x52: {  	s16 =	sadd.s32 $0x20, s16;
	[tilespmem:s20+$0x8C00] =	vst.msk vm0, v7  }
0x53: {  	s17 =	sadd.s32 $0x20, s17;
	v7 =	vld [tilespmem:s16+$0xFFFFFFF0]  }
0x54: {  	v8 =	vld [tilespmem:s17+$0xFFFFFFF0]  }
.Ltmp1:
0x55: {  	(pc) =	sbr.rel @p0 .LBB2_2-.Ltmp1, $3  }
0x56: {  	_ =	sdelay $0x1  }
0x57: {  	vm0 =	vge.s32 v7, v4;
	vm1 =	vlt.s32 v7, v6  }
0x58: {  	s21 =	sadd.s32 $0xFFFFFFF0, s18;
	vm0 =	vmand vm0, vm1;
	vm1 =	vge.f32 v8, $2.000000030e-01;
	s22 =	spop (v2sf)  }
0x59: {  	vm0 =	vmand vm0, vm1;
	v8 =	vor.u32 s21, v5;
	s19 =	sadd.s32 s20, s22  }
0x5a: {  	[tilespmem:s19+$0x7780] =	vst.msk vm0, v8  }
0x5b: {  	[tilespmem:s19+$0x8C00] =	vst.msk vm0, v7  }
0x5c: {  	v7 =	vld [tilespmem:s16+$0x0]  }
0x5d: {  	v8 =	vld [tilespmem:s17+$0x0];
	_ =	sdelay $0x3  }
0x5e: {  	vm14 =	vge.s32 v7, v4;
	vm2 =	vlt.s32 v7, v6  }
0x5f: {  	v6 =	vmpcnt.ones.xlane vm0;
	vm15 =	vge.f32 v8, $2.000000030e-01;
	vm1 =	vmand vm14, vm2  }
0x60: {  	vm0 =	vmand vm1, vm15  }
0x61: {  	(v2sf) =	vpush v6, $0x0;
	v6 =	vmpcnt.ones.xlane vm0;
	_ =	sdelay $0x1  }
0x62: {  	(v2sf) =	vpush v6, $0x0;
	_ =	sdelay $0xc  }
0x63: {  	s28 =	smul.u32 $0x1380, s2;
	s26 =	spop (v2sf)  }
0x64: {  	v5 =	vor.u32 s18, v5;
	s16 =	sadd.s32 s19, s26  }
0x65: {  	s17 =	sshrl.u32 s28, $0x2;
	[tilespmem:s16+$0x7780] =	vst.msk vm0, v5;
	s29 =	spop (v2sf)  }
0x66: {  	v6 =	vimm.s32 $0xFFFFFFFF;
	v5 =	vmov s17;
	[tilespmem:s16+$0x8C00] =	vst.msk vm0, v7;
	s16 =	sadd.s32 s16, s29  }
0x67: {  	s30 =	simm.s32 $0x1;
	[tilespmem:s16+$0x8C00] =	vst v6  }
0x68: {  	_ =	swait.ge [sflag:s30], $0x4E80  }
0x69: {  	[sflag:s30] =	ssyncset.done $0x0  }
0x6a: {  	s31 =	simm.s32 $0x0;
	[sflag:s30] =	ssyncadd.s32 $0xFFFFB180  }
0x6b: {  	s17 =	simm.s32 $0x40;
	v6 =	vimm.f32 $-3.000000010e+38;
	v7 =	vld.idx.msk [tilespmem:v5+s31+$0x0 ss:$0x1], $0xffff  }
.LBB2_4:
0x6c: {  	p0 =	sne.s32 s17, $0x1340  }
.Ltmp2:
0x6d: {  	_ = 	snop;
	(pc) =	sbr.rel @p0 .LBB2_4-.Ltmp2, $3  }
0x6e: {  	_ =	sdelay $0x1  }
0x6f: {  	s18 =	sshra.s32 s17, $0x2;
	s17 =	sadd.s32 $0x40, s17  }
0x70: {  	v6 =	vmax.f32 v6, v7;
	v7 =	vld.idx.msk [tilespmem:v5+s18+$0x0 ss:$0x1], $0xffff  }
0x71: {  	p0 =	sne.s32 s2, $0x0  }
0x72: {  	v5 =	vld @!p0 [tilespmem:$0x4E00]  }
0x73: {  	v8 =	vld @!p0 [tilespmem:$0x4E10];
	_ =	sdelay $0x4  }
0x74: {  	v6 =	vmax.f32 v6, v7;
	v5 =	vmax.f32 @!p0 v5, v8  }
0x75: {  	v5 =	vmax.f32 @!p0 v6, v5  }
0x76: {  	v5 =	vpsel p0, v6, v5  }
0x77: {  	s17 =	simm.s32 $0xC980;
	s29 =	simm.s32 $0x4;
	[tilespmem:$0xC980] =	vst v5  }
0x78: {  	[spmem:s11] =	stream.linear.scatter [tilespmem:s17], [sflag:$0x4], $0x10, $0x38;
	[tilespmem:$0xD930] =	vst v63  }
0x79: {  	_ =	swait.ge [sflag:s29], $0x10  }
0x7a: {  	[sflag:s29] =	ssyncset.done $0x0  }
0x7b: {  	[sflag:s29] =	ssyncadd.s32 $0xFFFFFFF0  }
0x7c: {  	s30 =	simm.s32 $0xD780;
	[bflag:$0x0] =	sbarrier.arrive $0xFFFF  }
0x7d: {  	[tilespmem:s30], [sflag:$0x4] =	stream.linear.gather [spmem:s10], $0x100, $0x38;
	[tilespmem:$0xD930] =	vst v63  }
0x7e: {  	_ =	swait.ge [sflag:s29], $0x100  }
0x7f: {  	[sflag:s29] =	ssyncset.done $0x0  }
0x80: {  	[sflag:s29] =	ssyncadd.s32 $0xFFFFFF00  }
0x81: {  	v5 =	vld [tilespmem:$0xD780]  }
0x82: {  	v6 =	vld [tilespmem:$0xD790]  }
0x83: {  	v7 =	vld [tilespmem:$0xD7A0]  }
0x84: {  	v57 =	vld [tilespmem:$0xD7B0]  }
0x85: {  	v9 =	vld [tilespmem:$0xD7C0]  }
0x86: {  	v10 =	vld [tilespmem:$0xD7D0];
	v5 =	vmax.f32 v5, $-3.000000010e+38  }
0x87: {  	v5 =	vmax.f32 v5, v6;
	v6 =	vld [tilespmem:$0xD7E0]  }
0x88: {  	v5 =	vmax.f32 v5, v7;
	v7 =	vld [tilespmem:$0xD7F0]  }
0x89: {  	v58 =	vld [tilespmem:$0xD800];
	v5 =	vmax.f32 v5, v57  }
0x8a: {  	v59 =	vld [tilespmem:$0xD810];
	v5 =	vmax.f32 v5, v9  }
0x8b: {  	v60 =	vld [tilespmem:$0xD820];
	v5 =	vmax.f32 v5, v10  }
0x8c: {  	v5 =	vmax.f32 v5, v6;
	v6 =	vld [tilespmem:$0xD830]  }
0x8d: {  	v5 =	vmax.f32 v5, v7;
	v7 =	vld [tilespmem:$0xD840]  }
0x8e: {  	v61 =	vld [tilespmem:$0xD850];
	v5 =	vmax.f32 v5, v58  }
0x8f: {  	v62 =	vld [tilespmem:$0xD860];
	v5 =	vmax.f32 v5, v59  }
0x90: {  	v63 =	vld [tilespmem:$0xD870];
	v5 =	vmax.f32 v5, v60  }
0x91: {  	v5 =	vmax.f32 v5, v6  }
0x92: {  	v5 =	vmax.f32 v5, v7  }
0x93: {  	v5 =	vmax.f32 v5, v61  }
0x94: {  	v5 =	vmax.f32 v5, v62  }
0x95: {  	v5 =	vmax.f32 v5, v63  }
0x96: {  	(xrf0) =	vmax.scan.msk.f32 $0xffff, v5;
	_ =	sdelay $0x5  }
0x97: {  	v5, _, _ =	vpop (xrf0)  }
0x98: {  	(v2sf) =	vpush v5, $0xF;
	_ =	sdelay $0x7  }
0x99: {  	s31 =	sadd.s32 $0xF, s16  }
0x9a: {  	s10 =	sshra.s32 s31, $0x4  }
0x9b: {  	p1 =	sgt.s32 s10, $0x0  }
.Ltmp3:
0x9c: {  	_ = 	snop;
	(pc) =	sbr.rel @!p1 .LBB2_118-.Ltmp3, $2  }
0x9d: {  	_ =	sdelay $0x2  }
0x9e: {  	s11 =	spop (v2sf)  }
0x9f: {  	p1 =	sne.s32 s10, $0x1  }
.Ltmp4:
0xa0: {  	_ = 	snop;
	(pc) =	sbr.rel @!p1 .LBB2_7-.Ltmp4, $4  }
0xa1: {  	_ = 	snop  }
0xa2: {  	s11 =	sadd.f32 $1.000000000e+00, s11  }
0xa3: {  	s17 =	simm.s32 $0x0;
	s18 =	simm.s32 $0x8C00;
	s10 =	sadd.s32 $0xFFFFFFFF, s10  }
0xa4: {  	p2 =	por $0x0, $0x0;
	v5 =	vld [tilespmem:s18+$0x0];
	s16 =	smul.f32 s15, s11;
	s15 =	simm.s32 $0x7780  }
0xa5: {  	_ =	sdelay $0x3  }
0xa6: {  	vm0 =	veq.s32 v5, v4  }
0xa7: {  	v5 =	vmpcnt.ones.xlane vm0;
	_ =	sdelay $0x1  }
0xa8: {  	(v2sf) =	vpush v5, $0x0;
	_ =	sdelay $0x1  }
0xa9: {  	v6 =	vld [tilespmem:s15+$0x0]  }
0xaa: {  	p3 =	sne.s32 s10, $0x1  }
.Ltmp5:
0xab: {  	_ = 	snop;
	(pc) =	sbr.rel @!p3 .LBB2_9-.Ltmp5, $3  }
0xac: {  	_ =	sdelay $0x1  }
0xad: {  	s20 =	simm.s32 $0x8C10;
	s21 =	sadd.s32 $0xFFFFFFFF, s10;
	[tilespmem:s17+$0xA080] =	vst.msk vm0, v6  }
0xae: {  	p2 =	por $0x1, $0x1;
	s18 =	simm.s32 $0x7780;
	s19 =	simm.s32 $0x0;
	v5 =	vld [tilespmem:s20+$0x0]  }
.LBB2_10:
0xaf: {  	p3 =	sne.s32 s21, $0x1;
	_ =	sdelay $0x1  }
0xb0: {  	s18 =	sadd.s32 $0x10, s18  }
0xb1: {  	v6 =	vld [tilespmem:s18+$0x0]  }
0xb2: {  	vm0 =	veq.s32 v5, v4  }
0xb3: {  	v5 =	vmpcnt.ones.xlane vm0  }
0xb4: {  	s22 =	spop (v2sf)  }
0xb5: {  	(v2sf) =	vpush v5, $0x0;
	s19 =	sadd.s32 s19, s22  }
0xb6: {  	[tilespmem:s19+$0xA080] =	vst.msk vm0, v6;
	_ =	sdelay $0x2  }
.Ltmp6:
0xb7: {  	(pc) =	sbr.rel @p3 .LBB2_10-.Ltmp6, $3  }
0xb8: {  	_ =	sdelay $0x1  }
0xb9: {  	s20 =	sadd.s32 $0x10, s20  }
0xba: {  	s21 =	sadd.s32 $0xFFFFFFFF, s21;
	v5 =	vld [tilespmem:s20+$0x0]  }
.LBB2_11:
0xbb: {  	_ =	sdelay $0x3  }
0xbc: {  	vm0 =	veq.s32 v5, v4  }
0xbd: {  	v4 =	vmpcnt.ones.xlane vm0;
	_ =	sdelay $0x1  }
0xbe: {  	(v2sf) =	vpush v4, $0x0;
	_ =	sdelay $0xb  }
0xbf: {  	s18 =	sadd.s32 @p2 $0x10, s18  }
0xc0: {  	s15 =	smov.u32 @p2 s18;
	s18 =	spop @p2 (v2sf)  }
0xc1: {  	v4 =	vld [tilespmem:s15+$0x0];
	s15 =	sadd.s32 @p2 s19, s18  }
0xc2: {  	s17 =	smov.u32 @p2 s15;
	s30 =	spop (v2sf)  }
0xc3: {  	s15 =	sadd.s32 s17, s30  }
0xc4: {  	s31 =	sadd.s32 $0xF, s15  }
0xc5: {  	s19 =	sshra.s32 s31, $0x4  }
0xc6: {  	p2 =	slt.s32 s19, $0x1  }
.Ltmp7:
0xc7: {  	_ = 	snop;
	(pc) =	sbr.rel @p2 .LBB2_18-.Ltmp7, $3  }
0xc8: {  	_ =	sdelay $0x1  }
0xc9: {  	[tilespmem:s17+$0xA080] =	vst.msk vm0, v4;
	v4 =	vimm.s32 $0x0  }
0xca: {  	[tilespmem:s15+$0xA080] =	vst v4  }
0xcb: {  	p3 =	sne.s32 s19, $0x1  }
.Ltmp8:
0xcc: {  	_ = 	snop;
	(pc) =	sbr.rel @!p3 .LBB2_13-.Ltmp8, $3  }
0xcd: {  	_ =	sdelay $0x1  }
0xce: {  	s20 =	simm.s32 $0xA080;
	s17 =	simm.s32 $0xB500  }
0xcf: {  	s18 =	simm.s32 $0x4E80;
	s19 =	sadd.s32 $0xFFFFFFFF, s19;
	p2 =	por $0x0, $0x0;
	v4 =	vld [tilespmem:s20+$0x0]  }
0xd0: {  	_ =	sdelay $0x7  }
0xd1: {  	v4 =	vld.idx.msk [tilespmem:v4+s18+$0x0], $0xffff  }
0xd2: {  	p3 =	sne.s32 s19, $0x1  }
.Ltmp9:
0xd3: {  	_ = 	snop;
	(pc) =	sbr.rel @!p3 .LBB2_15-.Ltmp9, $3  }
0xd4: {  	_ =	sdelay $0x1  }
0xd5: {  	s20 =	simm.s32 $0xA090;
	[tilespmem:s17+$0x0] =	vst v4  }
0xd6: {  	s21 =	sadd.s32 $0xFFFFFFFF, s19;
	p2 =	por $0x1, $0x1;
	s19 =	simm.s32 $0xB500;
	v4 =	vld [tilespmem:s20+$0x0]  }
.LBB2_16:
0xd7: {  	p3 =	sne.s32 s21, $0x1;
	_ =	sdelay $0x6  }
0xd8: {  	v4 =	vld.idx.msk [tilespmem:v4+s18+$0x0], $0xffff;
	_ =	sdelay $0x2  }
.Ltmp10:
0xd9: {  	(pc) =	sbr.rel @p3 .LBB2_16-.Ltmp10, $4  }
0xda: {  	_ = 	snop  }
0xdb: {  	s19 =	sadd.s32 $0x10, s19  }
0xdc: {  	s20 =	sadd.s32 $0x10, s20;
	[tilespmem:s19+$0x0] =	vst v4  }
0xdd: {  	s21 =	sadd.s32 $0xFFFFFFFF, s21;
	v4 =	vld [tilespmem:s20+$0x0]  }
.LBB2_17:
0xde: {  	_ =	sdelay $0x7  }
0xdf: {  	v4 =	vld.idx.msk [tilespmem:v4+s18+$0x0], $0xffff;
	_ =	sdelay $0x2  }
0xe0: {  	s18 =	sadd.s32 @p2 $0x10, s19  }
0xe1: {  	s17 =	smov.u32 @p2 s18  }
0xe2: {  	[tilespmem:s17+$0x0] =	vst v4  }
.LBB2_18:
0xe3: {  	p2 =	slt.s32 s15, $0x1  }
.Ltmp11:
0xe4: {  	_ = 	snop;
	(pc) =	sbr.rel @p2 .LBB2_19-.Ltmp11, $4  }
0xe5: {  	_ = 	snop  }
0xe6: {  	v4 =	vimm.f32 $-3.000000010e+38  }
0xe7: {  	[tilespmem:s15+$0xB500] =	vst v4  }
0xe8: {  	[tilespmem:s15+$0xB510] =	vst v4  }
.Ltmp12:
0xe9: {  	(pc) =	sbr.rel .LBB2_21-.Ltmp12, $4  }
0xea: {  	v4 =	vmov s16;
	v6 =	vimm.f32 $3.000000000e+09  }
0xeb: {  	s17 =	sadd.s32 $0x1F, s15;
	v5 =	vimm.s32 $0x40000000;
	v7 =	vimm.f32 $-3.000000010e+38;
	v8 =	vlaneseq.u32;
	s18 =	simm.s32 $0xB500  }
0xec: {  	vm0 =	vmxor vm0, vm0;
	v10 =	vimm.f32 $-3.000000010e+38;
	s19 =	simm.s32 $0xA080;
	v11 =	vimm.f32 $3.000000000e+09;
	s20 =	simm.s32 $0x0;
	s16 =	sshra.s32 s17, $0x5  }
0xed: {  	v12 =	vimm.f32 $3.000000000e+09;
	v13 =	vimm.f32 $3.000000000e+09;
	s21 =	simm.s32 $0x0;
	s17 =	simm.s32 $0x0;
	v9 =	vor.u32 $0x80000000, v8;
	p2 =	slt.s32 s16, $0x1  }
.LBB2_24:
0xee: {  	v15 =	vsel vm1, v15, v17  }
0xef: {  	v16 =	vsel vm1, s25, v16;
	vm1 =	vgt.f32 v14, v15  }
0xf0: {  	v16 =	vsel vm1, s23, v16  }
0xf1: {  	v16 =	vshll.u32 v16, $0x4  }
0xf2: {  	v14 =	vsel vm1, v14, v15;
	v15 =	vxor.u32 v9, v16  }
.LBB2_25:
0xf3: {  	(xrf0) =	vmax.scan.msk.f32 $0xffff, v14;
	_ =	sdelay $0x5  }
0xf4: {  	v16, _, _ =	vpop (xrf0)  }
0xf5: {  	v16 =	vbroadcast v16, $0xF;
	_ =	sdelay $0x1  }
0xf6: {  	vm1 =	veq.f32 v14, v16  }
0xf7: {  	v14 =	vnsel vm1, $0xC0000000, v15  }
0xf8: {  	(xrf0) =	vmin.scan.msk.u32 $0xffff, v14;
	_ =	sdelay $0x5  }
0xf9: {  	v14, _, _ =	vpop (xrf0)  }
0xfa: {  	(v2sf) =	vpush v14, $0xF;
	_ =	sdelay $0xe  }
0xfb: {  	s22 =	spop (v2sf)  }
0xfc: {  	s22 =	sxor.u32 $0x80000000, s22  }
0xfd: {  	v14 =	vmov s22;
	_ =	sdelay $0x4  }
0xfe: {  	[tilespmem:v14+s18+$0x0] =	vst.idx.msk $0x1, v7  }
0xff: {  	v14 =	vld.idx.msk [tilespmem:v14+s19+$0x0], $0xffff;
	_ =	sdelay $0x4  }
0x100: {  	v15 =	vshll.u32 v14, $0x2  }
0x101: {  	v17 =	vor.u32 $0x2, v15  }
0x102: {  	v18 =	vor.u32 $0x3, v15  }
0x103: {  	v19 =	vor.u32 $0x1, v15;
	_ =	sdelay $0x1  }
0x104: {  	v15 =	vld.idx.msk [tilespmem:v15+s17+$0x0], $0xffff  }
0x105: {  	v17 =	vld.idx.msk [tilespmem:v17+s17+$0x0], $0xffff  }
0x106: {  	v18 =	vld.idx.msk [tilespmem:v18+s17+$0x0], $0xffff  }
0x107: {  	v19 =	vld.idx.msk [tilespmem:v19+s17+$0x0], $0xffff;
	_ =	sdelay $0x2  }
0x108: {  	v23 =	vsub.f32 v11, v13;
	v15 =	vadd.f32 v15, v4  }
0x109: {  	v17 =	vadd.f32 v17, v4;
	v18 =	vadd.f32 v18, v4  }
0x10a: {  	v24 =	vsub.f32 v6, v12;
	v19 =	vadd.f32 v19, v4  }
0x10b: {  	v21 =	vmax.f32 v13, v15;
	v20 =	vmin.f32 v11, v17;
	v22 =	vmin.f32 v6, v18  }
0x10c: {  	v25 =	vmax.f32 v12, v19;
	v26 =	vsub.f32 v17, v15;
	v27 =	vsub.f32 v18, v19  }
0x10d: {  	v20 =	vsub.f32 v20, v21;
	v59 =	vsub.f32 v22, v25  }
0x10e: {  	v60 =	vmul.f32 v24, v23;
	v61 =	vmul.f32 v27, v26  }
0x10f: {  	v20 =	vmax.f32 v20, $0.0e+00;
	v21 =	vmax.f32 v59, $0.0e+00  }
0x110: {  	v20 =	vmul.f32 v21, v20;
	v62 =	vadd.f32 v61, v60;
	_ =	sdelay $0x1  }
0x111: {  	v21 =	vsub.f32 v62, v20;
	_ =	sdelay $0x1  }
0x112: {  	v21 =	vmax.f32 v21, $9.999999710e-10  }
0x113: {  	(erf) = vrcp.f32 v21;
	_ =	sdelay $0x8  }
0x114: {  	v21 =	vpop (erf)  }
0x115: {  	v20 =	vmul.f32 v21, v20;
	_ =	sdelay $0x1  }
0x116: {  	vm1 =	vgt.f32 v20, $5.000000000e-01  }
0x117: {  	v20 =	vmpcnt.ones.xlane vm1;
	_ =	sdelay $0x1  }
0x118: {  	(v2sf) =	vpush v20, $0x0;
	_ =	sdelay $0xe  }
0x119: {  	s31 =	spop (v2sf)  }
0x11a: {  	s22 =	simm.s32 $0x1;
	p3 =	slt.s32 s31, $0x1  }
0x11b: {  	s21 =	sadd.s32 $0x1, s21;
	vm1 =	vmmov vm0;
	s22 =	simm.s32 @!p3 $0x0  }
0x11c: {  	v63 =	vmov s20;
	vm1 =	vmneg @p3 vm1;
	p3 =	sge.s32 s21, s15;
	s20 =	sadd.s32 s22, s20  }
0x11d: {  	p4 =	slt.u32 @!p3 s20, $0xF  }
0x11e: {  	p4 =	por p3, !p4  }
.Ltmp13:
0x11f: {  	_ = 	snop;
	(pc) =	sbr.rel @p4 .LBB2_26-.Ltmp13, $4  }
0x120: {  	vm2 =	veq.s32 v63, v8  }
0x121: {  	vm1 =	vmand vm2, vm1  }
0x122: {  	v13 =	vsel vm1, v15, v13;
	v12 =	vsel vm1, v19, v12;
	v11 =	vsel vm1, v17, v11  }
0x123: {  	v6 =	vsel vm1, v18, v6;
	v5 =	vsel vm1, v14, v5;
	v10 =	vsel vm1, v16, v10  }
.LBB2_21:
.Ltmp14:
0x124: {  	(pc) =	sbr.rel @p2 .LBB2_25-.Ltmp14, $2  }
0x125: {  	_ =	sdelay $0x2  }
0x126: {  	v14 =	vimm.f32 $-3.000000010e+38;
	v15 =	vmov v9  }
0x127: {  	s23 =	simm.s32 $0xB510  }
0x128: {  	p3 =	sne.s32 s16, $0x1;
	v15 =	vld [tilespmem:s23+$0xFFFFFFF0]  }
.Ltmp15:
0x129: {  	_ = 	snop;
	(pc) =	sbr.rel @!p3 .LBB2_24-.Ltmp15, $3  }
0x12a: {  	v14 =	vld [tilespmem:s23+$0x0];
	_ =	sdelay $0x1  }
0x12b: {  	s22 =	sadd.s32 $0xFFFFFFFF, s16  }
0x12c: {  	v16 =	vimm.s32 $0x0;
	s25 =	simm.s32 $0x0;
	s24 =	simm.s32 $0xB530;
	v17 =	vimm.f32 $-3.000000010e+38;
	s23 =	simm.s32 $0x1;
	vm1 =	vgt.f32 v15, v7  }
.LBB2_23:
0x12d: {  	p3 =	sne.s32 s22, $0x1;
	s22 =	sadd.s32 $0xFFFFFFFF, s22;
	v17 =	vsel vm1, v15, v17;
	v15 =	vld [tilespmem:s24+$0xFFFFFFF0];
	v16 =	vsel vm1, s25, v16  }
.Ltmp16:
0x12e: {  	vm1 =	vgt.f32 v14, v17;
	(pc) =	sbr.rel @p3 .LBB2_23-.Ltmp16, $3  }
0x12f: {  	v17 =	vsel vm1, v14, v17;
	v14 =	vld [tilespmem:s24+$0x0];
	v16 =	vsel vm1, s23, v16;
	_ =	sdelay $0x1  }
0x130: {  	s23 =	sadd.s32 $0x2, s23  }
0x131: {  	s24 =	sadd.s32 $0x20, s24;
	s25 =	sadd.s32 $0xFFFFFFFF, s23;
	vm1 =	vgt.f32 v15, v17  }
.Ltmp17:
0x132: {  	_ = 	snop;
	(pc) =	sbr.rel .LBB2_24-.Ltmp17, $1  }
0x133: {  	_ =	sdelay $0x3  }
.LBB2_26:
.Ltmp18:
0x134: {  	(pc) =	sbr.rel .LBB2_27-.Ltmp18, $2  }
0x135: {  	_ =	sdelay $0x2  }
0x136: {  	v4 =	vpsel p3, v10, v10;
	v5 =	vpsel p3, v5, v5  }
.LBB2_118:
0x137: {  	v0 =	vimm.f32 $-3.000000010e+38  }
0x138: {  	v1 =	vimm.s32 $0x40000000;
	[tilespmem:$0xC980] =	vst v0  }
0x139: {  	v2 =	vimm.s32 $0x0;
	[tilespmem:$0xCA00] =	vst v1  }
0x13a: {  	[tilespmem:$0xA080] =	vst v2  }
0x13b: {  	[tilespmem:$0xB500] =	vst v0  }
0x13c: {  	[tilespmem:$0xB510] =	vst v0  }
0x13d: {  	[tilespmem:$0xC990] =	vst v0  }
0x13e: {  	[tilespmem:$0xCA10] =	vst v1  }
0x13f: {  	[tilespmem:$0xC9A0] =	vst v0  }
0x140: {  	[tilespmem:$0xCA20] =	vst v1  }
.Ltmp19:
0x141: {  	[tilespmem:$0xC9B0] =	vst v0;
	(pc) =	sbr.rel .LBB2_111-.Ltmp19, $4  }
0x142: {  	[tilespmem:$0xCA30] =	vst v1  }
0x143: {  	[tilespmem:$0xA080] =	vst v2  }
0x144: {  	[tilespmem:$0xB500] =	vst v0  }
0x145: {  	[tilespmem:$0xB510] =	vst v0  }
.LBB2_19:
0x146: {  	v5 =	vimm.s32 $0x40000000  }
.LBB2_27:
.Ltmp20:
0x147: {  	(pc) =	sbr.rel @!p1 .LBB2_28-.Ltmp20, $4  }
0x148: {  	_ = 	snop  }
0x149: {  	[tilespmem:$0xC980] =	vst v4  }
0x14a: {  	[tilespmem:$0xCA00] =	vst v5;
	s15 =	smul.f32 s14, s11;
	s17 =	simm.s32 $0x8C00  }
0x14b: {  	s16 =	simm.s32 $0x0;
	s14 =	simm.s32 $0x7780;
	p2 =	por $0x0, $0x0;
	v4 =	vld [tilespmem:s17+$0x0]  }
0x14c: {  	_ =	sdelay $0x3  }
0x14d: {  	vm0 =	veq.s32 v4, v3  }
0x14e: {  	v4 =	vmpcnt.ones.xlane vm0;
	_ =	sdelay $0x1  }
0x14f: {  	(v2sf) =	vpush v4, $0x0;
	_ =	sdelay $0x1  }
0x150: {  	v5 =	vld [tilespmem:s14+$0x0]  }
0x151: {  	p3 =	sne.s32 s10, $0x1  }
.Ltmp21:
0x152: {  	_ = 	snop;
	(pc) =	sbr.rel @!p3 .LBB2_30-.Ltmp21, $3  }
0x153: {  	_ =	sdelay $0x1  }
0x154: {  	s19 =	simm.s32 $0x8C10;
	s20 =	sadd.s32 $0xFFFFFFFF, s10;
	[tilespmem:s16+$0xA080] =	vst.msk vm0, v5  }
0x155: {  	p2 =	por $0x1, $0x1;
	s17 =	simm.s32 $0x7780;
	s18 =	simm.s32 $0x0;
	v4 =	vld [tilespmem:s19+$0x0]  }
.LBB2_31:
0x156: {  	p3 =	sne.s32 s20, $0x1;
	_ =	sdelay $0x1  }
0x157: {  	s17 =	sadd.s32 $0x10, s17  }
0x158: {  	v5 =	vld [tilespmem:s17+$0x0]  }
0x159: {  	vm0 =	veq.s32 v4, v3  }
0x15a: {  	v4 =	vmpcnt.ones.xlane vm0  }
0x15b: {  	s21 =	spop (v2sf)  }
0x15c: {  	(v2sf) =	vpush v4, $0x0;
	s18 =	sadd.s32 s18, s21  }
0x15d: {  	[tilespmem:s18+$0xA080] =	vst.msk vm0, v5;
	_ =	sdelay $0x2  }
.Ltmp22:
0x15e: {  	(pc) =	sbr.rel @p3 .LBB2_31-.Ltmp22, $3  }
0x15f: {  	_ =	sdelay $0x1  }
0x160: {  	s19 =	sadd.s32 $0x10, s19  }
0x161: {  	s20 =	sadd.s32 $0xFFFFFFFF, s20;
	v4 =	vld [tilespmem:s19+$0x0]  }
.LBB2_32:
0x162: {  	_ =	sdelay $0x3  }
0x163: {  	vm0 =	veq.s32 v4, v3  }
0x164: {  	v3 =	vmpcnt.ones.xlane vm0;
	_ =	sdelay $0x1  }
0x165: {  	(v2sf) =	vpush v3, $0x0;
	_ =	sdelay $0xb  }
0x166: {  	s17 =	sadd.s32 @p2 $0x10, s17  }
0x167: {  	s14 =	smov.u32 @p2 s17;
	s17 =	spop @p2 (v2sf)  }
0x168: {  	v3 =	vld [tilespmem:s14+$0x0];
	s14 =	sadd.s32 @p2 s18, s17  }
0x169: {  	s16 =	smov.u32 @p2 s14;
	s30 =	spop (v2sf)  }
0x16a: {  	s14 =	sadd.s32 s16, s30  }
0x16b: {  	s31 =	sadd.s32 $0xF, s14  }
0x16c: {  	s18 =	sshra.s32 s31, $0x4  }
0x16d: {  	p2 =	slt.s32 s18, $0x1  }
.Ltmp23:
0x16e: {  	_ = 	snop;
	(pc) =	sbr.rel @p2 .LBB2_39-.Ltmp23, $3  }
0x16f: {  	_ =	sdelay $0x1  }
0x170: {  	[tilespmem:s16+$0xA080] =	vst.msk vm0, v3;
	v3 =	vimm.s32 $0x0  }
0x171: {  	[tilespmem:s14+$0xA080] =	vst v3  }
0x172: {  	p3 =	sne.s32 s18, $0x1  }
.Ltmp24:
0x173: {  	_ = 	snop;
	(pc) =	sbr.rel @!p3 .LBB2_34-.Ltmp24, $3  }
0x174: {  	_ =	sdelay $0x1  }
0x175: {  	s19 =	simm.s32 $0xA080;
	s16 =	simm.s32 $0xB500  }
0x176: {  	s17 =	simm.s32 $0x4E80;
	s18 =	sadd.s32 $0xFFFFFFFF, s18;
	p2 =	por $0x0, $0x0;
	v3 =	vld [tilespmem:s19+$0x0]  }
0x177: {  	_ =	sdelay $0x7  }
0x178: {  	v3 =	vld.idx.msk [tilespmem:v3+s17+$0x0], $0xffff  }
0x179: {  	p3 =	sne.s32 s18, $0x1  }
.Ltmp25:
0x17a: {  	_ = 	snop;
	(pc) =	sbr.rel @!p3 .LBB2_36-.Ltmp25, $3  }
0x17b: {  	_ =	sdelay $0x1  }
0x17c: {  	s19 =	simm.s32 $0xA090;
	[tilespmem:s16+$0x0] =	vst v3  }
0x17d: {  	s20 =	sadd.s32 $0xFFFFFFFF, s18;
	p2 =	por $0x1, $0x1;
	s18 =	simm.s32 $0xB500;
	v3 =	vld [tilespmem:s19+$0x0]  }
.LBB2_37:
0x17e: {  	p3 =	sne.s32 s20, $0x1;
	_ =	sdelay $0x6  }
0x17f: {  	v3 =	vld.idx.msk [tilespmem:v3+s17+$0x0], $0xffff;
	_ =	sdelay $0x2  }
.Ltmp26:
0x180: {  	(pc) =	sbr.rel @p3 .LBB2_37-.Ltmp26, $4  }
0x181: {  	_ = 	snop  }
0x182: {  	s18 =	sadd.s32 $0x10, s18  }
0x183: {  	s19 =	sadd.s32 $0x10, s19;
	[tilespmem:s18+$0x0] =	vst v3  }
0x184: {  	s20 =	sadd.s32 $0xFFFFFFFF, s20;
	v3 =	vld [tilespmem:s19+$0x0]  }
.LBB2_38:
0x185: {  	_ =	sdelay $0x7  }
0x186: {  	v3 =	vld.idx.msk [tilespmem:v3+s17+$0x0], $0xffff;
	_ =	sdelay $0x2  }
0x187: {  	s17 =	sadd.s32 @p2 $0x10, s18  }
0x188: {  	s16 =	smov.u32 @p2 s17  }
0x189: {  	[tilespmem:s16+$0x0] =	vst v3  }
.LBB2_39:
0x18a: {  	p2 =	slt.s32 s14, $0x1  }
.Ltmp27:
0x18b: {  	_ = 	snop;
	(pc) =	sbr.rel @p2 .LBB2_40-.Ltmp27, $4  }
0x18c: {  	_ = 	snop  }
0x18d: {  	v3 =	vimm.f32 $-3.000000010e+38  }
0x18e: {  	[tilespmem:s14+$0xB500] =	vst v3  }
0x18f: {  	[tilespmem:s14+$0xB510] =	vst v3  }
.Ltmp28:
0x190: {  	(pc) =	sbr.rel .LBB2_42-.Ltmp28, $4  }
0x191: {  	v3 =	vmov s15;
	v5 =	vimm.f32 $3.000000000e+09  }
0x192: {  	s16 =	sadd.s32 $0x1F, s14;
	v4 =	vimm.s32 $0x40000000;
	v6 =	vimm.f32 $-3.000000010e+38;
	v7 =	vlaneseq.u32;
	s17 =	simm.s32 $0xB500  }
0x193: {  	vm0 =	vmxor vm0, vm0;
	v9 =	vimm.f32 $-3.000000010e+38;
	s18 =	simm.s32 $0xA080;
	v10 =	vimm.f32 $3.000000000e+09;
	s19 =	simm.s32 $0x0;
	s15 =	sshra.s32 s16, $0x5  }
0x194: {  	v11 =	vimm.f32 $3.000000000e+09;
	v12 =	vimm.f32 $3.000000000e+09;
	s20 =	simm.s32 $0x0;
	s16 =	simm.s32 $0x0;
	v8 =	vor.u32 $0x80000000, v7;
	p2 =	slt.s32 s15, $0x1  }
.LBB2_45:
0x195: {  	v14 =	vsel vm1, v14, v16  }
0x196: {  	v15 =	vsel vm1, s24, v15;
	vm1 =	vgt.f32 v13, v14  }
0x197: {  	v15 =	vsel vm1, s22, v15  }
0x198: {  	v15 =	vshll.u32 v15, $0x4  }
0x199: {  	v13 =	vsel vm1, v13, v14;
	v14 =	vxor.u32 v8, v15  }
.LBB2_46:
0x19a: {  	(xrf0) =	vmax.scan.msk.f32 $0xffff, v13;
	_ =	sdelay $0x5  }
0x19b: {  	v15, _, _ =	vpop (xrf0)  }
0x19c: {  	v15 =	vbroadcast v15, $0xF;
	_ =	sdelay $0x1  }
0x19d: {  	vm1 =	veq.f32 v13, v15  }
0x19e: {  	v13 =	vnsel vm1, $0xC0000000, v14  }
0x19f: {  	(xrf0) =	vmin.scan.msk.u32 $0xffff, v13;
	_ =	sdelay $0x5  }
0x1a0: {  	v13, _, _ =	vpop (xrf0)  }
0x1a1: {  	(v2sf) =	vpush v13, $0xF;
	_ =	sdelay $0xe  }
0x1a2: {  	s21 =	spop (v2sf)  }
0x1a3: {  	s21 =	sxor.u32 $0x80000000, s21  }
0x1a4: {  	v13 =	vmov s21;
	_ =	sdelay $0x4  }
0x1a5: {  	[tilespmem:v13+s17+$0x0] =	vst.idx.msk $0x1, v6  }
0x1a6: {  	v13 =	vld.idx.msk [tilespmem:v13+s18+$0x0], $0xffff;
	_ =	sdelay $0x4  }
0x1a7: {  	v14 =	vshll.u32 v13, $0x2  }
0x1a8: {  	v16 =	vor.u32 $0x2, v14  }
0x1a9: {  	v17 =	vor.u32 $0x3, v14  }
0x1aa: {  	v18 =	vor.u32 $0x1, v14;
	_ =	sdelay $0x1  }
0x1ab: {  	v14 =	vld.idx.msk [tilespmem:v14+s16+$0x0], $0xffff  }
0x1ac: {  	v16 =	vld.idx.msk [tilespmem:v16+s16+$0x0], $0xffff  }
0x1ad: {  	v17 =	vld.idx.msk [tilespmem:v17+s16+$0x0], $0xffff  }
0x1ae: {  	v18 =	vld.idx.msk [tilespmem:v18+s16+$0x0], $0xffff;
	_ =	sdelay $0x2  }
0x1af: {  	v22 =	vsub.f32 v10, v12;
	v14 =	vadd.f32 v14, v3  }
0x1b0: {  	v16 =	vadd.f32 v16, v3;
	v17 =	vadd.f32 v17, v3  }
0x1b1: {  	v23 =	vsub.f32 v5, v11;
	v18 =	vadd.f32 v18, v3  }
0x1b2: {  	v20 =	vmax.f32 v12, v14;
	v19 =	vmin.f32 v10, v16;
	v21 =	vmin.f32 v5, v17  }
0x1b3: {  	v24 =	vmax.f32 v11, v18;
	v25 =	vsub.f32 v16, v14;
	v26 =	vsub.f32 v17, v18  }
0x1b4: {  	v19 =	vsub.f32 v19, v20;
	v59 =	vsub.f32 v21, v24  }
0x1b5: {  	v60 =	vmul.f32 v23, v22;
	v61 =	vmul.f32 v26, v25  }
0x1b6: {  	v19 =	vmax.f32 v19, $0.0e+00;
	v20 =	vmax.f32 v59, $0.0e+00  }
0x1b7: {  	v19 =	vmul.f32 v20, v19;
	v62 =	vadd.f32 v61, v60;
	_ =	sdelay $0x1  }
0x1b8: {  	v20 =	vsub.f32 v62, v19;
	_ =	sdelay $0x1  }
0x1b9: {  	v20 =	vmax.f32 v20, $9.999999710e-10  }
0x1ba: {  	(erf) = vrcp.f32 v20;
	_ =	sdelay $0x8  }
0x1bb: {  	v20 =	vpop (erf)  }
0x1bc: {  	v19 =	vmul.f32 v20, v19;
	_ =	sdelay $0x1  }
0x1bd: {  	vm1 =	vgt.f32 v19, $5.000000000e-01  }
0x1be: {  	v19 =	vmpcnt.ones.xlane vm1;
	_ =	sdelay $0x1  }
0x1bf: {  	(v2sf) =	vpush v19, $0x0;
	_ =	sdelay $0xe  }
0x1c0: {  	s31 =	spop (v2sf)  }
0x1c1: {  	s21 =	simm.s32 $0x1;
	p3 =	slt.s32 s31, $0x1  }
0x1c2: {  	s20 =	sadd.s32 $0x1, s20;
	vm1 =	vmmov vm0;
	s21 =	simm.s32 @!p3 $0x0  }
0x1c3: {  	v63 =	vmov s19;
	vm1 =	vmneg @p3 vm1;
	p3 =	sge.s32 s20, s14;
	s19 =	sadd.s32 s21, s19  }
0x1c4: {  	p4 =	slt.u32 @!p3 s19, $0xF  }
0x1c5: {  	p4 =	por p3, !p4  }
.Ltmp29:
0x1c6: {  	_ = 	snop;
	(pc) =	sbr.rel @p4 .LBB2_47-.Ltmp29, $4  }
0x1c7: {  	vm2 =	veq.s32 v63, v7  }
0x1c8: {  	vm1 =	vmand vm2, vm1  }
0x1c9: {  	v12 =	vsel vm1, v14, v12;
	v11 =	vsel vm1, v18, v11;
	v10 =	vsel vm1, v16, v10  }
0x1ca: {  	v5 =	vsel vm1, v17, v5;
	v4 =	vsel vm1, v13, v4;
	v9 =	vsel vm1, v15, v9  }
.LBB2_42:
.Ltmp30:
0x1cb: {  	(pc) =	sbr.rel @p2 .LBB2_46-.Ltmp30, $2  }
0x1cc: {  	_ =	sdelay $0x2  }
0x1cd: {  	v13 =	vimm.f32 $-3.000000010e+38;
	v14 =	vmov v8  }
0x1ce: {  	s22 =	simm.s32 $0xB510  }
0x1cf: {  	p3 =	sne.s32 s15, $0x1;
	v14 =	vld [tilespmem:s22+$0xFFFFFFF0]  }
.Ltmp31:
0x1d0: {  	_ = 	snop;
	(pc) =	sbr.rel @!p3 .LBB2_45-.Ltmp31, $3  }
0x1d1: {  	v13 =	vld [tilespmem:s22+$0x0];
	_ =	sdelay $0x1  }
0x1d2: {  	s21 =	sadd.s32 $0xFFFFFFFF, s15  }
0x1d3: {  	v15 =	vimm.s32 $0x0;
	s24 =	simm.s32 $0x0;
	s23 =	simm.s32 $0xB530;
	v16 =	vimm.f32 $-3.000000010e+38;
	s22 =	simm.s32 $0x1;
	vm1 =	vgt.f32 v14, v6  }
.LBB2_44:
0x1d4: {  	p3 =	sne.s32 s21, $0x1;
	s21 =	sadd.s32 $0xFFFFFFFF, s21;
	v16 =	vsel vm1, v14, v16;
	v14 =	vld [tilespmem:s23+$0xFFFFFFF0];
	v15 =	vsel vm1, s24, v15  }
.Ltmp32:
0x1d5: {  	vm1 =	vgt.f32 v13, v16;
	(pc) =	sbr.rel @p3 .LBB2_44-.Ltmp32, $3  }
0x1d6: {  	v16 =	vsel vm1, v13, v16;
	v13 =	vld [tilespmem:s23+$0x0];
	v15 =	vsel vm1, s22, v15;
	_ =	sdelay $0x1  }
0x1d7: {  	s22 =	sadd.s32 $0x2, s22  }
0x1d8: {  	s23 =	sadd.s32 $0x20, s23;
	s24 =	sadd.s32 $0xFFFFFFFF, s22;
	vm1 =	vgt.f32 v14, v16  }
.Ltmp33:
0x1d9: {  	_ = 	snop;
	(pc) =	sbr.rel .LBB2_45-.Ltmp33, $1  }
0x1da: {  	_ =	sdelay $0x3  }
.LBB2_47:
.Ltmp34:
0x1db: {  	(pc) =	sbr.rel .LBB2_48-.Ltmp34, $2  }
0x1dc: {  	_ =	sdelay $0x2  }
0x1dd: {  	v3 =	vpsel p3, v9, v9;
	v4 =	vpsel p3, v4, v4  }
.LBB2_40:
0x1de: {  	v4 =	vimm.s32 $0x40000000  }
.LBB2_48:
.Ltmp35:
0x1df: {  	(pc) =	sbr.rel @!p1 .LBB2_49-.Ltmp35, $4  }
0x1e0: {  	_ = 	snop  }
0x1e1: {  	[tilespmem:$0xC990] =	vst v3  }
0x1e2: {  	[tilespmem:$0xCA10] =	vst v4;
	s14 =	smul.f32 s13, s11;
	s16 =	simm.s32 $0x8C00  }
0x1e3: {  	s15 =	simm.s32 $0x0;
	s13 =	simm.s32 $0x7780;
	p2 =	por $0x0, $0x0;
	v3 =	vld [tilespmem:s16+$0x0]  }
0x1e4: {  	_ =	sdelay $0x3  }
0x1e5: {  	vm0 =	veq.s32 v3, v2  }
0x1e6: {  	v3 =	vmpcnt.ones.xlane vm0;
	_ =	sdelay $0x1  }
0x1e7: {  	(v2sf) =	vpush v3, $0x0;
	_ =	sdelay $0x1  }
0x1e8: {  	v4 =	vld [tilespmem:s13+$0x0]  }
0x1e9: {  	p3 =	sne.s32 s10, $0x1  }
.Ltmp36:
0x1ea: {  	_ = 	snop;
	(pc) =	sbr.rel @!p3 .LBB2_51-.Ltmp36, $3  }
0x1eb: {  	_ =	sdelay $0x1  }
0x1ec: {  	s18 =	simm.s32 $0x8C10;
	s19 =	sadd.s32 $0xFFFFFFFF, s10;
	[tilespmem:s15+$0xA080] =	vst.msk vm0, v4  }
0x1ed: {  	p2 =	por $0x1, $0x1;
	s16 =	simm.s32 $0x7780;
	s17 =	simm.s32 $0x0;
	v3 =	vld [tilespmem:s18+$0x0]  }
.LBB2_52:
0x1ee: {  	p3 =	sne.s32 s19, $0x1;
	_ =	sdelay $0x1  }
0x1ef: {  	s16 =	sadd.s32 $0x10, s16  }
0x1f0: {  	v4 =	vld [tilespmem:s16+$0x0]  }
0x1f1: {  	vm0 =	veq.s32 v3, v2  }
0x1f2: {  	v3 =	vmpcnt.ones.xlane vm0  }
0x1f3: {  	s20 =	spop (v2sf)  }
0x1f4: {  	(v2sf) =	vpush v3, $0x0;
	s17 =	sadd.s32 s17, s20  }
0x1f5: {  	[tilespmem:s17+$0xA080] =	vst.msk vm0, v4;
	_ =	sdelay $0x2  }
.Ltmp37:
0x1f6: {  	(pc) =	sbr.rel @p3 .LBB2_52-.Ltmp37, $3  }
0x1f7: {  	_ =	sdelay $0x1  }
0x1f8: {  	s18 =	sadd.s32 $0x10, s18  }
0x1f9: {  	s19 =	sadd.s32 $0xFFFFFFFF, s19;
	v3 =	vld [tilespmem:s18+$0x0]  }
.LBB2_53:
0x1fa: {  	_ =	sdelay $0x3  }
0x1fb: {  	vm0 =	veq.s32 v3, v2  }
0x1fc: {  	v2 =	vmpcnt.ones.xlane vm0;
	_ =	sdelay $0x1  }
0x1fd: {  	(v2sf) =	vpush v2, $0x0;
	_ =	sdelay $0xb  }
0x1fe: {  	s16 =	sadd.s32 @p2 $0x10, s16  }
0x1ff: {  	s13 =	smov.u32 @p2 s16;
	s16 =	spop @p2 (v2sf)  }
0x200: {  	v2 =	vld [tilespmem:s13+$0x0];
	s13 =	sadd.s32 @p2 s17, s16  }
0x201: {  	s15 =	smov.u32 @p2 s13;
	s30 =	spop (v2sf)  }
0x202: {  	s13 =	sadd.s32 s15, s30  }
0x203: {  	s31 =	sadd.s32 $0xF, s13  }
0x204: {  	s17 =	sshra.s32 s31, $0x4  }
0x205: {  	p2 =	slt.s32 s17, $0x1  }
.Ltmp38:
0x206: {  	_ = 	snop;
	(pc) =	sbr.rel @p2 .LBB2_60-.Ltmp38, $3  }
0x207: {  	_ =	sdelay $0x1  }
0x208: {  	[tilespmem:s15+$0xA080] =	vst.msk vm0, v2;
	v2 =	vimm.s32 $0x0  }
0x209: {  	[tilespmem:s13+$0xA080] =	vst v2  }
0x20a: {  	p3 =	sne.s32 s17, $0x1  }
.Ltmp39:
0x20b: {  	_ = 	snop;
	(pc) =	sbr.rel @!p3 .LBB2_55-.Ltmp39, $3  }
0x20c: {  	_ =	sdelay $0x1  }
0x20d: {  	s18 =	simm.s32 $0xA080;
	s15 =	simm.s32 $0xB500  }
0x20e: {  	s16 =	simm.s32 $0x4E80;
	s17 =	sadd.s32 $0xFFFFFFFF, s17;
	p2 =	por $0x0, $0x0;
	v2 =	vld [tilespmem:s18+$0x0]  }
0x20f: {  	_ =	sdelay $0x7  }
0x210: {  	v2 =	vld.idx.msk [tilespmem:v2+s16+$0x0], $0xffff  }
0x211: {  	p3 =	sne.s32 s17, $0x1  }
.Ltmp40:
0x212: {  	_ = 	snop;
	(pc) =	sbr.rel @!p3 .LBB2_57-.Ltmp40, $3  }
0x213: {  	_ =	sdelay $0x1  }
0x214: {  	s18 =	simm.s32 $0xA090;
	[tilespmem:s15+$0x0] =	vst v2  }
0x215: {  	s19 =	sadd.s32 $0xFFFFFFFF, s17;
	p2 =	por $0x1, $0x1;
	s17 =	simm.s32 $0xB500;
	v2 =	vld [tilespmem:s18+$0x0]  }
.LBB2_58:
0x216: {  	p3 =	sne.s32 s19, $0x1;
	_ =	sdelay $0x6  }
0x217: {  	v2 =	vld.idx.msk [tilespmem:v2+s16+$0x0], $0xffff;
	_ =	sdelay $0x2  }
.Ltmp41:
0x218: {  	(pc) =	sbr.rel @p3 .LBB2_58-.Ltmp41, $4  }
0x219: {  	_ = 	snop  }
0x21a: {  	s17 =	sadd.s32 $0x10, s17  }
0x21b: {  	s18 =	sadd.s32 $0x10, s18;
	[tilespmem:s17+$0x0] =	vst v2  }
0x21c: {  	s19 =	sadd.s32 $0xFFFFFFFF, s19;
	v2 =	vld [tilespmem:s18+$0x0]  }
.LBB2_59:
0x21d: {  	_ =	sdelay $0x7  }
0x21e: {  	v2 =	vld.idx.msk [tilespmem:v2+s16+$0x0], $0xffff;
	_ =	sdelay $0x2  }
0x21f: {  	s16 =	sadd.s32 @p2 $0x10, s17  }
0x220: {  	s15 =	smov.u32 @p2 s16  }
0x221: {  	[tilespmem:s15+$0x0] =	vst v2  }
.LBB2_60:
0x222: {  	p2 =	slt.s32 s13, $0x1  }
.Ltmp42:
0x223: {  	_ = 	snop;
	(pc) =	sbr.rel @p2 .LBB2_61-.Ltmp42, $4  }
0x224: {  	_ = 	snop  }
0x225: {  	v2 =	vimm.f32 $-3.000000010e+38  }
0x226: {  	[tilespmem:s13+$0xB500] =	vst v2  }
0x227: {  	[tilespmem:s13+$0xB510] =	vst v2  }
.Ltmp43:
0x228: {  	(pc) =	sbr.rel .LBB2_63-.Ltmp43, $4  }
0x229: {  	v2 =	vmov s14;
	v4 =	vimm.f32 $3.000000000e+09  }
0x22a: {  	s15 =	sadd.s32 $0x1F, s13;
	v3 =	vimm.s32 $0x40000000;
	v5 =	vimm.f32 $-3.000000010e+38;
	v6 =	vlaneseq.u32;
	s16 =	simm.s32 $0xB500  }
0x22b: {  	vm0 =	vmxor vm0, vm0;
	v8 =	vimm.f32 $-3.000000010e+38;
	s17 =	simm.s32 $0xA080;
	v9 =	vimm.f32 $3.000000000e+09;
	s18 =	simm.s32 $0x0;
	s14 =	sshra.s32 s15, $0x5  }
0x22c: {  	v10 =	vimm.f32 $3.000000000e+09;
	v11 =	vimm.f32 $3.000000000e+09;
	s19 =	simm.s32 $0x0;
	s15 =	simm.s32 $0x0;
	v7 =	vor.u32 $0x80000000, v6;
	p2 =	slt.s32 s14, $0x1  }
.LBB2_66:
0x22d: {  	v13 =	vsel vm1, v13, v15  }
0x22e: {  	v14 =	vsel vm1, s23, v14;
	vm1 =	vgt.f32 v12, v13  }
0x22f: {  	v14 =	vsel vm1, s21, v14  }
0x230: {  	v14 =	vshll.u32 v14, $0x4  }
0x231: {  	v12 =	vsel vm1, v12, v13;
	v13 =	vxor.u32 v7, v14  }
.LBB2_67:
0x232: {  	(xrf0) =	vmax.scan.msk.f32 $0xffff, v12;
	_ =	sdelay $0x5  }
0x233: {  	v14, _, _ =	vpop (xrf0)  }
0x234: {  	v14 =	vbroadcast v14, $0xF;
	_ =	sdelay $0x1  }
0x235: {  	vm1 =	veq.f32 v12, v14  }
0x236: {  	v12 =	vnsel vm1, $0xC0000000, v13  }
0x237: {  	(xrf0) =	vmin.scan.msk.u32 $0xffff, v12;
	_ =	sdelay $0x5  }
0x238: {  	v12, _, _ =	vpop (xrf0)  }
0x239: {  	(v2sf) =	vpush v12, $0xF;
	_ =	sdelay $0xe  }
0x23a: {  	s20 =	spop (v2sf)  }
0x23b: {  	s20 =	sxor.u32 $0x80000000, s20  }
0x23c: {  	v57 =	vmov s20;
	_ =	sdelay $0x4  }
0x23d: {  	[tilespmem:v57+s16+$0x0] =	vst.idx.msk $0x1, v5  }
0x23e: {  	v12 =	vld.idx.msk [tilespmem:v57+s17+$0x0], $0xffff;
	_ =	sdelay $0x4  }
0x23f: {  	v58 =	vshll.u32 v12, $0x2  }
0x240: {  	v15 =	vor.u32 $0x2, v58  }
0x241: {  	v16 =	vor.u32 $0x3, v58  }
0x242: {  	v17 =	vor.u32 $0x1, v58;
	_ =	sdelay $0x1  }
0x243: {  	v13 =	vld.idx.msk [tilespmem:v58+s15+$0x0], $0xffff  }
0x244: {  	v15 =	vld.idx.msk [tilespmem:v15+s15+$0x0], $0xffff  }
0x245: {  	v16 =	vld.idx.msk [tilespmem:v16+s15+$0x0], $0xffff  }
0x246: {  	v17 =	vld.idx.msk [tilespmem:v17+s15+$0x0], $0xffff;
	_ =	sdelay $0x2  }
0x247: {  	v21 =	vsub.f32 v9, v11;
	v13 =	vadd.f32 v13, v2  }
0x248: {  	v15 =	vadd.f32 v15, v2;
	v16 =	vadd.f32 v16, v2  }
0x249: {  	v22 =	vsub.f32 v4, v10;
	v17 =	vadd.f32 v17, v2  }
0x24a: {  	v19 =	vmax.f32 v11, v13;
	v18 =	vmin.f32 v9, v15;
	v20 =	vmin.f32 v4, v16  }
0x24b: {  	v23 =	vmax.f32 v10, v17;
	v24 =	vsub.f32 v15, v13;
	v25 =	vsub.f32 v16, v17  }
0x24c: {  	v18 =	vsub.f32 v18, v19;
	v59 =	vsub.f32 v20, v23  }
0x24d: {  	v60 =	vmul.f32 v22, v21;
	v61 =	vmul.f32 v25, v24  }
0x24e: {  	v18 =	vmax.f32 v18, $0.0e+00;
	v19 =	vmax.f32 v59, $0.0e+00  }
0x24f: {  	v18 =	vmul.f32 v19, v18;
	v62 =	vadd.f32 v61, v60;
	_ =	sdelay $0x1  }
0x250: {  	v19 =	vsub.f32 v62, v18;
	_ =	sdelay $0x1  }
0x251: {  	v19 =	vmax.f32 v19, $9.999999710e-10  }
0x252: {  	(erf) = vrcp.f32 v19;
	_ =	sdelay $0x8  }
0x253: {  	v19 =	vpop (erf)  }
0x254: {  	v18 =	vmul.f32 v19, v18;
	_ =	sdelay $0x1  }
0x255: {  	vm1 =	vgt.f32 v18, $5.000000000e-01  }
0x256: {  	v18 =	vmpcnt.ones.xlane vm1;
	_ =	sdelay $0x1  }
0x257: {  	(v2sf) =	vpush v18, $0x0;
	_ =	sdelay $0xe  }
0x258: {  	s31 =	spop (v2sf)  }
0x259: {  	s20 =	simm.s32 $0x1;
	p3 =	slt.s32 s31, $0x1  }
0x25a: {  	s19 =	sadd.s32 $0x1, s19;
	vm1 =	vmmov vm0;
	s20 =	simm.s32 @!p3 $0x0  }
0x25b: {  	v63 =	vmov s18;
	vm1 =	vmneg @p3 vm1;
	p3 =	sge.s32 s19, s13;
	s18 =	sadd.s32 s20, s18  }
0x25c: {  	p4 =	slt.u32 @!p3 s18, $0xF  }
0x25d: {  	p4 =	por p3, !p4  }
.Ltmp44:
0x25e: {  	_ = 	snop;
	(pc) =	sbr.rel @p4 .LBB2_68-.Ltmp44, $4  }
0x25f: {  	vm2 =	veq.s32 v63, v6  }
0x260: {  	vm1 =	vmand vm2, vm1  }
0x261: {  	v11 =	vsel vm1, v13, v11;
	v10 =	vsel vm1, v17, v10;
	v9 =	vsel vm1, v15, v9  }
0x262: {  	v4 =	vsel vm1, v16, v4;
	v3 =	vsel vm1, v12, v3;
	v8 =	vsel vm1, v14, v8  }
.LBB2_63:
.Ltmp45:
0x263: {  	(pc) =	sbr.rel @p2 .LBB2_67-.Ltmp45, $2  }
0x264: {  	_ =	sdelay $0x2  }
0x265: {  	v12 =	vimm.f32 $-3.000000010e+38;
	v13 =	vmov v7  }
0x266: {  	s21 =	simm.s32 $0xB510  }
0x267: {  	p3 =	sne.s32 s14, $0x1;
	v13 =	vld [tilespmem:s21+$0xFFFFFFF0]  }
.Ltmp46:
0x268: {  	_ = 	snop;
	(pc) =	sbr.rel @!p3 .LBB2_66-.Ltmp46, $3  }
0x269: {  	v12 =	vld [tilespmem:s21+$0x0];
	_ =	sdelay $0x1  }
0x26a: {  	s20 =	sadd.s32 $0xFFFFFFFF, s14  }
0x26b: {  	v14 =	vimm.s32 $0x0;
	s23 =	simm.s32 $0x0;
	s22 =	simm.s32 $0xB530;
	v15 =	vimm.f32 $-3.000000010e+38;
	s21 =	simm.s32 $0x1;
	vm1 =	vgt.f32 v13, v5  }
.LBB2_65:
0x26c: {  	p3 =	sne.s32 s20, $0x1;
	s20 =	sadd.s32 $0xFFFFFFFF, s20;
	v15 =	vsel vm1, v13, v15;
	v13 =	vld [tilespmem:s22+$0xFFFFFFF0];
	v14 =	vsel vm1, s23, v14  }
.Ltmp47:
0x26d: {  	vm1 =	vgt.f32 v12, v15;
	(pc) =	sbr.rel @p3 .LBB2_65-.Ltmp47, $3  }
0x26e: {  	v15 =	vsel vm1, v12, v15;
	v12 =	vld [tilespmem:s22+$0x0];
	v14 =	vsel vm1, s21, v14;
	_ =	sdelay $0x1  }
0x26f: {  	s21 =	sadd.s32 $0x2, s21  }
0x270: {  	s22 =	sadd.s32 $0x20, s22;
	s23 =	sadd.s32 $0xFFFFFFFF, s21;
	vm1 =	vgt.f32 v13, v15  }
.Ltmp48:
0x271: {  	_ = 	snop;
	(pc) =	sbr.rel .LBB2_66-.Ltmp48, $1  }
0x272: {  	_ =	sdelay $0x3  }
.LBB2_68:
.Ltmp49:
0x273: {  	(pc) =	sbr.rel .LBB2_69-.Ltmp49, $2  }
0x274: {  	_ =	sdelay $0x2  }
0x275: {  	v2 =	vpsel p3, v8, v8;
	v3 =	vpsel p3, v3, v3  }
.LBB2_61:
0x276: {  	v3 =	vimm.s32 $0x40000000  }
.LBB2_69:
.Ltmp50:
0x277: {  	(pc) =	sbr.rel @!p1 .LBB2_70-.Ltmp50, $4  }
0x278: {  	_ = 	snop  }
0x279: {  	[tilespmem:$0xC9A0] =	vst v2  }
0x27a: {  	[tilespmem:$0xCA20] =	vst v3;
	s13 =	smul.f32 s12, s11;
	s15 =	simm.s32 $0x8C00  }
0x27b: {  	s14 =	simm.s32 $0x0;
	s12 =	simm.s32 $0x7780;
	p2 =	por $0x0, $0x0;
	v2 =	vld [tilespmem:s15+$0x0]  }
0x27c: {  	_ =	sdelay $0x3  }
0x27d: {  	vm0 =	veq.s32 v2, v1  }
0x27e: {  	v2 =	vmpcnt.ones.xlane vm0;
	_ =	sdelay $0x1  }
0x27f: {  	(v2sf) =	vpush v2, $0x0;
	_ =	sdelay $0x1  }
0x280: {  	v3 =	vld [tilespmem:s12+$0x0]  }
0x281: {  	p3 =	sne.s32 s10, $0x1  }
.Ltmp51:
0x282: {  	_ = 	snop;
	(pc) =	sbr.rel @!p3 .LBB2_72-.Ltmp51, $3  }
0x283: {  	_ =	sdelay $0x1  }
0x284: {  	s17 =	simm.s32 $0x8C10;
	s18 =	sadd.s32 $0xFFFFFFFF, s10;
	[tilespmem:s14+$0xA080] =	vst.msk vm0, v3  }
0x285: {  	p2 =	por $0x1, $0x1;
	s15 =	simm.s32 $0x7780;
	s16 =	simm.s32 $0x0;
	v2 =	vld [tilespmem:s17+$0x0]  }
.LBB2_73:
0x286: {  	p3 =	sne.s32 s18, $0x1;
	_ =	sdelay $0x1  }
0x287: {  	s15 =	sadd.s32 $0x10, s15  }
0x288: {  	v3 =	vld [tilespmem:s15+$0x0]  }
0x289: {  	vm0 =	veq.s32 v2, v1  }
0x28a: {  	v2 =	vmpcnt.ones.xlane vm0  }
0x28b: {  	s19 =	spop (v2sf)  }
0x28c: {  	(v2sf) =	vpush v2, $0x0;
	s16 =	sadd.s32 s16, s19  }
0x28d: {  	[tilespmem:s16+$0xA080] =	vst.msk vm0, v3;
	_ =	sdelay $0x2  }
.Ltmp52:
0x28e: {  	(pc) =	sbr.rel @p3 .LBB2_73-.Ltmp52, $3  }
0x28f: {  	_ =	sdelay $0x1  }
0x290: {  	s17 =	sadd.s32 $0x10, s17  }
0x291: {  	s18 =	sadd.s32 $0xFFFFFFFF, s18;
	v2 =	vld [tilespmem:s17+$0x0]  }
.LBB2_74:
0x292: {  	_ =	sdelay $0x3  }
0x293: {  	vm0 =	veq.s32 v2, v1  }
0x294: {  	v1 =	vmpcnt.ones.xlane vm0;
	_ =	sdelay $0x1  }
0x295: {  	(v2sf) =	vpush v1, $0x0;
	_ =	sdelay $0xb  }
0x296: {  	s15 =	sadd.s32 @p2 $0x10, s15  }
0x297: {  	s12 =	smov.u32 @p2 s15;
	s15 =	spop @p2 (v2sf)  }
0x298: {  	v1 =	vld [tilespmem:s12+$0x0];
	s12 =	sadd.s32 @p2 s16, s15  }
0x299: {  	s14 =	smov.u32 @p2 s12;
	s30 =	spop (v2sf)  }
0x29a: {  	s12 =	sadd.s32 s14, s30  }
0x29b: {  	s31 =	sadd.s32 $0xF, s12  }
0x29c: {  	s16 =	sshra.s32 s31, $0x4  }
0x29d: {  	p2 =	slt.s32 s16, $0x1  }
.Ltmp53:
0x29e: {  	_ = 	snop;
	(pc) =	sbr.rel @p2 .LBB2_81-.Ltmp53, $3  }
0x29f: {  	_ =	sdelay $0x1  }
0x2a0: {  	[tilespmem:s14+$0xA080] =	vst.msk vm0, v1;
	v1 =	vimm.s32 $0x0  }
0x2a1: {  	[tilespmem:s12+$0xA080] =	vst v1  }
0x2a2: {  	p3 =	sne.s32 s16, $0x1  }
.Ltmp54:
0x2a3: {  	_ = 	snop;
	(pc) =	sbr.rel @!p3 .LBB2_76-.Ltmp54, $3  }
0x2a4: {  	_ =	sdelay $0x1  }
0x2a5: {  	s17 =	simm.s32 $0xA080;
	s14 =	simm.s32 $0xB500  }
0x2a6: {  	s15 =	simm.s32 $0x4E80;
	s16 =	sadd.s32 $0xFFFFFFFF, s16;
	p2 =	por $0x0, $0x0;
	v1 =	vld [tilespmem:s17+$0x0]  }
0x2a7: {  	_ =	sdelay $0x7  }
0x2a8: {  	v1 =	vld.idx.msk [tilespmem:v1+s15+$0x0], $0xffff  }
0x2a9: {  	p3 =	sne.s32 s16, $0x1  }
.Ltmp55:
0x2aa: {  	_ = 	snop;
	(pc) =	sbr.rel @!p3 .LBB2_78-.Ltmp55, $3  }
0x2ab: {  	_ =	sdelay $0x1  }
0x2ac: {  	s17 =	simm.s32 $0xA090;
	[tilespmem:s14+$0x0] =	vst v1  }
0x2ad: {  	s18 =	sadd.s32 $0xFFFFFFFF, s16;
	p2 =	por $0x1, $0x1;
	s16 =	simm.s32 $0xB500;
	v1 =	vld [tilespmem:s17+$0x0]  }
.LBB2_79:
0x2ae: {  	p3 =	sne.s32 s18, $0x1;
	_ =	sdelay $0x6  }
0x2af: {  	v1 =	vld.idx.msk [tilespmem:v1+s15+$0x0], $0xffff;
	_ =	sdelay $0x2  }
.Ltmp56:
0x2b0: {  	(pc) =	sbr.rel @p3 .LBB2_79-.Ltmp56, $4  }
0x2b1: {  	_ = 	snop  }
0x2b2: {  	s16 =	sadd.s32 $0x10, s16  }
0x2b3: {  	s17 =	sadd.s32 $0x10, s17;
	[tilespmem:s16+$0x0] =	vst v1  }
0x2b4: {  	s18 =	sadd.s32 $0xFFFFFFFF, s18;
	v1 =	vld [tilespmem:s17+$0x0]  }
.LBB2_80:
0x2b5: {  	_ =	sdelay $0x7  }
0x2b6: {  	v1 =	vld.idx.msk [tilespmem:v1+s15+$0x0], $0xffff;
	_ =	sdelay $0x2  }
0x2b7: {  	s15 =	sadd.s32 @p2 $0x10, s16  }
0x2b8: {  	s14 =	smov.u32 @p2 s15  }
0x2b9: {  	[tilespmem:s14+$0x0] =	vst v1  }
.LBB2_81:
0x2ba: {  	p2 =	slt.s32 s12, $0x1  }
.Ltmp57:
0x2bb: {  	_ = 	snop;
	(pc) =	sbr.rel @p2 .LBB2_82-.Ltmp57, $4  }
0x2bc: {  	_ = 	snop  }
0x2bd: {  	v1 =	vimm.f32 $-3.000000010e+38  }
0x2be: {  	[tilespmem:s12+$0xB500] =	vst v1  }
0x2bf: {  	[tilespmem:s12+$0xB510] =	vst v1  }
.Ltmp58:
0x2c0: {  	(pc) =	sbr.rel .LBB2_84-.Ltmp58, $4  }
0x2c1: {  	v1 =	vmov s13;
	v3 =	vimm.f32 $3.000000000e+09  }
0x2c2: {  	s14 =	sadd.s32 $0x1F, s12;
	v2 =	vimm.s32 $0x40000000;
	v4 =	vimm.f32 $-3.000000010e+38;
	v5 =	vlaneseq.u32;
	s15 =	simm.s32 $0xB500  }
0x2c3: {  	vm0 =	vmxor vm0, vm0;
	v7 =	vimm.f32 $-3.000000010e+38;
	s16 =	simm.s32 $0xA080;
	v8 =	vimm.f32 $3.000000000e+09;
	s17 =	simm.s32 $0x0;
	s13 =	sshra.s32 s14, $0x5  }
0x2c4: {  	v9 =	vimm.f32 $3.000000000e+09;
	v10 =	vimm.f32 $3.000000000e+09;
	s18 =	simm.s32 $0x0;
	s14 =	simm.s32 $0x0;
	v6 =	vor.u32 $0x80000000, v5;
	p2 =	slt.s32 s13, $0x1  }
.LBB2_87:
0x2c5: {  	v12 =	vsel vm1, v12, v14  }
0x2c6: {  	v13 =	vsel vm1, s22, v13;
	vm1 =	vgt.f32 v11, v12  }
0x2c7: {  	v13 =	vsel vm1, s20, v13  }
0x2c8: {  	v13 =	vshll.u32 v13, $0x4  }
0x2c9: {  	v11 =	vsel vm1, v11, v12;
	v12 =	vxor.u32 v6, v13  }
.LBB2_88:
0x2ca: {  	(xrf0) =	vmax.scan.msk.f32 $0xffff, v11;
	_ =	sdelay $0x5  }
0x2cb: {  	v13, _, _ =	vpop (xrf0)  }
0x2cc: {  	v13 =	vbroadcast v13, $0xF;
	_ =	sdelay $0x1  }
0x2cd: {  	vm1 =	veq.f32 v11, v13  }
0x2ce: {  	v11 =	vnsel vm1, $0xC0000000, v12  }
0x2cf: {  	(xrf0) =	vmin.scan.msk.u32 $0xffff, v11;
	_ =	sdelay $0x5  }
0x2d0: {  	v11, _, _ =	vpop (xrf0)  }
0x2d1: {  	(v2sf) =	vpush v11, $0xF;
	_ =	sdelay $0xe  }
0x2d2: {  	s19 =	spop (v2sf)  }
0x2d3: {  	s19 =	sxor.u32 $0x80000000, s19  }
0x2d4: {  	v11 =	vmov s19;
	_ =	sdelay $0x4  }
0x2d5: {  	[tilespmem:v11+s15+$0x0] =	vst.idx.msk $0x1, v4  }
0x2d6: {  	v11 =	vld.idx.msk [tilespmem:v11+s16+$0x0], $0xffff;
	_ =	sdelay $0x4  }
0x2d7: {  	v58 =	vshll.u32 v11, $0x2  }
0x2d8: {  	v14 =	vor.u32 $0x2, v58  }
0x2d9: {  	v15 =	vor.u32 $0x3, v58  }
0x2da: {  	v16 =	vor.u32 $0x1, v58;
	_ =	sdelay $0x1  }
0x2db: {  	v12 =	vld.idx.msk [tilespmem:v58+s14+$0x0], $0xffff  }
0x2dc: {  	v14 =	vld.idx.msk [tilespmem:v14+s14+$0x0], $0xffff  }
0x2dd: {  	v15 =	vld.idx.msk [tilespmem:v15+s14+$0x0], $0xffff  }
0x2de: {  	v16 =	vld.idx.msk [tilespmem:v16+s14+$0x0], $0xffff;
	_ =	sdelay $0x2  }
0x2df: {  	v20 =	vsub.f32 v8, v10;
	v12 =	vadd.f32 v12, v1  }
0x2e0: {  	v14 =	vadd.f32 v14, v1;
	v15 =	vadd.f32 v15, v1  }
0x2e1: {  	v21 =	vsub.f32 v3, v9;
	v16 =	vadd.f32 v16, v1  }
0x2e2: {  	v18 =	vmax.f32 v10, v12;
	v17 =	vmin.f32 v8, v14;
	v19 =	vmin.f32 v3, v15  }
0x2e3: {  	v22 =	vmax.f32 v9, v16;
	v23 =	vsub.f32 v14, v12;
	v24 =	vsub.f32 v15, v16  }
0x2e4: {  	v17 =	vsub.f32 v17, v18;
	v59 =	vsub.f32 v19, v22  }
0x2e5: {  	v60 =	vmul.f32 v21, v20;
	v61 =	vmul.f32 v24, v23  }
0x2e6: {  	v17 =	vmax.f32 v17, $0.0e+00;
	v18 =	vmax.f32 v59, $0.0e+00  }
0x2e7: {  	v17 =	vmul.f32 v18, v17;
	v62 =	vadd.f32 v61, v60;
	_ =	sdelay $0x1  }
0x2e8: {  	v18 =	vsub.f32 v62, v17;
	_ =	sdelay $0x1  }
0x2e9: {  	v18 =	vmax.f32 v18, $9.999999710e-10  }
0x2ea: {  	(erf) = vrcp.f32 v18;
	_ =	sdelay $0x8  }
0x2eb: {  	v18 =	vpop (erf)  }
0x2ec: {  	v17 =	vmul.f32 v18, v17;
	_ =	sdelay $0x1  }
0x2ed: {  	vm1 =	vgt.f32 v17, $5.000000000e-01  }
0x2ee: {  	v17 =	vmpcnt.ones.xlane vm1;
	_ =	sdelay $0x1  }
0x2ef: {  	(v2sf) =	vpush v17, $0x0;
	_ =	sdelay $0xe  }
0x2f0: {  	s31 =	spop (v2sf)  }
0x2f1: {  	s19 =	simm.s32 $0x1;
	p3 =	slt.s32 s31, $0x1  }
0x2f2: {  	s18 =	sadd.s32 $0x1, s18;
	vm1 =	vmmov vm0;
	s19 =	simm.s32 @!p3 $0x0  }
0x2f3: {  	v63 =	vmov s17;
	vm1 =	vmneg @p3 vm1;
	p3 =	sge.s32 s18, s12;
	s17 =	sadd.s32 s19, s17  }
0x2f4: {  	p4 =	slt.u32 @!p3 s17, $0xF  }
0x2f5: {  	p4 =	por p3, !p4  }
.Ltmp59:
0x2f6: {  	_ = 	snop;
	(pc) =	sbr.rel @p4 .LBB2_89-.Ltmp59, $4  }
0x2f7: {  	vm2 =	veq.s32 v63, v5  }
0x2f8: {  	vm1 =	vmand vm2, vm1  }
0x2f9: {  	v10 =	vsel vm1, v12, v10;
	v9 =	vsel vm1, v16, v9;
	v8 =	vsel vm1, v14, v8  }
0x2fa: {  	v3 =	vsel vm1, v15, v3;
	v2 =	vsel vm1, v11, v2;
	v7 =	vsel vm1, v13, v7  }
.LBB2_84:
.Ltmp60:
0x2fb: {  	(pc) =	sbr.rel @p2 .LBB2_88-.Ltmp60, $2  }
0x2fc: {  	_ =	sdelay $0x2  }
0x2fd: {  	v11 =	vimm.f32 $-3.000000010e+38;
	v12 =	vmov v6  }
0x2fe: {  	s20 =	simm.s32 $0xB510  }
0x2ff: {  	p3 =	sne.s32 s13, $0x1;
	v12 =	vld [tilespmem:s20+$0xFFFFFFF0]  }
.Ltmp61:
0x300: {  	_ = 	snop;
	(pc) =	sbr.rel @!p3 .LBB2_87-.Ltmp61, $3  }
0x301: {  	v11 =	vld [tilespmem:s20+$0x0];
	_ =	sdelay $0x1  }
0x302: {  	s19 =	sadd.s32 $0xFFFFFFFF, s13  }
0x303: {  	v13 =	vimm.s32 $0x0;
	s22 =	simm.s32 $0x0;
	s21 =	simm.s32 $0xB530;
	v14 =	vimm.f32 $-3.000000010e+38;
	s20 =	simm.s32 $0x1;
	vm1 =	vgt.f32 v12, v4  }
.LBB2_86:
0x304: {  	p3 =	sne.s32 s19, $0x1;
	s19 =	sadd.s32 $0xFFFFFFFF, s19;
	v14 =	vsel vm1, v12, v14;
	v12 =	vld [tilespmem:s21+$0xFFFFFFF0];
	v13 =	vsel vm1, s22, v13  }
.Ltmp62:
0x305: {  	vm1 =	vgt.f32 v11, v14;
	(pc) =	sbr.rel @p3 .LBB2_86-.Ltmp62, $3  }
0x306: {  	v14 =	vsel vm1, v11, v14;
	v11 =	vld [tilespmem:s21+$0x0];
	v13 =	vsel vm1, s20, v13;
	_ =	sdelay $0x1  }
0x307: {  	s20 =	sadd.s32 $0x2, s20  }
0x308: {  	s21 =	sadd.s32 $0x20, s21;
	s22 =	sadd.s32 $0xFFFFFFFF, s20;
	vm1 =	vgt.f32 v12, v14  }
.Ltmp63:
0x309: {  	_ = 	snop;
	(pc) =	sbr.rel .LBB2_87-.Ltmp63, $1  }
0x30a: {  	_ =	sdelay $0x3  }
.LBB2_89:
.Ltmp64:
0x30b: {  	(pc) =	sbr.rel .LBB2_90-.Ltmp64, $2  }
0x30c: {  	_ =	sdelay $0x2  }
0x30d: {  	v1 =	vpsel p3, v7, v7;
	v2 =	vpsel p3, v2, v2  }
.LBB2_82:
0x30e: {  	v2 =	vimm.s32 $0x40000000  }
.LBB2_90:
.Ltmp65:
0x30f: {  	(pc) =	sbr.rel @!p1 .LBB2_91-.Ltmp65, $4  }
0x310: {  	_ = 	snop  }
0x311: {  	[tilespmem:$0xC9B0] =	vst v1  }
0x312: {  	[tilespmem:$0xCA30] =	vst v2;
	s11 =	smul.f32 s9, s11;
	s13 =	simm.s32 $0x8C00  }
0x313: {  	s12 =	simm.s32 $0x0;
	s9 =	simm.s32 $0x7780;
	p2 =	por $0x0, $0x0;
	v1 =	vld [tilespmem:s13+$0x0]  }
0x314: {  	_ =	sdelay $0x3  }
0x315: {  	vm0 =	veq.s32 v1, v0  }
0x316: {  	v1 =	vmpcnt.ones.xlane vm0;
	_ =	sdelay $0x1  }
0x317: {  	(v2sf) =	vpush v1, $0x0;
	_ =	sdelay $0x1  }
0x318: {  	v2 =	vld [tilespmem:s9+$0x0]  }
0x319: {  	p1 =	sne.s32 s10, $0x1  }
.Ltmp66:
0x31a: {  	_ = 	snop;
	(pc) =	sbr.rel @!p1 .LBB2_93-.Ltmp66, $3  }
0x31b: {  	_ =	sdelay $0x1  }
0x31c: {  	s14 =	simm.s32 $0x8C10;
	s15 =	sadd.s32 $0xFFFFFFFF, s10;
	[tilespmem:s12+$0xA080] =	vst.msk vm0, v2  }
0x31d: {  	p2 =	por $0x1, $0x1;
	s10 =	simm.s32 $0x7780;
	s13 =	simm.s32 $0x0;
	v1 =	vld [tilespmem:s14+$0x0]  }
.LBB2_94:
0x31e: {  	p1 =	sne.s32 s15, $0x1;
	_ =	sdelay $0x1  }
0x31f: {  	s10 =	sadd.s32 $0x10, s10  }
0x320: {  	v2 =	vld [tilespmem:s10+$0x0]  }
0x321: {  	vm0 =	veq.s32 v1, v0  }
0x322: {  	v1 =	vmpcnt.ones.xlane vm0  }
0x323: {  	s16 =	spop (v2sf)  }
0x324: {  	(v2sf) =	vpush v1, $0x0;
	s13 =	sadd.s32 s13, s16  }
0x325: {  	[tilespmem:s13+$0xA080] =	vst.msk vm0, v2;
	_ =	sdelay $0x2  }
.Ltmp67:
0x326: {  	(pc) =	sbr.rel @p1 .LBB2_94-.Ltmp67, $3  }
0x327: {  	_ =	sdelay $0x1  }
0x328: {  	s14 =	sadd.s32 $0x10, s14  }
0x329: {  	s15 =	sadd.s32 $0xFFFFFFFF, s15;
	v1 =	vld [tilespmem:s14+$0x0]  }
.LBB2_95:
0x32a: {  	_ =	sdelay $0x3  }
0x32b: {  	vm0 =	veq.s32 v1, v0  }
0x32c: {  	v0 =	vmpcnt.ones.xlane vm0;
	_ =	sdelay $0x1  }
0x32d: {  	(v2sf) =	vpush v0, $0x0;
	_ =	sdelay $0xb  }
0x32e: {  	s10 =	sadd.s32 @p2 $0x10, s10  }
0x32f: {  	s9 =	smov.u32 @p2 s10;
	s10 =	spop @p2 (v2sf)  }
0x330: {  	v62 =	vld [tilespmem:s9+$0x0];
	s9 =	sadd.s32 @p2 s13, s10  }
0x331: {  	s12 =	smov.u32 @p2 s9;
	s30 =	spop (v2sf)  }
0x332: {  	s9 =	sadd.s32 s12, s30  }
0x333: {  	s31 =	sadd.s32 $0xF, s9  }
0x334: {  	s13 =	sshra.s32 s31, $0x4  }
0x335: {  	p1 =	slt.s32 s13, $0x1  }
.Ltmp68:
0x336: {  	_ = 	snop;
	(pc) =	sbr.rel @p1 .LBB2_102-.Ltmp68, $3  }
0x337: {  	_ =	sdelay $0x1  }
0x338: {  	v63 =	vimm.s32 $0x0;
	[tilespmem:s12+$0xA080] =	vst.msk vm0, v62  }
0x339: {  	[tilespmem:s9+$0xA080] =	vst v63  }
0x33a: {  	p2 =	sne.s32 s13, $0x1  }
.Ltmp69:
0x33b: {  	_ = 	snop;
	(pc) =	sbr.rel @!p2 .LBB2_97-.Ltmp69, $3  }
0x33c: {  	_ =	sdelay $0x1  }
0x33d: {  	s14 =	simm.s32 $0xA080;
	s10 =	simm.s32 $0xB500  }
0x33e: {  	s12 =	simm.s32 $0x4E80;
	s13 =	sadd.s32 $0xFFFFFFFF, s13;
	p1 =	por $0x0, $0x0;
	v0 =	vld [tilespmem:s14+$0x0]  }
0x33f: {  	_ =	sdelay $0x7  }
0x340: {  	v0 =	vld.idx.msk [tilespmem:v0+s12+$0x0], $0xffff  }
0x341: {  	p2 =	sne.s32 s13, $0x1  }
.Ltmp70:
0x342: {  	_ = 	snop;
	(pc) =	sbr.rel @!p2 .LBB2_99-.Ltmp70, $3  }
0x343: {  	_ =	sdelay $0x1  }
0x344: {  	s14 =	simm.s32 $0xA090;
	[tilespmem:s10+$0x0] =	vst v0  }
0x345: {  	s15 =	sadd.s32 $0xFFFFFFFF, s13;
	p1 =	por $0x1, $0x1;
	s13 =	simm.s32 $0xB500;
	v0 =	vld [tilespmem:s14+$0x0]  }
.LBB2_100:
0x346: {  	p2 =	sne.s32 s15, $0x1;
	_ =	sdelay $0x6  }
0x347: {  	v0 =	vld.idx.msk [tilespmem:v0+s12+$0x0], $0xffff;
	_ =	sdelay $0x2  }
.Ltmp71:
0x348: {  	(pc) =	sbr.rel @p2 .LBB2_100-.Ltmp71, $4  }
0x349: {  	_ = 	snop  }
0x34a: {  	s13 =	sadd.s32 $0x10, s13  }
0x34b: {  	s14 =	sadd.s32 $0x10, s14;
	[tilespmem:s13+$0x0] =	vst v0  }
0x34c: {  	s15 =	sadd.s32 $0xFFFFFFFF, s15;
	v0 =	vld [tilespmem:s14+$0x0]  }
.LBB2_101:
0x34d: {  	_ =	sdelay $0x7  }
0x34e: {  	v0 =	vld.idx.msk [tilespmem:v0+s12+$0x0], $0xffff;
	_ =	sdelay $0x2  }
0x34f: {  	s12 =	sadd.s32 @p1 $0x10, s13  }
0x350: {  	s10 =	smov.u32 @p1 s12  }
0x351: {  	[tilespmem:s10+$0x0] =	vst v0  }
.LBB2_102:
0x352: {  	p1 =	slt.s32 s9, $0x1  }
.Ltmp72:
0x353: {  	_ = 	snop;
	(pc) =	sbr.rel @p1 .LBB2_103-.Ltmp72, $4  }
0x354: {  	_ = 	snop  }
0x355: {  	v0 =	vimm.f32 $-3.000000010e+38  }
0x356: {  	[tilespmem:s9+$0xB500] =	vst v0  }
0x357: {  	[tilespmem:s9+$0xB510] =	vst v0  }
.Ltmp73:
0x358: {  	(pc) =	sbr.rel .LBB2_105-.Ltmp73, $4  }
0x359: {  	v0 =	vmov s11;
	v1 =	vimm.f32 $3.000000000e+09  }
0x35a: {  	s10 =	sadd.s32 $0x1F, s9;
	v2 =	vimm.s32 $0x40000000;
	v3 =	vimm.f32 $-3.000000010e+38;
	v4 =	vlaneseq.u32;
	s11 =	simm.s32 $0x0  }
0x35b: {  	s12 =	simm.s32 $0xB500;
	vm0 =	vmxor vm0, vm0;
	v6 =	vimm.f32 $-3.000000010e+38;
	s13 =	simm.s32 $0xA080;
	v7 =	vimm.f32 $3.000000000e+09;
	s10 =	sshra.s32 s10, $0x5  }
0x35c: {  	v8 =	vimm.f32 $3.000000000e+09;
	v9 =	vimm.f32 $3.000000000e+09;
	s14 =	simm.s32 $0x0;
	s15 =	simm.s32 $0x0;
	v5 =	vor.u32 $0x80000000, v4;
	p1 =	slt.s32 s10, $0x1  }
.LBB2_108:
0x35d: {  	v11 =	vsel vm1, v11, v13  }
0x35e: {  	v12 =	vsel vm1, s19, v12;
	vm1 =	vgt.f32 v10, v11  }
0x35f: {  	v12 =	vsel vm1, s17, v12  }
0x360: {  	v12 =	vshll.u32 v12, $0x4  }
0x361: {  	v10 =	vsel vm1, v10, v11;
	v11 =	vxor.u32 v5, v12  }
.LBB2_109:
0x362: {  	(xrf0) =	vmax.scan.msk.f32 $0xffff, v10;
	_ =	sdelay $0x5  }
0x363: {  	v12, _, _ =	vpop (xrf0)  }
0x364: {  	v12 =	vbroadcast v12, $0xF;
	_ =	sdelay $0x1  }
0x365: {  	vm1 =	veq.f32 v10, v12  }
0x366: {  	v10 =	vnsel vm1, $0xC0000000, v11  }
0x367: {  	(xrf0) =	vmin.scan.msk.u32 $0xffff, v10;
	_ =	sdelay $0x5  }
0x368: {  	v10, _, _ =	vpop (xrf0)  }
0x369: {  	(v2sf) =	vpush v10, $0xF;
	_ =	sdelay $0xe  }
0x36a: {  	s16 =	spop (v2sf)  }
0x36b: {  	s16 =	sxor.u32 $0x80000000, s16  }
0x36c: {  	v10 =	vmov s16;
	_ =	sdelay $0x4  }
0x36d: {  	[tilespmem:v10+s12+$0x0] =	vst.idx.msk $0x1, v3  }
0x36e: {  	v10 =	vld.idx.msk [tilespmem:v10+s13+$0x0], $0xffff;
	_ =	sdelay $0x4  }
0x36f: {  	v11 =	vshll.u32 v10, $0x2  }
0x370: {  	v13 =	vor.u32 $0x2, v11  }
0x371: {  	v14 =	vor.u32 $0x3, v11  }
0x372: {  	v15 =	vor.u32 $0x1, v11;
	_ =	sdelay $0x1  }
0x373: {  	v11 =	vld.idx.msk [tilespmem:v11+s11+$0x0], $0xffff  }
0x374: {  	v13 =	vld.idx.msk [tilespmem:v13+s11+$0x0], $0xffff  }
0x375: {  	v14 =	vld.idx.msk [tilespmem:v14+s11+$0x0], $0xffff  }
0x376: {  	v15 =	vld.idx.msk [tilespmem:v15+s11+$0x0], $0xffff;
	_ =	sdelay $0x2  }
0x377: {  	v19 =	vsub.f32 v7, v9;
	v11 =	vadd.f32 v11, v0  }
0x378: {  	v13 =	vadd.f32 v13, v0;
	v14 =	vadd.f32 v14, v0  }
0x379: {  	v20 =	vsub.f32 v1, v8;
	v15 =	vadd.f32 v15, v0  }
0x37a: {  	v17 =	vmax.f32 v9, v11;
	v16 =	vmin.f32 v7, v13;
	v18 =	vmin.f32 v1, v14  }
0x37b: {  	v21 =	vmax.f32 v8, v15;
	v22 =	vsub.f32 v13, v11;
	v23 =	vsub.f32 v14, v15  }
0x37c: {  	v16 =	vsub.f32 v16, v17;
	v59 =	vsub.f32 v18, v21  }
0x37d: {  	v60 =	vmul.f32 v20, v19;
	v61 =	vmul.f32 v23, v22  }
0x37e: {  	v16 =	vmax.f32 v16, $0.0e+00;
	v17 =	vmax.f32 v59, $0.0e+00  }
0x37f: {  	v16 =	vmul.f32 v17, v16;
	v62 =	vadd.f32 v61, v60;
	_ =	sdelay $0x1  }
0x380: {  	v17 =	vsub.f32 v62, v16;
	_ =	sdelay $0x1  }
0x381: {  	v17 =	vmax.f32 v17, $9.999999710e-10  }
0x382: {  	(erf) = vrcp.f32 v17;
	_ =	sdelay $0x8  }
0x383: {  	v17 =	vpop (erf)  }
0x384: {  	v16 =	vmul.f32 v17, v16;
	_ =	sdelay $0x1  }
0x385: {  	vm1 =	vgt.f32 v16, $5.000000000e-01  }
0x386: {  	v16 =	vmpcnt.ones.xlane vm1;
	_ =	sdelay $0x1  }
0x387: {  	(v2sf) =	vpush v16, $0x0;
	_ =	sdelay $0xe  }
0x388: {  	s31 =	spop (v2sf)  }
0x389: {  	s16 =	simm.s32 $0x1;
	p2 =	slt.s32 s31, $0x1  }
0x38a: {  	s15 =	sadd.s32 $0x1, s15;
	vm1 =	vmmov vm0;
	s16 =	simm.s32 @!p2 $0x0  }
0x38b: {  	v63 =	vmov s14;
	vm1 =	vmneg @p2 vm1;
	p2 =	sge.s32 s15, s9;
	s14 =	sadd.s32 s16, s14  }
0x38c: {  	p3 =	slt.u32 @!p2 s14, $0xF  }
0x38d: {  	p3 =	por p2, !p3  }
.Ltmp74:
0x38e: {  	_ = 	snop;
	(pc) =	sbr.rel @p3 .LBB2_110-.Ltmp74, $4  }
0x38f: {  	vm2 =	veq.s32 v63, v4  }
0x390: {  	vm1 =	vmand vm2, vm1  }
0x391: {  	v9 =	vsel vm1, v11, v9;
	v8 =	vsel vm1, v15, v8;
	v7 =	vsel vm1, v13, v7  }
0x392: {  	v1 =	vsel vm1, v14, v1;
	v2 =	vsel vm1, v10, v2;
	v6 =	vsel vm1, v12, v6  }
.LBB2_105:
.Ltmp75:
0x393: {  	(pc) =	sbr.rel @p1 .LBB2_109-.Ltmp75, $2  }
0x394: {  	_ =	sdelay $0x2  }
0x395: {  	v10 =	vimm.f32 $-3.000000010e+38;
	v11 =	vmov v5  }
0x396: {  	s17 =	simm.s32 $0xB510  }
0x397: {  	p2 =	sne.s32 s10, $0x1;
	v11 =	vld [tilespmem:s17+$0xFFFFFFF0]  }
.Ltmp76:
0x398: {  	_ = 	snop;
	(pc) =	sbr.rel @!p2 .LBB2_108-.Ltmp76, $3  }
0x399: {  	v10 =	vld [tilespmem:s17+$0x0];
	_ =	sdelay $0x1  }
0x39a: {  	s16 =	sadd.s32 $0xFFFFFFFF, s10  }
0x39b: {  	v12 =	vimm.s32 $0x0;
	s19 =	simm.s32 $0x0;
	s18 =	simm.s32 $0xB530;
	v13 =	vimm.f32 $-3.000000010e+38;
	s17 =	simm.s32 $0x1;
	vm1 =	vgt.f32 v11, v3  }
.LBB2_107:
0x39c: {  	p2 =	sne.s32 s16, $0x1;
	s16 =	sadd.s32 $0xFFFFFFFF, s16;
	v13 =	vsel vm1, v11, v13;
	v11 =	vld [tilespmem:s18+$0xFFFFFFF0];
	v12 =	vsel vm1, s19, v12  }
.Ltmp77:
0x39d: {  	vm1 =	vgt.f32 v10, v13;
	(pc) =	sbr.rel @p2 .LBB2_107-.Ltmp77, $3  }
0x39e: {  	v13 =	vsel vm1, v10, v13;
	v10 =	vld [tilespmem:s18+$0x0];
	v12 =	vsel vm1, s17, v12;
	_ =	sdelay $0x1  }
0x39f: {  	s17 =	sadd.s32 $0x2, s17  }
0x3a0: {  	s18 =	sadd.s32 $0x20, s18;
	s19 =	sadd.s32 $0xFFFFFFFF, s17;
	vm1 =	vgt.f32 v11, v13  }
.Ltmp78:
0x3a1: {  	_ = 	snop;
	(pc) =	sbr.rel .LBB2_108-.Ltmp78, $1  }
0x3a2: {  	_ =	sdelay $0x3  }
.LBB2_110:
.Ltmp79:
0x3a3: {  	(pc) =	sbr.rel .LBB2_111-.Ltmp79, $2  }
0x3a4: {  	_ =	sdelay $0x2  }
0x3a5: {  	v1 =	vpsel p2, v2, v2;
	v0 =	vpsel p2, v6, v6  }
.LBB2_103:
0x3a6: {  	v1 =	vimm.s32 $0x40000000  }
.LBB2_111:
0x3a7: {  	[tilespmem:$0xC9C0] =	vst v0  }
0x3a8: {  	[tilespmem:$0xCA40] =	vst v1;
	s9 =	simm.s32 $0xC980  }
0x3a9: {  	[spmem:s8] =	stream.linear.scatter [tilespmem:s9], [sflag:$0x4], $0x50, $0x38;
	[tilespmem:$0xD930] =	vst v63  }
0x3aa: {  	s8 =	simm.s32 $0x4  }
0x3ab: {  	_ =	swait.ge [sflag:s8], $0x50  }
0x3ac: {  	[sflag:s8] =	ssyncset.done $0x0  }
0x3ad: {  	s31 =	simm.s32 $0xCA00;
	[sflag:s8] =	ssyncadd.s32 $0xFFFFFFB0  }
0x3ae: {  	[spmem:s7] =	stream.linear.scatter [tilespmem:s31], [sflag:$0x4], $0x50, $0x38;
	[tilespmem:$0xD930] =	vst v63  }
.Ltmp80:
0x3af: {  	_ =	swait.ge [sflag:s8], $0x50;
	(pc) =	sbr.rel @p0 .LBB2_117-.Ltmp80, $3  }
0x3b0: {  	[sflag:s8] =	ssyncset.done $0x0  }
0x3b1: {  	[sflag:s8] =	ssyncadd.s32 $0xFFFFFFB0  }
0x3b2: {  	[bflag:$0x0] =	sbarrier.arrive $0xFFFF;
	_ =	sdelay $0x1  }
0x3b3: {  	s7 =	simm.s32 $0xCA80  }
0x3b4: {  	[tilespmem:s7], [sflag:$0x4] =	stream.linear.gather [spmem:s6], $0x500, $0x38;
	[tilespmem:$0xD930] =	vst v63  }
0x3b5: {  	_ =	swait.ge [sflag:s8], $0x500  }
0x3b6: {  	v0 =	vlaneseq.u32;
	[sflag:s8] =	ssyncset.done $0x0  }
0x3b7: {  	s6 =	simm.s32 $0xCF80;
	v3 =	vmul.u32 $0x10, v0;
	[sflag:s8] =	ssyncadd.s32 $0xFFFFFB00  }
0x3b8: {  	[tilespmem:s6], [sflag:$0x4] =	stream.linear.gather [spmem:s5], $0x500, $0x38;
	[tilespmem:$0xD930] =	vst v63  }
0x3b9: {  	_ =	swait.ge [sflag:s8], $0x500  }
0x3ba: {  	[sflag:s8] =	ssyncset.done $0x0  }
0x3bb: {  	v1 =	vimm.f32 $-3.000000010e+38;
	[sflag:s8] =	ssyncadd.s32 $0xFFFFFB00  }
0x3bc: {  	v2 =	vld [tilespmem:$0xCA90];
	[tilespmem:$0xCA90] =	vst v1  }
0x3bd: {  	v4 =	vld.idx.msk [tilespmem:v3+s7+$0x0], $0xffff;
	_ =	sdelay $0x4  }
0x3be: {  	[tilespmem:$0xD480] =	vst v4  }
0x3bf: {  	v4 =	vld.idx.msk [tilespmem:v3+s6+$0x0], $0xffff  }
0x3c0: {  	v5 =	vor.u32 $0x100, v3;
	_ =	sdelay $0x3  }
0x3c1: {  	[tilespmem:$0xD500] =	vst v4  }
0x3c2: {  	v4 =	vld.idx.msk [tilespmem:v5+s7+$0x0], $0xffff;
	_ =	sdelay $0x4  }
0x3c3: {  	[tilespmem:$0xD490] =	vst v4  }
0x3c4: {  	v4 =	vld.idx.msk [tilespmem:v5+s6+$0x0], $0xffff  }
0x3c5: {  	v5 =	vor.u32 $0x200, v3;
	_ =	sdelay $0x3  }
0x3c6: {  	[tilespmem:$0xD510] =	vst v4  }
0x3c7: {  	v4 =	vld.idx.msk [tilespmem:v5+s7+$0x0], $0xffff;
	_ =	sdelay $0x4  }
0x3c8: {  	[tilespmem:$0xD4A0] =	vst v4  }
0x3c9: {  	v4 =	vld.idx.msk [tilespmem:v5+s6+$0x0], $0xffff  }
0x3ca: {  	v5 =	vor.u32 $0x300, v3;
	_ =	sdelay $0x3  }
0x3cb: {  	[tilespmem:$0xD520] =	vst v4  }
0x3cc: {  	v4 =	vld.idx.msk [tilespmem:v5+s7+$0x0], $0xffff;
	_ =	sdelay $0x4  }
0x3cd: {  	[tilespmem:$0xD4B0] =	vst v4  }
0x3ce: {  	v4 =	vld.idx.msk [tilespmem:v5+s6+$0x0], $0xffff  }
0x3cf: {  	v3 =	vor.u32 $0x400, v3;
	_ =	sdelay $0x3  }
0x3d0: {  	[tilespmem:$0xD530] =	vst v4  }
0x3d1: {  	v4 =	vld.idx.msk [tilespmem:v3+s7+$0x0], $0xffff;
	_ =	sdelay $0x4  }
0x3d2: {  	v8 =	vimm.s32 $0x1;
	[tilespmem:$0xD4C0] =	vst v4  }
0x3d3: {  	v3 =	vld.idx.msk [tilespmem:v3+s6+$0x0], $0xffff;
	[tilespmem:$0xD590] =	vst v8  }
0x3d4: {  	[tilespmem:$0xD5A0] =	vst v8  }
0x3d5: {  	s9 =	simm.s32 $0xD480;
	[tilespmem:$0xD5B0] =	vst v8  }
0x3d6: {  	v6 =	vor.u32 $0x80000020, v0;
	v7 =	vor.u32 $0x80000030, v0;
	[tilespmem:$0xD5C0] =	vst v8  }
0x3d7: {  	s10 =	simm.s32 $0xD500;
	vm0 =	vmxor vm0, vm0;
	v9 =	vor.u32 $0x80000040, v0;
	s8 =	simm.s32 $0xD580;
	[tilespmem:$0xD580] =	vst v8  }
0x3d8: {  	s5 =	simm.s32 $0x0;
	v5 =	vor.u32 $0x80000010, v0;
	v4 =	vimm.s32 $0x40000000;
	v8 =	vor.u32 $0x80000000, v0;
	[tilespmem:$0xD540] =	vst v3;
	v3 =	vld [tilespmem:$0xCF90]  }
.LBB2_113:
0x3d9: {  	v10 =	vld [tilespmem:$0xD480]  }
0x3da: {  	v11 =	vld [tilespmem:$0xD500];
	_ =	sdelay $0x2  }
0x3db: {  	v12 =	vld [tilespmem:$0xD490]  }
0x3dc: {  	v13 =	vld [tilespmem:$0xD510]  }
0x3dd: {  	vm1 =	veq.f32 v10, $-3.000000010e+38;
	vm2 =	vlt.s32 v11, $0x40000000  }
0x3de: {  	vm3 =	vgt.f32 v10, $-3.000000010e+38;
	vm1 =	vmand vm1, vm2  }
0x3df: {  	v14 =	vld [tilespmem:$0xD4A0];
	vm1 =	vmor vm3, vm1  }
0x3e0: {  	v15 =	vld [tilespmem:$0xD520];
	v10 =	vnsel vm1, $0xFF61B1E6, v10;
	v11 =	vnsel vm1, $0x40000000, v11  }
0x3e1: {  	vm1 =	veq.f32 v12, v10;
	vm2 =	vlt.s32 v13, v11  }
0x3e2: {  	vm3 =	vgt.f32 v12, v10;
	vm1 =	vmand vm1, vm2  }
0x3e3: {  	v16 =	vld [tilespmem:$0xD4B0];
	vm1 =	vmor vm3, vm1  }
0x3e4: {  	v56 =	vld [tilespmem:$0xD530];
	v10 =	vsel vm1, v12, v10;
	v11 =	vsel vm1, v13, v11  }
0x3e5: {  	vm2 =	veq.f32 v14, v10;
	vm3 =	vlt.s32 v15, v11  }
0x3e6: {  	vm4 =	vgt.f32 v14, v10;
	vm2 =	vmand vm2, vm3  }
0x3e7: {  	v57 =	vld [tilespmem:$0xD4C0];
	vm2 =	vmor vm4, vm2  }
0x3e8: {  	v58 =	vld [tilespmem:$0xD540];
	v10 =	vsel vm2, v14, v10;
	v11 =	vsel vm2, v15, v11  }
0x3e9: {  	vm3 =	veq.f32 v16, v10;
	vm12 =	vlt.s32 v56, v11  }
0x3ea: {  	vm13 =	vgt.f32 v16, v10;
	vm3 =	vmand vm3, vm12  }
0x3eb: {  	vm3 =	vmor vm13, vm3  }
0x3ec: {  	v10 =	vsel vm3, v16, v10;
	v11 =	vsel vm3, v56, v11  }
0x3ed: {  	vm14 =	veq.f32 v57, v10;
	vm5 =	vlt.s32 v58, v11  }
0x3ee: {  	vm6 =	vgt.f32 v57, v10;
	vm4 =	vmand vm14, vm5  }
0x3ef: {  	vm4 =	vmor vm6, vm4  }
0x3f0: {  	v10 =	vsel vm4, v57, v10  }
0x3f1: {  	(xrf0) =	vmax.scan.msk.f32 $0xffff, v10;
	_ =	sdelay $0x5  }
0x3f2: {  	v59, _, _ =	vpop (xrf0)  }
0x3f3: {  	v60 =	vbroadcast v59, $0xF  }
0x3f4: {  	v11 =	vsel vm4, v58, v11  }
0x3f5: {  	vm15 =	veq.f32 v10, v60;
	v10 =	vxor.u32 $0x80000000, v11  }
0x3f6: {  	v10 =	vnsel vm15, $0xC0000000, v10  }
0x3f7: {  	(xrf0) =	vmin.scan.msk.u32 $0xffff, v10;
	_ =	sdelay $0x5  }
0x3f8: {  	(v2sf) =	vpush v59, $0xF;
	v10, _, _ =	vpop (xrf0)  }
0x3f9: {  	(v2sf) =	vpush v10, $0xF;
	_ =	sdelay $0xd  }
0x3fa: {  	s11 =	spop (v2sf)  }
0x3fb: {  	v10 =	vsel vm1, v5, v8;
	s12 =	spop (v2sf)  }
0x3fc: {  	v10 =	vsel vm2, v6, v10;
	s12 =	sxor.u32 $0x80000000, s12  }
0x3fd: {  	v10 =	vsel vm3, v7, v10;
	vm1 =	veq.s32 v11, s12  }
0x3fe: {  	v10 =	vsel vm4, v9, v10;
	vm1 =	vmand vm15, vm1  }
0x3ff: {  	v10 =	vnsel vm1, $0xC0000000, v10  }
0x400: {  	(xrf0) =	vmin.scan.msk.u32 $0xffff, v10;
	_ =	sdelay $0x5  }
0x401: {  	v10, _, _ =	vpop (xrf0)  }
0x402: {  	(v2sf) =	vpush v10, $0xF;
	_ =	sdelay $0xe  }
0x403: {  	s13 =	spop (v2sf)  }
0x404: {  	s13 =	sxor.u32 $0x80000000, s13  }
0x405: {  	v10 =	vmov s13;
	_ =	sdelay $0x4  }
0x406: {  	v11 =	vld.idx.msk [tilespmem:v10+s8+$0x0], $0xffff;
	_ =	sdelay $0x4  }
0x407: {  	vm1 =	vgt.s32 v11, $0xF  }
0x408: {  	v62 =	vshll.u32 v10, $0x4;
	v61 =	vsel vm1, $0xF, v11  }
0x409: {  	v12 =	vadd.s32 v61, v62;
	_ =	sdelay $0x2  }
0x40a: {  	v11 =	vadd.s32 $0x1, v11  }
0x40b: {  	[tilespmem:v10+s8+$0x0] =	vst.idx.msk $0x1, v11  }
0x40c: {  	p0 =	sgt.f32 s11, $-9.999999930e+36;
	v11 =	vld.idx.msk [tilespmem:v12+s7+$0x0], $0xffff  }
0x40d: {  	vm2 =	vmmov vm0  }
0x40e: {  	vm2 =	vmneg @p0 vm2;
	p0 =	sne.s32 s5, $0xE;
	v12 =	vld.idx.msk [tilespmem:v12+s6+$0x0], $0xffff  }
.Ltmp81:
0x40f: {  	_ = 	snop;
	(pc) =	sbr.rel @p0 .LBB2_113-.Ltmp81, $4  }
0x410: {  	v63 =	vmov s5  }
0x411: {  	vm3 =	veq.s32 v63, v0;
	v11 =	vsel vm1, $0xFF61B1E6, v11  }
0x412: {  	vm1 =	vmand vm3, vm2;
	[tilespmem:v10+s9+$0x0] =	vst.idx.msk $0x1, v11  }
0x413: {  	s5 =	sadd.s32 $0x1, s5;
	v1 =	vsel vm1, v60, v1;
	v4 =	vsel vm1, s12, v4;
	[tilespmem:v10+s10+$0x0] =	vst.idx.msk $0x1, v12  }
0x414: {  	[tilespmem:$0xD480] =	vst v2  }
0x415: {  	[tilespmem:$0xD500] =	vst v3  }
0x416: {  	[tilespmem:$0xD490] =	vst v1  }
0x417: {  	[tilespmem:$0xD510] =	vst v4;
	v0 =	vimm.f32 $0.0e+00  }
0x418: {  	[tilespmem:$0xD600] =	vst v0  }
0x419: {  	[tilespmem:$0xD610] =	vst v0  }
0x41a: {  	[tilespmem:$0xD620] =	vst v0  }
0x41b: {  	[tilespmem:$0xD630] =	vst v0  }
0x41c: {  	[tilespmem:$0xD640] =	vst v0  }
0x41d: {  	[tilespmem:$0xD650] =	vst v0  }
0x41e: {  	s5 =	simm.s32 $0x0;
	[tilespmem:$0xD660] =	vst v0  }
0x41f: {  	[tilespmem:$0xD670] =	vst v0;
	v1 =	vmov s5  }
0x420: {  	s6 =	simm.s32 $0x10;
	[tilespmem:$0xD680] =	vst v0  }
0x421: {  	[tilespmem:$0xD690] =	vst v0;
	v0 =	vimm.s32 $0xFFFFFFFF;
	v2 =	vmov s6  }
0x422: {  	[tilespmem:$0xD700] =	vst v0  }
0x423: {  	s6 =	simm.s32 $0xD500;
	[tilespmem:$0xD710] =	vst v0  }
0x424: {  	s7 =	simm.s32 $0xD480;
	v0 =	vld.idx.msk [tilespmem:v1+s6+$0x0], $0xffff  }
0x425: {  	v1 =	vld.idx.msk [tilespmem:v1+s7+$0x0], $0xffff  }
0x426: {  	v3 =	vld.idx.msk [tilespmem:v2+s7+$0x0], $0xffff  }
0x427: {  	v2 =	vld.idx.msk [tilespmem:v2+s6+$0x0], $0xffff;
	_ =	sdelay $0x1  }
0x428: {  	(v2sf) =	vpush v0, $0x0  }
0x429: {  	(v2sf) =	vpush v1, $0x0  }
0x42a: {  	(v2sf) =	vpush v3, $0x0  }
0x42b: {  	(v2sf) =	vpush v2, $0x0;
	_ =	sdelay $0xb  }
0x42c: {  	s8 =	spop (v2sf)  }
0x42d: {  	s9 =	spop (v2sf)  }
0x42e: {  	s10 =	spop (v2sf)  }
0x42f: {  	p0 =	seq.f32 s9, s10;
	s11 =	spop (v2sf)  }
0x430: {  	p1 =	slt.s32 s8, s11  }
0x431: {  	p2 =	sgt.f32 s9, s10;
	p0 =	por !p0, !p1  }
0x432: {  	p0 =	por !p0, !p0  }
0x433: {  	p0 =	por p2, p0  }
0x434: {  	v4 =	vpsel p0, v1, v3  }
0x435: {  	(v2sf) =	vpush v4, $0x0;
	_ =	sdelay $0xe  }
0x436: {  	s31 =	spop (v2sf)  }
0x437: {  	p1 =	sgt.f32 s31, $-9.999999930e+36  }
0x438: {  	v0 =	vpsel p0, v0, v2  }
0x439: {  	v1 =	vpsel !p1, $0x0, v0  }
0x43a: {  	v2 =	vshll.u32 v1, $0x2  }
0x43b: {  	v3 =	vor.u32 $0x1, v2  }
0x43c: {  	vm2 =	vmmov vm0;
	v5 =	vor.u32 $0x2, v2  }
0x43d: {  	vm1 =	vmmov $0x1;
	vm2 =	vmneg @p1 vm2;
	v6 =	vor.u32 $0x3, v2  }
0x43e: {  	v0 =	vmov s5;
	vm2 =	vmand vm2, vm1  }
0x43f: {  	v7 =	vshll.u32 v0, $0x2;
	v2 =	vld.idx.msk [tilespmem:v2+s5+$0x0], $0xffff  }
0x440: {  	s10 =	simm.s32 $0x1;
	v8 =	vor.u32 $0x1, v7;
	v3 =	vld.idx.msk [tilespmem:v3+s5+$0x0], $0xffff  }
0x441: {  	s10 =	simm.s32 @!p1 $0x0;
	v9 =	vor.u32 $0x2, v7;
	v5 =	vld.idx.msk [tilespmem:v5+s5+$0x0], $0xffff  }
0x442: {  	s11 =	smov.u32 s10;
	v10 =	vor.u32 $0x3, v7;
	v6 =	vld.idx.msk [tilespmem:v6+s5+$0x0], $0xffff  }
0x443: {  	s9 =	simm.s32 $0xD600;
	s8 =	simm.s32 $0x6300;
	s11 =	simm.s32 @!p0 $0x0  }
0x444: {  	s10 =	simm.s32 @p0 $0x0;
	s14 =	sadd.s32 $0x0, s11;
	v1 =	vld.idx.msk [tilespmem:v1+s8+$0x0], $0xffff;
	[tilespmem:v7+s9+$0x0] =	vst.idx.msk vm2, v2  }
0x445: {  	s13 =	sadd.s32 $0x0, s10;
	v2 =	vmov s14;
	[tilespmem:v8+s9+$0x0] =	vst.idx.msk vm2, v3  }
0x446: {  	s16 =	sadd.s32 $0x10, s13;
	[tilespmem:v9+s9+$0x0] =	vst.idx.msk vm2, v5  }
0x447: {  	s10 =	simm.s32 $0xD680;
	v3 =	vmov s16;
	[tilespmem:v10+s9+$0x0] =	vst.idx.msk vm2, v6  }
0x448: {  	s12 =	simm.s32 $0x1;
	s15 =	simm.s32 $0x2;
	s11 =	simm.s32 $0xD700;
	[tilespmem:v0+s10+$0x0] =	vst.idx.msk vm2, v4  }
.LBB2_115:
0x449: {  	p0 =	sne.s32 s15, $0x1D;
	[tilespmem:v0+s11+$0x0] =	vst.idx.msk vm2, v1;
	s16 =	smov.u32 s15;
	s15 =	sadd.s32 $0x1, s15  }
0x44a: {  	v0 =	vld.idx.msk [tilespmem:v2+s6+$0x0], $0xffff  }
0x44b: {  	v1 =	vld.idx.msk [tilespmem:v2+s7+$0x0], $0xffff  }
0x44c: {  	v2 =	vld.idx.msk [tilespmem:v3+s7+$0x0], $0xffff  }
0x44d: {  	v3 =	vld.idx.msk [tilespmem:v3+s6+$0x0], $0xffff;
	_ =	sdelay $0x2  }
0x44e: {  	(v2sf) =	vpush v0, $0x0  }
0x44f: {  	(v2sf) =	vpush v1, $0x0  }
0x450: {  	(v2sf) =	vpush v2, $0x0  }
0x451: {  	(v2sf) =	vpush v3, $0x0;
	_ =	sdelay $0xb  }
0x452: {  	s17 =	spop (v2sf)  }
0x453: {  	s18 =	spop (v2sf)  }
0x454: {  	s19 =	spop (v2sf)  }
0x455: {  	p1 =	seq.f32 s18, s19;
	s20 =	spop (v2sf)  }
0x456: {  	p2 =	sgt.f32 s18, s19;
	p3 =	slt.s32 s17, s20  }
0x457: {  	p1 =	por !p1, !p3  }
0x458: {  	p1 =	por !p1, !p1  }
0x459: {  	p1 =	por p2, p1  }
0x45a: {  	v4 =	vpsel p1, v1, v2;
	v0 =	vpsel p1, v0, v3  }
0x45b: {  	(v2sf) =	vpush v4, $0x0;
	_ =	sdelay $0xe  }
0x45c: {  	s17 =	spop (v2sf)  }
0x45d: {  	p2 =	sgt.f32 s17, $-9.999999930e+36  }
0x45e: {  	s17 =	simm.s32 $0x1  }
0x45f: {  	vm2 =	vmmov vm0;
	s17 =	simm.s32 @!p2 $0x0  }
0x460: {  	v1 =	vpsel !p2, $0x0, v0;
	vm2 =	vmneg @p2 vm2;
	s18 =	smov.u32 s17  }
0x461: {  	v2 =	vshll.u32 v1, $0x2;
	s17 =	simm.s32 @p1 $0x0;
	s18 =	simm.s32 @!p1 $0x0  }
0x462: {  	v3 =	vor.u32 $0x1, v2;
	v5 =	vor.u32 $0x2, v2;
	v6 =	vor.u32 $0x3, v2;
	s13 =	sadd.s32 s13, s17;
	s14 =	sadd.s32 s14, s18;
	_ =	sdelay $0x3  }
0x463: {  	v0 =	vmov s12;
	s12 =	smov.u32 s16;
	vm2 =	vmand vm2, vm1;
	v2 =	vld.idx.msk [tilespmem:v2+s5+$0x0], $0xffff  }
0x464: {  	v7 =	vshll.u32 v0, $0x2;
	v3 =	vld.idx.msk [tilespmem:v3+s5+$0x0], $0xffff  }
0x465: {  	v8 =	vor.u32 $0x1, v7;
	v5 =	vld.idx.msk [tilespmem:v5+s5+$0x0], $0xffff  }
0x466: {  	v9 =	vor.u32 $0x2, v7;
	v6 =	vld.idx.msk [tilespmem:v6+s5+$0x0], $0xffff  }
0x467: {  	v10 =	vor.u32 $0x3, v7  }
0x468: {  	v1 =	vld.idx.msk [tilespmem:v1+s8+$0x0], $0xffff  }
.Ltmp82:
0x469: {  	[tilespmem:v7+s9+$0x0] =	vst.idx.msk vm2, v2;
	(pc) =	sbr.rel @p0 .LBB2_115-.Ltmp82, $4  }
0x46a: {  	v2 =	vmov s14;
	[tilespmem:v8+s9+$0x0] =	vst.idx.msk vm2, v3  }
0x46b: {  	s16 =	sadd.s32 $0x10, s13;
	[tilespmem:v9+s9+$0x0] =	vst.idx.msk vm2, v5  }
0x46c: {  	v3 =	vmov s16;
	[tilespmem:v10+s9+$0x0] =	vst.idx.msk vm2, v6  }
0x46d: {  	[tilespmem:v0+s10+$0x0] =	vst.idx.msk vm2, v4  }
0x46e: {  	_ =	sdelay $0x4  }
0x46f: {  	[tilespmem:v0+s11+$0x0] =	vst.idx.msk vm2, v1  }
0x470: {  	v0 =	vld.idx.msk [tilespmem:v2+s6+$0x0], $0xffff  }
0x471: {  	v1 =	vld.idx.msk [tilespmem:v2+s7+$0x0], $0xffff  }
0x472: {  	v60 =	vld.idx.msk [tilespmem:v3+s7+$0x0], $0xffff  }
0x473: {  	v61 =	vld.idx.msk [tilespmem:v3+s6+$0x0], $0xffff;
	_ =	sdelay $0x1  }
0x474: {  	(v2sf) =	vpush v0, $0x0  }
0x475: {  	(v2sf) =	vpush v1, $0x0  }
0x476: {  	(v2sf) =	vpush v60, $0x0  }
0x477: {  	(v2sf) =	vpush v61, $0x0;
	_ =	sdelay $0xb  }
0x478: {  	s23 =	spop (v2sf)  }
0x479: {  	s24 =	spop (v2sf)  }
0x47a: {  	s13 =	spop (v2sf)  }
0x47b: {  	p0 =	seq.f32 s24, s13;
	s14 =	spop (v2sf)  }
0x47c: {  	p1 =	slt.s32 s23, s14  }
0x47d: {  	p2 =	sgt.f32 s24, s13;
	p0 =	por !p0, !p1  }
0x47e: {  	p0 =	por !p0, !p0  }
0x47f: {  	p0 =	por p2, p0  }
0x480: {  	v1 =	vpsel p0, v1, v60  }
0x481: {  	(v2sf) =	vpush v1, $0x0;
	_ =	sdelay $0xe  }
0x482: {  	s25 =	spop (v2sf)  }
0x483: {  	p1 =	sgt.f32 s25, $-9.999999930e+36  }
0x484: {  	v0 =	vpsel p0, v0, v61  }
0x485: {  	v0 =	vpsel !p1, $0x0, v0  }
0x486: {  	v62 =	vshll.u32 v0, $0x2  }
0x487: {  	v63 =	vor.u32 $0x1, v62  }
0x488: {  	v4 =	vor.u32 $0x2, v62  }
0x489: {  	vm0 =	vmneg @p1 vm0;
	v5 =	vor.u32 $0x3, v62  }
0x48a: {  	v6 =	vmov s12;
	vm0 =	vmand vm0, vm1  }
0x48b: {  	v7 =	vshll.u32 v6, $0x2;
	v2 =	vld.idx.msk [tilespmem:v62+s5+$0x0], $0xffff  }
0x48c: {  	v8 =	vor.u32 $0x1, v7;
	v3 =	vld.idx.msk [tilespmem:v63+s5+$0x0], $0xffff  }
0x48d: {  	v9 =	vor.u32 $0x2, v7;
	v4 =	vld.idx.msk [tilespmem:v4+s5+$0x0], $0xffff  }
0x48e: {  	v10 =	vor.u32 $0x3, v7;
	v5 =	vld.idx.msk [tilespmem:v5+s5+$0x0], $0xffff;
	_ =	sdelay $0x1  }
0x48f: {  	v0 =	vld.idx.msk [tilespmem:v0+s8+$0x0], $0xffff;
	[tilespmem:v7+s9+$0x0] =	vst.idx.msk vm0, v2  }
0x490: {  	[tilespmem:v8+s9+$0x0] =	vst.idx.msk vm0, v3  }
0x491: {  	[tilespmem:v9+s9+$0x0] =	vst.idx.msk vm0, v4  }
0x492: {  	[tilespmem:v10+s9+$0x0] =	vst.idx.msk vm0, v5  }
0x493: {  	[tilespmem:v6+s10+$0x0] =	vst.idx.msk vm0, v1  }
0x494: {  	s26 =	simm.s32 $0x0;
	s28 =	simm.s32 $0xD600;
	s29 =	simm.s32 $0x4;
	[tilespmem:v6+s11+$0x0] =	vst.idx.msk vm0, v0  }
0x495: {  	[hbm4b:s4+s26] =	stream.linear.scatter [tilespmem:s28], [sflag:$0x4], $0x80, $0x38;
	[tilespmem:$0xD930] =	vst v63  }
0x496: {  	_ =	swait.ge [sflag:s29], $0x80  }
0x497: {  	[sflag:s29] =	ssyncset.done $0x0  }
0x498: {  	s30 =	simm.s32 $0xD680;
	[sflag:s29] =	ssyncadd.s32 $0xFFFFFF80  }
0x499: {  	[hbm4b:s3+s26] =	stream.linear.scatter [tilespmem:s30], [sflag:$0x4], $0x80, $0x38;
	[tilespmem:$0xD930] =	vst v63  }
0x49a: {  	_ =	swait.ge [sflag:s29], $0x80  }
0x49b: {  	[sflag:s29] =	ssyncset.done $0x0  }
0x49c: {  	s31 =	simm.s32 $0xD700;
	[sflag:s29] =	ssyncadd.s32 $0xFFFFFF80  }
0x49d: {  	[hbm4b:s1+s26] =	stream.linear.scatter [tilespmem:s31], [sflag:$0x4], $0x80, $0x38;
	[tilespmem:$0xD930] =	vst v63  }
0x49e: {  	_ =	swait.ge [sflag:s29], $0x80  }
0x49f: {  	[sflag:s29] =	ssyncset.done $0x0  }
0x4a0: {  	[sflag:s29] =	ssyncadd.s32 $0xFFFFFF80  }
.LBB2_117:
0x4a1: {  	_ =	sfence.sel $0x180000  }
0x4a2: {  	[bflag:$0x0] =	sbarrier.arrive $0xFFFF  }
0x4a3: {  	p0 =	sne.s32 s2, $0x0;
	_ =	strace $0x90000047  }
0x4a4: {  	s0 =	sadd.s32 @!p0 $0x100000, s0;
	[bflag:$0x2] =	sbarrier.arrive $0xFFFF  }
0x4a5: {  	[sflag:s0] =	ssyncadd.tile.s32 @!p0 $0x1;
	_ =	shalt  }
.LBB2_7:
.Ltmp83:
0x4a6: {  	(pc) =	sbr.rel .LBB2_11-.Ltmp83, $2  }
0x4a7: {  	_ =	sdelay $0x2  }
0x4a8: {  	s18 =	simm.s32 $0x7780;
	s19 =	simm.s32 $0x0  }
.LBB2_28:
.Ltmp84:
0x4a9: {  	(pc) =	sbr.rel .LBB2_32-.Ltmp84, $2  }
0x4aa: {  	_ =	sdelay $0x2  }
0x4ab: {  	s17 =	simm.s32 $0x7780;
	s18 =	simm.s32 $0x0  }
.LBB2_49:
.Ltmp85:
0x4ac: {  	(pc) =	sbr.rel .LBB2_53-.Ltmp85, $2  }
0x4ad: {  	_ =	sdelay $0x2  }
0x4ae: {  	s16 =	simm.s32 $0x7780;
	s17 =	simm.s32 $0x0  }
.LBB2_70:
.Ltmp86:
0x4af: {  	(pc) =	sbr.rel .LBB2_74-.Ltmp86, $2  }
0x4b0: {  	_ =	sdelay $0x2  }
0x4b1: {  	s15 =	simm.s32 $0x7780;
	s16 =	simm.s32 $0x0  }
.LBB2_91:
.Ltmp87:
0x4b2: {  	(pc) =	sbr.rel .LBB2_95-.Ltmp87, $2  }
0x4b3: {  	_ =	sdelay $0x2  }
0x4b4: {  	s10 =	simm.s32 $0x7780;
	s13 =	simm.s32 $0x0  }
.LBB2_9:
.Ltmp88:
0x4b5: {  	(pc) =	sbr.rel .LBB2_11-.Ltmp88, $2  }
0x4b6: {  	_ =	sdelay $0x2  }
0x4b7: {  	s18 =	simm.s32 $0x7780;
	s19 =	simm.s32 $0x0  }
.LBB2_30:
.Ltmp89:
0x4b8: {  	(pc) =	sbr.rel .LBB2_32-.Ltmp89, $2  }
0x4b9: {  	_ =	sdelay $0x2  }
0x4ba: {  	s17 =	simm.s32 $0x7780;
	s18 =	simm.s32 $0x0  }
.LBB2_51:
.Ltmp90:
0x4bb: {  	(pc) =	sbr.rel .LBB2_53-.Ltmp90, $2  }
0x4bc: {  	_ =	sdelay $0x2  }
0x4bd: {  	s16 =	simm.s32 $0x7780;
	s17 =	simm.s32 $0x0  }
.LBB2_72:
.Ltmp91:
0x4be: {  	(pc) =	sbr.rel .LBB2_74-.Ltmp91, $2  }
0x4bf: {  	_ =	sdelay $0x2  }
0x4c0: {  	s15 =	simm.s32 $0x7780;
	s16 =	simm.s32 $0x0  }
.LBB2_93:
.Ltmp92:
0x4c1: {  	(pc) =	sbr.rel .LBB2_95-.Ltmp92, $2  }
0x4c2: {  	_ =	sdelay $0x2  }
0x4c3: {  	s10 =	simm.s32 $0x7780;
	s13 =	simm.s32 $0x0  }
.LBB2_13:
.Ltmp93:
0x4c4: {  	(pc) =	sbr.rel .LBB2_17-.Ltmp93, $2  }
0x4c5: {  	_ =	sdelay $0x2  }
0x4c6: {  	s19 =	simm.s32 $0xB500  }
.LBB2_34:
.Ltmp94:
0x4c7: {  	(pc) =	sbr.rel .LBB2_38-.Ltmp94, $2  }
0x4c8: {  	_ =	sdelay $0x2  }
0x4c9: {  	s18 =	simm.s32 $0xB500  }
.LBB2_55:
.Ltmp95:
0x4ca: {  	(pc) =	sbr.rel .LBB2_59-.Ltmp95, $2  }
0x4cb: {  	_ =	sdelay $0x2  }
0x4cc: {  	s17 =	simm.s32 $0xB500  }
.LBB2_76:
.Ltmp96:
0x4cd: {  	(pc) =	sbr.rel .LBB2_80-.Ltmp96, $2  }
0x4ce: {  	_ =	sdelay $0x2  }
0x4cf: {  	s16 =	simm.s32 $0xB500  }
.LBB2_97:
.Ltmp97:
0x4d0: {  	(pc) =	sbr.rel .LBB2_101-.Ltmp97, $2  }
0x4d1: {  	_ =	sdelay $0x2  }
0x4d2: {  	s13 =	simm.s32 $0xB500  }
.LBB2_15:
.Ltmp98:
0x4d3: {  	(pc) =	sbr.rel .LBB2_17-.Ltmp98, $2  }
0x4d4: {  	_ =	sdelay $0x2  }
0x4d5: {  	s19 =	simm.s32 $0xB500  }
.LBB2_36:
.Ltmp99:
0x4d6: {  	(pc) =	sbr.rel .LBB2_38-.Ltmp99, $2  }
0x4d7: {  	_ =	sdelay $0x2  }
0x4d8: {  	s18 =	simm.s32 $0xB500  }
.LBB2_57:
.Ltmp100:
0x4d9: {  	(pc) =	sbr.rel .LBB2_59-.Ltmp100, $2  }
0x4da: {  	_ =	sdelay $0x2  }
0x4db: {  	s17 =	simm.s32 $0xB500  }
.LBB2_78:
.Ltmp101:
0x4dc: {  	(pc) =	sbr.rel .LBB2_80-.Ltmp101, $2  }
0x4dd: {  	_ =	sdelay $0x2  }
0x4de: {  	s16 =	simm.s32 $0xB500  }
.LBB2_99:
.Ltmp102:
0x4df: {  	(pc) =	sbr.rel .LBB2_101-.Ltmp102, $2  }
0x4e0: {  	_ =	sdelay $0x2  }
0x4e1: {  	s13 =	simm.s32 $0xB500  }
.Lfunc_end2:
_tile_overlayer_lowered:
.L_overlay_start_2:
0x4e2: {  	(tag) =	ssettag $0x2  }
0x4e3: {  	s0 =	rddreg [dreg:$0x0];
	s2 =	stileid.u32  }
0x4e4: {  	s1 =	rddreg [dreg:$0x1];
	p0 =	sne.s32 s2, $0x0  }
0x4e5: {  	s3 =	rddreg [dreg:$0x2];
	[bflag:$0x3] =	sbarrier.arrive $0xFFFF;
	s2 =	simm.s32 @!p0 $0x1C04  }
0x4e6: {  	[timem:s3], [sflag:s2] =	dma.local @!p0 [hbm:s0], s1  }
0x4e7: {  	s0 =	simm.s32 @!p0 $0x4  }
0x4e8: {  	_ =	swait.ge @!p0 [sflag:s0], s1  }
0x4e9: {  	s1 =	ssub.s32 @!p0 $0x0, s1;
	[sflag:s0] =	ssyncset.done @!p0 $0x0  }
0x4ea: {  	[sflag:s0] =	ssyncadd.s32 @!p0 s1  }
0x4eb: {  	[bflag:$0x3] =	sbarrier.arrive $0xFFFF  }
0x4ec: {  	_ =	shalt  }

</sc_bundles>
